<compile_context>
chip_gen: v7x
topology: tpu7x:2x2x1
jax: 0.10.2.dev20260603
libtpu: 0.0.44.dev20260713+nightly
codegen_flags: <defaults>
</compile_context>

<pallas_src>
import functools

import jax
import jax.numpy as jnp
from jax import lax
from jax.experimental import pallas as pl
from jax.experimental.pallas import tpu as pltpu
from jax.experimental.pallas import tpu_sc as plsc

NC, NS = 2, 16
NW = NC * NS
BLK = 2000


def _sc_aggregate(hs, srcx, dstx, C=10000):
    NP, F = hs.shape
    NPF = NP * F
    EF = srcx.shape[0]
    per_w = EF // NS
    n_chunks = per_w // C
    ws = NPF // NS
    hs1 = hs.reshape(NPF)
    zeros1 = jnp.zeros((NPF,), jnp.float32)

    mesh = plsc.VectorSubcoreMesh(core_axis_name="c", subcore_axis_name="s",
                                  num_cores=1)

    @functools.partial(
        pl.kernel,
        out_type=jax.ShapeDtypeStruct((NPF,), jnp.float32),
        mesh=mesh,
        compiler_params=pltpu.CompilerParams(use_tc_tiling_on_sc=False),
        scratch_types=[
            pltpu.VMEM((C,), jnp.int32),
            pltpu.VMEM((C,), jnp.int32),
            pltpu.VMEM((C,), jnp.int32),
            pltpu.VMEM((C,), jnp.int32),
            pltpu.VMEM((C,), jnp.float32),
            pltpu.VMEM((C,), jnp.float32),
            pltpu.VMEM_SHARED((NPF,), jnp.float32),
            pltpu.VMEM_SHARED((NPF,), jnp.float32),
            pltpu.SemaphoreType.DMA,
            pltpu.SemaphoreType.DMA,
            pltpu.SemaphoreType.DMA,
            pltpu.SemaphoreType.DMA,
        ],
    )
    def agg(hs_hbm, srcx_hbm, dstx_hbm, z_hbm, out_hbm, srcA_v, dstA_v,
            srcB_v, dstB_v, valsA_v, valsB_v, hs_sh, acc_sh,
            sidxA, sidxB, sgA, sgB):
        sid = lax.axis_index("s")
        w0 = sid * ws
        pltpu.sync_copy(z_hbm.at[pl.ds(w0, ws)], acc_sh.at[pl.ds(w0, ws)])
        pltpu.sync_copy(hs_hbm.at[pl.ds(w0, ws)], hs_sh.at[pl.ds(w0, ws)])
        plsc.subcore_barrier()
        base = sid * per_w
        half = n_chunks // 2

        pltpu.make_async_copy(srcx_hbm.at[pl.ds(base, C)], srcA_v,
                              sidxA).start()
        pltpu.make_async_copy(dstx_hbm.at[pl.ds(base, C)], dstA_v,
                              sidxA).start()

        def body(j, carry):
            a = base + (2 * j) * C
            b = base + (2 * j + 1) * C
            pltpu.make_async_copy(srcx_hbm.at[pl.ds(a, C)], srcA_v,
                                  sidxA).wait()
            pltpu.make_async_copy(dstx_hbm.at[pl.ds(a, C)], dstA_v,
                                  sidxA).wait()
            pltpu.make_async_copy(hs_sh.at[srcA_v], valsA_v, sgA).start()

            @pl.when(j > 0)
            def _():
                pltpu.make_async_copy(hs_sh.at[srcB_v], valsB_v, sgB).wait()
                pltpu.sync_copy(valsB_v, acc_sh.at[dstB_v], add=True)

            pltpu.make_async_copy(srcx_hbm.at[pl.ds(b, C)], srcB_v,
                                  sidxB).start()
            pltpu.make_async_copy(dstx_hbm.at[pl.ds(b, C)], dstB_v,
                                  sidxB).start()
            pltpu.make_async_copy(srcx_hbm.at[pl.ds(b, C)], srcB_v,
                                  sidxB).wait()
            pltpu.make_async_copy(dstx_hbm.at[pl.ds(b, C)], dstB_v,
                                  sidxB).wait()
            pltpu.make_async_copy(hs_sh.at[srcB_v], valsB_v, sgB).start()

            pltpu.make_async_copy(hs_sh.at[srcA_v], valsA_v, sgA).wait()
            pltpu.sync_copy(valsA_v, acc_sh.at[dstA_v], add=True)

            @pl.when(j + 1 < half)
            def _():
                c0 = base + (2 * j + 2) * C
                pltpu.make_async_copy(srcx_hbm.at[pl.ds(c0, C)], srcA_v,
                                      sidxA).start()
                pltpu.make_async_copy(dstx_hbm.at[pl.ds(c0, C)], dstA_v,
                                      sidxA).start()

            return carry

        lax.fori_loop(0, half, body, 0)
        pltpu.make_async_copy(hs_sh.at[srcB_v], valsB_v, sgB).wait()
        pltpu.sync_copy(valsB_v, acc_sh.at[dstB_v], add=True)
        plsc.subcore_barrier()
        pltpu.sync_copy(acc_sh.at[pl.ds(w0, ws)], out_hbm.at[pl.ds(w0, ws)])

    return agg(hs1, srcx, dstx, zeros1).reshape(NP, F)


def _expand_idx(idx, F):
    E = idx.shape[0]
    return (jnp.repeat(idx * F, F)
            + (jnp.arange(E * F, dtype=jnp.int32) & (F - 1)))


def _tc_prep(degP, x, NP):
    N, F = x.shape
    nb = N // BLK

    def body(degp_ref, x_ref, dis_ref, xs_ref):
        deg = degp_ref[...] + 1.0
        dis = lax.rsqrt(deg)
        dis_ref[...] = dis
        xs_ref[...] = dis * x_ref[...]

    return pl.pallas_call(
        body,
        grid=(nb,),
        in_specs=[
            pl.BlockSpec((BLK, 1), lambda i: (i, 0)),
            pl.BlockSpec((BLK, F), lambda i: (i, 0)),
        ],
        out_specs=[
            pl.BlockSpec((BLK, 1), lambda i: (i, 0)),
            pl.BlockSpec((BLK, F), lambda i: (i, 0)),
        ],
        out_shape=[
            jax.ShapeDtypeStruct((N, 1), jnp.float32),
            jax.ShapeDtypeStruct((NP, F), jnp.float32),
        ],
    )(degP, x)


def _tc_layer1(S1, xs, dis, W1, b1, g1, be1, W2, NP):
    N = dis.shape[0]
    nb = N // BLK
    Fm = W1.shape[1]
    Fo = W2.shape[1]

    def body(sp_ref, xs_ref, dis_ref, W1_ref, b1_ref, g1_ref, be1_ref,
             W2_ref, outa_ref, outb_ref, s_ref):
        p = pl.program_id(0)
        i = pl.program_id(1)
        dis = dis_ref[...]
        agg = dis * (sp_ref[...] + xs_ref[...])
        pre = jnp.dot(agg, W1_ref[...],
                      preferred_element_type=jnp.float32) + b1_ref[...]

        @pl.when((p == 0) & (i == 0))
        def _():
            s_ref[...] = jnp.zeros_like(s_ref)

        @pl.when(p == 0)
        def _():
            s_ref[0:1, 0:Fm] += jnp.sum(pre, axis=0, keepdims=True)
            s_ref[1:2, 0:Fm] += jnp.sum(pre * pre, axis=0, keepdims=True)

        @pl.when(p == 1)
        def _():
            n = jnp.float32(N)
            mean = s_ref[0:1, 0:Fm] / n
            var = s_ref[1:2, 0:Fm] / n - mean * mean
            k = lax.rsqrt(var + 1e-5)
            h = jnp.maximum((pre - mean) * (k * g1_ref[...]) + be1_ref[...],
                            0.0)
            hw = dis * jnp.dot(h, W2_ref[...],
                               preferred_element_type=jnp.float32)
            outa_ref[...] = hw[:, 0:4]
            outb_ref[...] = hw[:, 4:8]

    return pl.pallas_call(
        body,
        grid=(2, nb),
        in_specs=[
            pl.BlockSpec((BLK, 4), lambda p, i: (i, 0)),
            pl.BlockSpec((BLK, 4), lambda p, i: (i, 0)),
            pl.BlockSpec((BLK, 1), lambda p, i: (i, 0)),
            pl.BlockSpec((4, Fm), lambda p, i: (0, 0)),
            pl.BlockSpec((1, Fm), lambda p, i: (0, 0)),
            pl.BlockSpec((1, Fm), lambda p, i: (0, 0)),
            pl.BlockSpec((1, Fm), lambda p, i: (0, 0)),
            pl.BlockSpec((Fm, Fo), lambda p, i: (0, 0)),
        ],
        out_specs=[
            pl.BlockSpec((BLK, 4), lambda p, i: (i, 0)),
            pl.BlockSpec((BLK, 4), lambda p, i: (i, 0)),
        ],
        out_shape=[
            jax.ShapeDtypeStruct((NP, 4), jnp.float32),
            jax.ShapeDtypeStruct((NP, 4), jnp.float32),
        ],
        scratch_shapes=[pltpu.VMEM((8, 128), jnp.float32)],
    )(S1, xs, dis, W1, b1.reshape(1, -1), g1.reshape(1, -1),
      be1.reshape(1, -1), W2)


def _tc_layer2(S2a, S2b, hs2a, hs2b, dis, b2, g2, be2, W3p, NP):
    Fm = 8
    N = dis.shape[0]
    nb = N // BLK
    Fo = W3p.shape[1]

    def body(spa_ref, spb_ref, hsa_ref, hsb_ref, dis_ref, b2_ref, g2_ref,
             be2_ref, W3_ref, out_ref, s_ref):
        p = pl.program_id(0)
        i = pl.program_id(1)
        dis = dis_ref[...]
        pre = jnp.concatenate(
            [dis * (spa_ref[...] + hsa_ref[...]),
             dis * (spb_ref[...] + hsb_ref[...])], axis=1) + b2_ref[...]

        @pl.when((p == 0) & (i == 0))
        def _():
            s_ref[...] = jnp.zeros_like(s_ref)

        @pl.when(p == 0)
        def _():
            s_ref[0:1, 0:Fm] += jnp.sum(pre, axis=0, keepdims=True)
            s_ref[1:2, 0:Fm] += jnp.sum(pre * pre, axis=0, keepdims=True)

        @pl.when(p == 1)
        def _():
            n = jnp.float32(N)
            mean = s_ref[0:1, 0:Fm] / n
            var = s_ref[1:2, 0:Fm] / n - mean * mean
            k = lax.rsqrt(var + 1e-5)
            h = jnp.maximum((pre - mean) * (k * g2_ref[...]) + be2_ref[...],
                            0.0)
            out_ref[...] = dis * jnp.dot(h, W3_ref[...],
                                         preferred_element_type=jnp.float32)

    return pl.pallas_call(
        body,
        grid=(2, nb),
        in_specs=[
            pl.BlockSpec((BLK, 4), lambda p, i: (i, 0)),
            pl.BlockSpec((BLK, 4), lambda p, i: (i, 0)),
            pl.BlockSpec((BLK, 4), lambda p, i: (i, 0)),
            pl.BlockSpec((BLK, 4), lambda p, i: (i, 0)),
            pl.BlockSpec((BLK, 1), lambda p, i: (i, 0)),
            pl.BlockSpec((1, Fm), lambda p, i: (0, 0)),
            pl.BlockSpec((1, Fm), lambda p, i: (0, 0)),
            pl.BlockSpec((1, Fm), lambda p, i: (0, 0)),
            pl.BlockSpec((Fm, Fo), lambda p, i: (0, 0)),
        ],
        out_specs=pl.BlockSpec((BLK, Fo), lambda p, i: (i, 0)),
        out_shape=jax.ShapeDtypeStruct((NP, Fo), jnp.float32),
        scratch_shapes=[pltpu.VMEM((8, 128), jnp.float32)],
    )(S2a, S2b, hs2a, hs2b, dis, b2.reshape(1, -1), g2.reshape(1, -1),
      be2.reshape(1, -1), W3p)


def _tc_layer3(S3, hs3, dis, b3):
    N = dis.shape[0]
    nb = N // BLK

    def body(sp_ref, hs_ref, dis_ref, b3_ref, out_ref):
        pre = (dis_ref[...] * (sp_ref[:, 0:3] + hs_ref[:, 0:3])
               + b3_ref[...])
        m = jnp.max(pre, axis=1, keepdims=True)
        e = jnp.exp(pre - m)
        s = jnp.sum(e, axis=1, keepdims=True)
        out_ref[...] = pre - m - jnp.log(s)

    return pl.pallas_call(
        body,
        grid=(nb,),
        in_specs=[
            pl.BlockSpec((BLK, 4), lambda i: (i, 0)),
            pl.BlockSpec((BLK, 4), lambda i: (i, 0)),
            pl.BlockSpec((BLK, 1), lambda i: (i, 0)),
            pl.BlockSpec((1, 3), lambda i: (0, 0)),
        ],
        out_specs=pl.BlockSpec((BLK, 3), lambda i: (i, 0)),
        out_shape=jax.ShapeDtypeStruct((N, 3), jnp.float32),
    )(S3, hs3, dis, b3.reshape(1, -1))


def kernel(x, edge_index, W1, b1, g1, be1, W2, b2, g2, be2, W3, b3):
    N = x.shape[0]
    NP = -(-N // 512) * 512
    src = edge_index[0]
    dst = edge_index[1]

    srcx4 = _expand_idx(src, 4)
    dstx4 = _expand_idx(dst, 4)

    onesNP = jnp.ones((NP, 1), jnp.float32)
    degS = _sc_aggregate(onesNP, dst, dst, C=10000)
    dis, xs = _tc_prep(degS, x, NP)
    S1 = _sc_aggregate(xs, srcx4, dstx4)
    hs2a, hs2b = _tc_layer1(S1, xs, dis, W1, b1, g1, be1, W2, NP)
    S2a = _sc_aggregate(hs2a, srcx4, dstx4)
    S2b = _sc_aggregate(hs2b, srcx4, dstx4)
    W3p = jnp.pad(W3, ((0, 0), (0, 1)))
    hs3 = _tc_layer2(S2a, S2b, hs2a, hs2b, dis, b2, g2, be2, W3p, NP)
    S3 = _sc_aggregate(hs3, srcx4, dstx4)
    return _tc_layer3(S3, hs3, dis, b3)

# --- scband reference (transcript-rebuilt; emitter-appended) ---
"""Pipeline reference for scband-gcn-50895362457962 (READ-ONLY COPY).

The authoritative reference and input builder live on the scoring server;
editing this copy changes nothing except your own understanding.
"""

import jax, jax.numpy as jnp
import numpy as np


def gcn_conv(x, W, b, src, dst, N):
    h = x @ W
    ones = jnp.ones(src.shape[0], dtype=x.dtype)
    deg = jax.ops.segment_sum(ones, dst, num_segments=N)
    dis = jnp.where(deg > 0, jax.lax.rsqrt(jnp.maximum(deg, 1e-12)), 0.0)
    norm = dis[src] * dis[dst]
    msg = h[src] * norm[:, None]
    out = jax.ops.segment_sum(msg, dst, num_segments=N)
    return out + b


def batchnorm(x, g, b, eps=1e-5):
    m = jnp.mean(x, axis=0)
    v = jnp.var(x, axis=0)
    return (x - m) * jax.lax.rsqrt(v + eps) * g + b


def setup_inputs(seed: int = 0):
    key = jax.random.key(seed)
    ks = jax.random.split(key, 12)
    N, E = 100000, 3200000
    x = jax.random.normal(ks[0], (N, 4), dtype=jnp.float32)
    edge_index = jax.random.randint(ks[1], (2, E), 0, N, dtype=jnp.int32)
    W1 = jax.random.normal(ks[2], (4, 16), dtype=jnp.float32) * 0.5
    b1 = jnp.zeros((16,), dtype=jnp.float32)
    g1 = jnp.ones((16,), dtype=jnp.float32)
    be1 = jnp.zeros((16,), dtype=jnp.float32)
    W2 = jax.random.normal(ks[3], (16, 8), dtype=jnp.float32) * 0.25
    b2 = jnp.zeros((8,), dtype=jnp.float32)
    g2 = jnp.ones((8,), dtype=jnp.float32)
    be2 = jnp.zeros((8,), dtype=jnp.float32)
    W3 = jax.random.normal(ks[4], (8, 3), dtype=jnp.float32) * 0.35
    b3 = jnp.zeros((3,), dtype=jnp.float32)
    return {"x": x, "edge_index": edge_index, "W1": W1, "b1": b1, "g1": g1, "be1": be1, "W2": W2, "b2": b2, "g2": g2, "be2": be2, "W3": W3, "b3": b3}


def reference(x, edge_index, W1, b1, g1, be1, W2, b2, g2, be2, W3, b3):
    N = x.shape[0]
    loop = jnp.arange(N, dtype=edge_index.dtype)
    src = jnp.concatenate([edge_index[0], loop])
    dst = jnp.concatenate([edge_index[1], loop])
    h = jax.nn.relu(batchnorm(gcn_conv(x, W1, b1, src, dst, N), g1, be1))
    # dropout p=0.4 is a no-op in eval mode (deterministic reference)
    h = jax.nn.relu(batchnorm(gcn_conv(h, W2, b2, src, dst, N), g2, be2))
    h = gcn_conv(h, W3, b3, src, dst, N)
    return jax.nn.log_softmax(h, axis=1)

if __name__ == "__main__":
    import jax
    _d = setup_inputs()
    print(jax.jit(kernel)(*tuple(_d.values())))

</pallas_src>

<mosaic_0001>
#map = affine_map<(d0, d1) -> (0)>
module attributes {stable_mosaic.version = 14 : i64} {
  func.func @agg(%arg0: i32, %arg1: i32, %arg2: memref<401408xf32, #tpu.memory_space<hbm>>, %arg3: memref<12800000xi32, #tpu.memory_space<hbm>>, %arg4: memref<12800000xi32, #tpu.memory_space<hbm>>, %arg5: memref<401408xf32, #tpu.memory_space<hbm>>, %arg6: memref<401408xf32, #tpu.memory_space<hbm>>, %arg7: memref<10000xi32, #tpu.memory_space<vmem>>, %arg8: memref<10000xi32, #tpu.memory_space<vmem>>, %arg9: memref<10000xi32, #tpu.memory_space<vmem>>, %arg10: memref<10000xi32, #tpu.memory_space<vmem>>, %arg11: memref<10000xf32, #tpu.memory_space<vmem>>, %arg12: memref<10000xf32, #tpu.memory_space<vmem>>, %arg13: memref<401408xf32, #tpu.memory_space<vmem_shared>>, %arg14: memref<401408xf32, #tpu.memory_space<vmem_shared>>, %arg15: memref<!tpu.dma_semaphore, #tpu.memory_space<semaphore_mem>>, %arg16: memref<!tpu.dma_semaphore, #tpu.memory_space<semaphore_mem>>, %arg17: memref<!tpu.dma_semaphore, #tpu.memory_space<semaphore_mem>>, %arg18: memref<!tpu.dma_semaphore, #tpu.memory_space<semaphore_mem>>) attributes {dimension_semantics = [#tpu.dimension_semantics<core_parallel>, #tpu.dimension_semantics<subcore_parallel>], iteration_bounds = array<i64: 1, 16>, scalar_prefetch = 0 : i64, scratch_operands = 12 : i64, tpu.core_type = #tpu.core_type<sc_vector_subcore>, window_params = [{transform_indices = #map}, {transform_indices = #map}, {transform_indices = #map}, {transform_indices = #map}, {transform_indices = #map}]} {
    %mul3A = arith.constant 25088 : i32
    %mul3A_0 = arith.muli %arg1, %mul3A : i32
    "tpu.region"() ({
      %run_scoped3A = tpu.sem_alloc : memref<!tpu.dma_semaphore, #tpu.memory_space<semaphore_mem>>
      %dma_start3A_13 = tpu.memref_slice %arg14[%mul3A_0] : memref<401408xf32, #tpu.memory_space<vmem_shared>> -> memref<25088xf32, #tpu.memory_space<vmem_shared>>
      %dma_start3A_14 = tpu.memref_slice %arg5[%mul3A_0] : memref<401408xf32, #tpu.memory_space<hbm>> -> memref<25088xf32, #tpu.memory_space<hbm>>
      tpu.enqueue_dma source(%dma_start3A_14 : memref<25088xf32, #tpu.memory_space<hbm>>) target(%dma_start3A_13 : memref<25088xf32, #tpu.memory_space<vmem_shared>>) target_semaphore(%run_scoped3A : memref<!tpu.dma_semaphore, #tpu.memory_space<semaphore_mem>>)
      %dma_wait3A_15 = tpu.memref_slice %arg14[%mul3A_0] : memref<401408xf32, #tpu.memory_space<vmem_shared>> -> memref<25088xf32, #tpu.memory_space<vmem_shared>>
      %dma_wait3A_16 = tpu.memref_slice %arg5[%mul3A_0] : memref<401408xf32, #tpu.memory_space<hbm>> -> memref<25088xf32, #tpu.memory_space<hbm>>
      tpu.wait_dma2 semaphore(%run_scoped3A : memref<!tpu.dma_semaphore, #tpu.memory_space<semaphore_mem>>) src(%dma_wait3A_16 : memref<25088xf32, #tpu.memory_space<hbm>>) dst(%dma_wait3A_15 : memref<25088xf32, #tpu.memory_space<vmem_shared>>)
      tpu.yield
    }) : () -> ()
    "tpu.region"() ({
      %run_scoped3A = tpu.sem_alloc : memref<!tpu.dma_semaphore, #tpu.memory_space<semaphore_mem>>
      %dma_start3A_13 = tpu.memref_slice %arg13[%mul3A_0] : memref<401408xf32, #tpu.memory_space<vmem_shared>> -> memref<25088xf32, #tpu.memory_space<vmem_shared>>
      %dma_start3A_14 = tpu.memref_slice %arg2[%mul3A_0] : memref<401408xf32, #tpu.memory_space<hbm>> -> memref<25088xf32, #tpu.memory_space<hbm>>
      tpu.enqueue_dma source(%dma_start3A_14 : memref<25088xf32, #tpu.memory_space<hbm>>) target(%dma_start3A_13 : memref<25088xf32, #tpu.memory_space<vmem_shared>>) target_semaphore(%run_scoped3A : memref<!tpu.dma_semaphore, #tpu.memory_space<semaphore_mem>>)
      %dma_wait3A_15 = tpu.memref_slice %arg13[%mul3A_0] : memref<401408xf32, #tpu.memory_space<vmem_shared>> -> memref<25088xf32, #tpu.memory_space<vmem_shared>>
      %dma_wait3A_16 = tpu.memref_slice %arg2[%mul3A_0] : memref<401408xf32, #tpu.memory_space<hbm>> -> memref<25088xf32, #tpu.memory_space<hbm>>
      tpu.wait_dma2 semaphore(%run_scoped3A : memref<!tpu.dma_semaphore, #tpu.memory_space<semaphore_mem>>) src(%dma_wait3A_16 : memref<25088xf32, #tpu.memory_space<hbm>>) dst(%dma_wait3A_15 : memref<25088xf32, #tpu.memory_space<vmem_shared>>)
      tpu.yield
    }) : () -> ()
    %barrier3A = arith.constant 0 : index
    tpu.barrier barrier_id(%barrier3A)
    %mul3A_1 = arith.constant 800000 : i32
    %mul3A_2 = arith.muli %arg1, %mul3A_1 : i32
    %dma_start3A = tpu.memref_slice %arg3[%mul3A_2] : memref<12800000xi32, #tpu.memory_space<hbm>> -> memref<10000xi32, #tpu.memory_space<hbm>>
    %dma_start3A_3 = tpu.memref_slice %arg3[%mul3A_2] : memref<12800000xi32, #tpu.memory_space<hbm>> -> memref<10000xi32, #tpu.memory_space<hbm>>
    tpu.enqueue_dma source(%dma_start3A_3 : memref<10000xi32, #tpu.memory_space<hbm>>) target(%arg7 : memref<10000xi32, #tpu.memory_space<vmem>>) target_semaphore(%arg15 : memref<!tpu.dma_semaphore, #tpu.memory_space<semaphore_mem>>)
    %dma_start3A_4 = tpu.memref_slice %arg4[%mul3A_2] : memref<12800000xi32, #tpu.memory_space<hbm>> -> memref<10000xi32, #tpu.memory_space<hbm>>
    %dma_start3A_5 = tpu.memref_slice %arg4[%mul3A_2] : memref<12800000xi32, #tpu.memory_space<hbm>> -> memref<10000xi32, #tpu.memory_space<hbm>>
    tpu.enqueue_dma source(%dma_start3A_5 : memref<10000xi32, #tpu.memory_space<hbm>>) target(%arg8 : memref<10000xi32, #tpu.memory_space<vmem>>) target_semaphore(%arg15 : memref<!tpu.dma_semaphore, #tpu.memory_space<semaphore_mem>>)
    %scan3A = arith.constant 0 : i32
    %scan3A_6 = arith.constant 0 : i32
    %scan3A_7 = arith.constant 40 : i32
    %scan3A_8 = arith.addi %scan3A_6, %scan3A_7 : i32
    %scan3A_9 = arith.constant 1 : i32
    scf.for %scan3A_13 = %scan3A_6 to %scan3A_8 step %scan3A_9  : i32 {
      %mul3A_14 = arith.constant 2 : i32
      %mul3A_15 = arith.muli %mul3A_14, %scan3A_13 : i32
      %mul3A_16 = arith.constant 10000 : i32
      %mul3A_17 = arith.muli %mul3A_15, %mul3A_16 : i32
      %add3A = arith.addi %mul3A_2, %mul3A_17 : i32
      %mul3A_18 = arith.constant 2 : i32
      %mul3A_19 = arith.muli %mul3A_18, %scan3A_13 : i32
      %add3A_20 = arith.constant 1 : i32
      %add3A_21 = arith.addi %mul3A_19, %add3A_20 : i32
      %mul3A_22 = arith.constant 10000 : i32
      %mul3A_23 = arith.muli %add3A_21, %mul3A_22 : i32
      %add3A_24 = arith.addi %mul3A_2, %mul3A_23 : i32
      %dma_wait3A_25 = tpu.memref_slice %arg3[%add3A] : memref<12800000xi32, #tpu.memory_space<hbm>> -> memref<10000xi32, #tpu.memory_space<hbm>>
      %dma_wait3A_26 = tpu.memref_slice %arg3[%add3A] : memref<12800000xi32, #tpu.memory_space<hbm>> -> memref<10000xi32, #tpu.memory_space<hbm>>
      tpu.wait_dma2 semaphore(%arg15 : memref<!tpu.dma_semaphore, #tpu.memory_space<semaphore_mem>>) src(%dma_wait3A_26 : memref<10000xi32, #tpu.memory_space<hbm>>) dst(%arg7 : memref<10000xi32, #tpu.memory_space<vmem>>)
      %dma_wait3A_27 = tpu.memref_slice %arg4[%add3A] : memref<12800000xi32, #tpu.memory_space<hbm>> -> memref<10000xi32, #tpu.memory_space<hbm>>
      %dma_wait3A_28 = tpu.memref_slice %arg4[%add3A] : memref<12800000xi32, #tpu.memory_space<hbm>> -> memref<10000xi32, #tpu.memory_space<hbm>>
      tpu.wait_dma2 semaphore(%arg15 : memref<!tpu.dma_semaphore, #tpu.memory_space<semaphore_mem>>) src(%dma_wait3A_28 : memref<10000xi32, #tpu.memory_space<hbm>>) dst(%arg8 : memref<10000xi32, #tpu.memory_space<vmem>>)
      %dma_start3A_29 = arith.constant 0 : i32
      %dma_start3A_30 = tpu.memref_slice %arg13[%dma_start3A_29] : memref<401408xf32, #tpu.memory_space<vmem_shared>> -> memref<401408xf32, #tpu.memory_space<vmem_shared>>
      tpu.enqueue_indirect_dma source(%dma_start3A_30 : memref<401408xf32, #tpu.memory_space<vmem_shared>>) target(%arg11 : memref<10000xf32, #tpu.memory_space<vmem>>) offsets(%arg7 : memref<10000xi32, #tpu.memory_space<vmem>>) semaphore(%arg17 : memref<!tpu.dma_semaphore, #tpu.memory_space<semaphore_mem>>)
      %gt3A = arith.constant 0 : i32
      %gt3A_31 = arith.cmpi sgt, %scan3A_13, %gt3A : i32
      %convert_element_type3A = arith.extui %gt3A_31 : i1 to i32
      %cond3A = arith.constant 0 : i32
      %cond3A_32 = arith.cmpi ne, %convert_element_type3A, %cond3A : i32
      scf.if %cond3A_32 {
        %dma_wait3A_51 = arith.constant 0 : i32
        %dma_wait3A_52 = tpu.memref_slice %arg13[%dma_wait3A_51] : memref<401408xf32, #tpu.memory_space<vmem_shared>> -> memref<401408xf32, #tpu.memory_space<vmem_shared>>
        tpu.wait_indirect_dma semaphore(%arg18 : memref<!tpu.dma_semaphore, #tpu.memory_space<semaphore_mem>>) src(%dma_wait3A_52 : memref<401408xf32, #tpu.memory_space<vmem_shared>>) dst(%arg12 : memref<10000xf32, #tpu.memory_space<vmem>>)
        "tpu.region"() ({
          %run_scoped3A = tpu.sem_alloc : memref<!tpu.dma_semaphore, #tpu.memory_space<semaphore_mem>>
          %dma_start3A_53 = arith.constant 0 : i32
          %dma_start3A_54 = tpu.memref_slice %arg14[%dma_start3A_53] : memref<401408xf32, #tpu.memory_space<vmem_shared>> -> memref<401408xf32, #tpu.memory_space<vmem_shared>>
          tpu.enqueue_indirect_dma source(%arg12 : memref<10000xf32, #tpu.memory_space<vmem>>) target(%dma_start3A_54 : memref<401408xf32, #tpu.memory_space<vmem_shared>>) offsets(%arg10 : memref<10000xi32, #tpu.memory_space<vmem>>) semaphore(%run_scoped3A : memref<!tpu.dma_semaphore, #tpu.memory_space<semaphore_mem>>) {add = true}
          %dma_wait3A_55 = arith.constant 0 : i32
          %dma_wait3A_56 = tpu.memref_slice %arg14[%dma_wait3A_55] : memref<401408xf32, #tpu.memory_space<vmem_shared>> -> memref<401408xf32, #tpu.memory_space<vmem_shared>>
          tpu.wait_indirect_dma semaphore(%run_scoped3A : memref<!tpu.dma_semaphore, #tpu.memory_space<semaphore_mem>>) src(%arg12 : memref<10000xf32, #tpu.memory_space<vmem>>) dst(%dma_wait3A_56 : memref<401408xf32, #tpu.memory_space<vmem_shared>>)
          tpu.yield
        }) : () -> ()
      } else {
      }
      %dma_start3A_33 = tpu.memref_slice %arg3[%add3A_24] : memref<12800000xi32, #tpu.memory_space<hbm>> -> memref<10000xi32, #tpu.memory_space<hbm>>
      %dma_start3A_34 = tpu.memref_slice %arg3[%add3A_24] : memref<12800000xi32, #tpu.memory_space<hbm>> -> memref<10000xi32, #tpu.memory_space<hbm>>
      tpu.enqueue_dma source(%dma_start3A_34 : memref<10000xi32, #tpu.memory_space<hbm>>) target(%arg9 : memref<10000xi32, #tpu.memory_space<vmem>>) target_semaphore(%arg16 : memref<!tpu.dma_semaphore, #tpu.memory_space<semaphore_mem>>)
      %dma_start3A_35 = tpu.memref_slice %arg4[%add3A_24] : memref<12800000xi32, #tpu.memory_space<hbm>> -> memref<10000xi32, #tpu.memory_space<hbm>>
      %dma_start3A_36 = tpu.memref_slice %arg4[%add3A_24] : memref<12800000xi32, #tpu.memory_space<hbm>> -> memref<10000xi32, #tpu.memory_space<hbm>>
      tpu.enqueue_dma source(%dma_start3A_36 : memref<10000xi32, #tpu.memory_space<hbm>>) target(%arg10 : memref<10000xi32, #tpu.memory_space<vmem>>) target_semaphore(%arg16 : memref<!tpu.dma_semaphore, #tpu.memory_space<semaphore_mem>>)
      %dma_wait3A_37 = tpu.memref_slice %arg3[%add3A_24] : memref<12800000xi32, #tpu.memory_space<hbm>> -> memref<10000xi32, #tpu.memory_space<hbm>>
      %dma_wait3A_38 = tpu.memref_slice %arg3[%add3A_24] : memref<12800000xi32, #tpu.memory_space<hbm>> -> memref<10000xi32, #tpu.memory_space<hbm>>
      tpu.wait_dma2 semaphore(%arg16 : memref<!tpu.dma_semaphore, #tpu.memory_space<semaphore_mem>>) src(%dma_wait3A_38 : memref<10000xi32, #tpu.memory_space<hbm>>) dst(%arg9 : memref<10000xi32, #tpu.memory_space<vmem>>)
      %dma_wait3A_39 = tpu.memref_slice %arg4[%add3A_24] : memref<12800000xi32, #tpu.memory_space<hbm>> -> memref<10000xi32, #tpu.memory_space<hbm>>
      %dma_wait3A_40 = tpu.memref_slice %arg4[%add3A_24] : memref<12800000xi32, #tpu.memory_space<hbm>> -> memref<10000xi32, #tpu.memory_space<hbm>>
      tpu.wait_dma2 semaphore(%arg16 : memref<!tpu.dma_semaphore, #tpu.memory_space<semaphore_mem>>) src(%dma_wait3A_40 : memref<10000xi32, #tpu.memory_space<hbm>>) dst(%arg10 : memref<10000xi32, #tpu.memory_space<vmem>>)
      %dma_start3A_41 = arith.constant 0 : i32
      %dma_start3A_42 = tpu.memref_slice %arg13[%dma_start3A_41] : memref<401408xf32, #tpu.memory_space<vmem_shared>> -> memref<401408xf32, #tpu.memory_space<vmem_shared>>
      tpu.enqueue_indirect_dma source(%dma_start3A_42 : memref<401408xf32, #tpu.memory_space<vmem_shared>>) target(%arg12 : memref<10000xf32, #tpu.memory_space<vmem>>) offsets(%arg9 : memref<10000xi32, #tpu.memory_space<vmem>>) semaphore(%arg18 : memref<!tpu.dma_semaphore, #tpu.memory_space<semaphore_mem>>)
      %dma_wait3A_43 = arith.constant 0 : i32
      %dma_wait3A_44 = tpu.memref_slice %arg13[%dma_wait3A_43] : memref<401408xf32, #tpu.memory_space<vmem_shared>> -> memref<401408xf32, #tpu.memory_space<vmem_shared>>
      tpu.wait_indirect_dma semaphore(%arg17 : memref<!tpu.dma_semaphore, #tpu.memory_space<semaphore_mem>>) src(%dma_wait3A_44 : memref<401408xf32, #tpu.memory_space<vmem_shared>>) dst(%arg11 : memref<10000xf32, #tpu.memory_space<vmem>>)
      "tpu.region"() ({
        %run_scoped3A = tpu.sem_alloc : memref<!tpu.dma_semaphore, #tpu.memory_space<semaphore_mem>>
        %dma_start3A_51 = arith.constant 0 : i32
        %dma_start3A_52 = tpu.memref_slice %arg14[%dma_start3A_51] : memref<401408xf32, #tpu.memory_space<vmem_shared>> -> memref<401408xf32, #tpu.memory_space<vmem_shared>>
        tpu.enqueue_indirect_dma source(%arg11 : memref<10000xf32, #tpu.memory_space<vmem>>) target(%dma_start3A_52 : memref<401408xf32, #tpu.memory_space<vmem_shared>>) offsets(%arg8 : memref<10000xi32, #tpu.memory_space<vmem>>) semaphore(%run_scoped3A : memref<!tpu.dma_semaphore, #tpu.memory_space<semaphore_mem>>) {add = true}
        %dma_wait3A_53 = arith.constant 0 : i32
        %dma_wait3A_54 = tpu.memref_slice %arg14[%dma_wait3A_53] : memref<401408xf32, #tpu.memory_space<vmem_shared>> -> memref<401408xf32, #tpu.memory_space<vmem_shared>>
        tpu.wait_indirect_dma semaphore(%run_scoped3A : memref<!tpu.dma_semaphore, #tpu.memory_space<semaphore_mem>>) src(%arg11 : memref<10000xf32, #tpu.memory_space<vmem>>) dst(%dma_wait3A_54 : memref<401408xf32, #tpu.memory_space<vmem_shared>>)
        tpu.yield
      }) : () -> ()
      %add3A_45 = arith.constant 1 : i32
      %add3A_46 = arith.addi %scan3A_13, %add3A_45 : i32
      %lt3A = arith.constant 40 : i32
      %lt3A_47 = arith.cmpi slt, %add3A_46, %lt3A : i32
      %convert_element_type3A_48 = arith.extui %lt3A_47 : i1 to i32
      %cond3A_49 = arith.constant 0 : i32
      %cond3A_50 = arith.cmpi ne, %convert_element_type3A_48, %cond3A_49 : i32
      scf.if %cond3A_50 {
        %mul3A_51 = arith.constant 2 : i32
        %mul3A_52 = arith.muli %mul3A_51, %scan3A_13 : i32
        %add3A_53 = arith.constant 2 : i32
        %add3A_54 = arith.addi %mul3A_52, %add3A_53 : i32
        %mul3A_55 = arith.constant 10000 : i32
        %mul3A_56 = arith.muli %add3A_54, %mul3A_55 : i32
        %add3A_57 = arith.addi %mul3A_2, %mul3A_56 : i32
        %dma_start3A_58 = tpu.memref_slice %arg3[%add3A_57] : memref<12800000xi32, #tpu.memory_space<hbm>> -> memref<10000xi32, #tpu.memory_space<hbm>>
        %dma_start3A_59 = tpu.memref_slice %arg3[%add3A_57] : memref<12800000xi32, #tpu.memory_space<hbm>> -> memref<10000xi32, #tpu.memory_space<hbm>>
        tpu.enqueue_dma source(%dma_start3A_59 : memref<10000xi32, #tpu.memory_space<hbm>>) target(%arg7 : memref<10000xi32, #tpu.memory_space<vmem>>) target_semaphore(%arg15 : memref<!tpu.dma_semaphore, #tpu.memory_space<semaphore_mem>>)
        %dma_start3A_60 = tpu.memref_slice %arg4[%add3A_57] : memref<12800000xi32, #tpu.memory_space<hbm>> -> memref<10000xi32, #tpu.memory_space<hbm>>
        %dma_start3A_61 = tpu.memref_slice %arg4[%add3A_57] : memref<12800000xi32, #tpu.memory_space<hbm>> -> memref<10000xi32, #tpu.memory_space<hbm>>
        tpu.enqueue_dma source(%dma_start3A_61 : memref<10000xi32, #tpu.memory_space<hbm>>) target(%arg8 : memref<10000xi32, #tpu.memory_space<vmem>>) target_semaphore(%arg15 : memref<!tpu.dma_semaphore, #tpu.memory_space<semaphore_mem>>)
      } else {
      }
    }
    %scan3A_10 = arith.constant 40 : i32
    %dma_wait3A = arith.constant 0 : i32
    %dma_wait3A_11 = tpu.memref_slice %arg13[%dma_wait3A] : memref<401408xf32, #tpu.memory_space<vmem_shared>> -> memref<401408xf32, #tpu.memory_space<vmem_shared>>
    tpu.wait_indirect_dma semaphore(%arg18 : memref<!tpu.dma_semaphore, #tpu.memory_space<semaphore_mem>>) src(%dma_wait3A_11 : memref<401408xf32, #tpu.memory_space<vmem_shared>>) dst(%arg12 : memref<10000xf32, #tpu.memory_space<vmem>>)
    "tpu.region"() ({
      %run_scoped3A = tpu.sem_alloc : memref<!tpu.dma_semaphore, #tpu.memory_space<semaphore_mem>>
      %dma_start3A_13 = arith.constant 0 : i32
      %dma_start3A_14 = tpu.memref_slice %arg14[%dma_start3A_13] : memref<401408xf32, #tpu.memory_space<vmem_shared>> -> memref<401408xf32, #tpu.memory_space<vmem_shared>>
      tpu.enqueue_indirect_dma source(%arg12 : memref<10000xf32, #tpu.memory_space<vmem>>) target(%dma_start3A_14 : memref<401408xf32, #tpu.memory_space<vmem_shared>>) offsets(%arg10 : memref<10000xi32, #tpu.memory_space<vmem>>) semaphore(%run_scoped3A : memref<!tpu.dma_semaphore, #tpu.memory_space<semaphore_mem>>) {add = true}
      %dma_wait3A_15 = arith.constant 0 : i32
      %dma_wait3A_16 = tpu.memref_slice %arg14[%dma_wait3A_15] : memref<401408xf32, #tpu.memory_space<vmem_shared>> -> memref<401408xf32, #tpu.memory_space<vmem_shared>>
      tpu.wait_indirect_dma semaphore(%run_scoped3A : memref<!tpu.dma_semaphore, #tpu.memory_space<semaphore_mem>>) src(%arg12 : memref<10000xf32, #tpu.memory_space<vmem>>) dst(%dma_wait3A_16 : memref<401408xf32, #tpu.memory_space<vmem_shared>>)
      tpu.yield
    }) : () -> ()
    %barrier3A_12 = arith.constant 0 : index
    tpu.barrier barrier_id(%barrier3A_12)
    "tpu.region"() ({
      %run_scoped3A = tpu.sem_alloc : memref<!tpu.dma_semaphore, #tpu.memory_space<semaphore_mem>>
      %dma_start3A_13 = tpu.memref_slice %arg6[%mul3A_0] : memref<401408xf32, #tpu.memory_space<hbm>> -> memref<25088xf32, #tpu.memory_space<hbm>>
      %dma_start3A_14 = tpu.memref_slice %arg14[%mul3A_0] : memref<401408xf32, #tpu.memory_space<vmem_shared>> -> memref<25088xf32, #tpu.memory_space<vmem_shared>>
      tpu.enqueue_dma source(%dma_start3A_14 : memref<25088xf32, #tpu.memory_space<vmem_shared>>) target(%dma_start3A_13 : memref<25088xf32, #tpu.memory_space<hbm>>) target_semaphore(%run_scoped3A : memref<!tpu.dma_semaphore, #tpu.memory_space<semaphore_mem>>)
      %dma_wait3A_15 = tpu.memref_slice %arg6[%mul3A_0] : memref<401408xf32, #tpu.memory_space<hbm>> -> memref<25088xf32, #tpu.memory_space<hbm>>
      %dma_wait3A_16 = tpu.memref_slice %arg14[%mul3A_0] : memref<401408xf32, #tpu.memory_space<vmem_shared>> -> memref<25088xf32, #tpu.memory_space<vmem_shared>>
      tpu.wait_dma2 semaphore(%run_scoped3A : memref<!tpu.dma_semaphore, #tpu.memory_space<semaphore_mem>>) src(%dma_wait3A_16 : memref<25088xf32, #tpu.memory_space<vmem_shared>>) dst(%dma_wait3A_15 : memref<25088xf32, #tpu.memory_space<hbm>>)
      tpu.yield
    }) : () -> ()
    return
  }
}

#map = affine_map<(d0, d1) -> (0)>
module attributes {stable_mosaic.version = 14 : i64} {
  func.func @agg(%arg0: i32, %arg1: i32, %arg2: memref<100352xf32, #tpu.memory_space<hbm>>, %arg3: memref<3200000xi32, #tpu.memory_space<hbm>>, %arg4: memref<3200000xi32, #tpu.memory_space<hbm>>, %arg5: memref<100352xf32, #tpu.memory_space<hbm>>, %arg6: memref<100352xf32, #tpu.memory_space<hbm>>, %arg7: memref<10000xi32, #tpu.memory_space<vmem>>, %arg8: memref<10000xi32, #tpu.memory_space<vmem>>, %arg9: memref<10000xi32, #tpu.memory_space<vmem>>, %arg10: memref<10000xi32, #tpu.memory_space<vmem>>, %arg11: memref<10000xf32, #tpu.memory_space<vmem>>, %arg12: memref<10000xf32, #tpu.memory_space<vmem>>, %arg13: memref<100352xf32, #tpu.memory_space<vmem_shared>>, %arg14: memref<100352xf32, #tpu.memory_space<vmem_shared>>, %arg15: memref<!tpu.dma_semaphore, #tpu.memory_space<semaphore_mem>>, %arg16: memref<!tpu.dma_semaphore, #tpu.memory_space<semaphore_mem>>, %arg17: memref<!tpu.dma_semaphore, #tpu.memory_space<semaphore_mem>>, %arg18: memref<!tpu.dma_semaphore, #tpu.memory_space<semaphore_mem>>) attributes {dimension_semantics = [#tpu.dimension_semantics<core_parallel>, #tpu.dimension_semantics<subcore_parallel>], iteration_bounds = array<i64: 1, 16>, scalar_prefetch = 0 : i64, scratch_operands = 12 : i64, tpu.core_type = #tpu.core_type<sc_vector_subcore>, window_params = [{transform_indices = #map}, {transform_indices = #map}, {transform_indices = #map}, {transform_indices = #map}, {transform_indices = #map}]} {
    %mul3A = arith.constant 6272 : i32
    %mul3A_0 = arith.muli %arg1, %mul3A : i32
    "tpu.region"() ({
      %run_scoped3A = tpu.sem_alloc : memref<!tpu.dma_semaphore, #tpu.memory_space<semaphore_mem>>
      %dma_start3A_13 = tpu.memref_slice %arg14[%mul3A_0] : memref<100352xf32, #tpu.memory_space<vmem_shared>> -> memref<6272xf32, #tpu.memory_space<vmem_shared>>
      %dma_start3A_14 = tpu.memref_slice %arg5[%mul3A_0] : memref<100352xf32, #tpu.memory_space<hbm>> -> memref<6272xf32, #tpu.memory_space<hbm>>
      tpu.enqueue_dma source(%dma_start3A_14 : memref<6272xf32, #tpu.memory_space<hbm>>) target(%dma_start3A_13 : memref<6272xf32, #tpu.memory_space<vmem_shared>>) target_semaphore(%run_scoped3A : memref<!tpu.dma_semaphore, #tpu.memory_space<semaphore_mem>>)
      %dma_wait3A_15 = tpu.memref_slice %arg14[%mul3A_0] : memref<100352xf32, #tpu.memory_space<vmem_shared>> -> memref<6272xf32, #tpu.memory_space<vmem_shared>>
      %dma_wait3A_16 = tpu.memref_slice %arg5[%mul3A_0] : memref<100352xf32, #tpu.memory_space<hbm>> -> memref<6272xf32, #tpu.memory_space<hbm>>
      tpu.wait_dma2 semaphore(%run_scoped3A : memref<!tpu.dma_semaphore, #tpu.memory_space<semaphore_mem>>) src(%dma_wait3A_16 : memref<6272xf32, #tpu.memory_space<hbm>>) dst(%dma_wait3A_15 : memref<6272xf32, #tpu.memory_space<vmem_shared>>)
      tpu.yield
    }) : () -> ()
    "tpu.region"() ({
      %run_scoped3A = tpu.sem_alloc : memref<!tpu.dma_semaphore, #tpu.memory_space<semaphore_mem>>
      %dma_start3A_13 = tpu.memref_slice %arg13[%mul3A_0] : memref<100352xf32, #tpu.memory_space<vmem_shared>> -> memref<6272xf32, #tpu.memory_space<vmem_shared>>
      %dma_start3A_14 = tpu.memref_slice %arg2[%mul3A_0] : memref<100352xf32, #tpu.memory_space<hbm>> -> memref<6272xf32, #tpu.memory_space<hbm>>
      tpu.enqueue_dma source(%dma_start3A_14 : memref<6272xf32, #tpu.memory_space<hbm>>) target(%dma_start3A_13 : memref<6272xf32, #tpu.memory_space<vmem_shared>>) target_semaphore(%run_scoped3A : memref<!tpu.dma_semaphore, #tpu.memory_space<semaphore_mem>>)
      %dma_wait3A_15 = tpu.memref_slice %arg13[%mul3A_0] : memref<100352xf32, #tpu.memory_space<vmem_shared>> -> memref<6272xf32, #tpu.memory_space<vmem_shared>>
      %dma_wait3A_16 = tpu.memref_slice %arg2[%mul3A_0] : memref<100352xf32, #tpu.memory_space<hbm>> -> memref<6272xf32, #tpu.memory_space<hbm>>
      tpu.wait_dma2 semaphore(%run_scoped3A : memref<!tpu.dma_semaphore, #tpu.memory_space<semaphore_mem>>) src(%dma_wait3A_16 : memref<6272xf32, #tpu.memory_space<hbm>>) dst(%dma_wait3A_15 : memref<6272xf32, #tpu.memory_space<vmem_shared>>)
      tpu.yield
    }) : () -> ()
    %barrier3A = arith.constant 0 : index
    tpu.barrier barrier_id(%barrier3A)
    %mul3A_1 = arith.constant 200000 : i32
    %mul3A_2 = arith.muli %arg1, %mul3A_1 : i32
    %dma_start3A = tpu.memref_slice %arg3[%mul3A_2] : memref<3200000xi32, #tpu.memory_space<hbm>> -> memref<10000xi32, #tpu.memory_space<hbm>>
    %dma_start3A_3 = tpu.memref_slice %arg3[%mul3A_2] : memref<3200000xi32, #tpu.memory_space<hbm>> -> memref<10000xi32, #tpu.memory_space<hbm>>
    tpu.enqueue_dma source(%dma_start3A_3 : memref<10000xi32, #tpu.memory_space<hbm>>) target(%arg7 : memref<10000xi32, #tpu.memory_space<vmem>>) target_semaphore(%arg15 : memref<!tpu.dma_semaphore, #tpu.memory_space<semaphore_mem>>)
    %dma_start3A_4 = tpu.memref_slice %arg4[%mul3A_2] : memref<3200000xi32, #tpu.memory_space<hbm>> -> memref<10000xi32, #tpu.memory_space<hbm>>
    %dma_start3A_5 = tpu.memref_slice %arg4[%mul3A_2] : memref<3200000xi32, #tpu.memory_space<hbm>> -> memref<10000xi32, #tpu.memory_space<hbm>>
    tpu.enqueue_dma source(%dma_start3A_5 : memref<10000xi32, #tpu.memory_space<hbm>>) target(%arg8 : memref<10000xi32, #tpu.memory_space<vmem>>) target_semaphore(%arg15 : memref<!tpu.dma_semaphore, #tpu.memory_space<semaphore_mem>>)
    %scan3A = arith.constant 0 : i32
    %scan3A_6 = arith.constant 0 : i32
    %scan3A_7 = arith.constant 10 : i32
    %scan3A_8 = arith.addi %scan3A_6, %scan3A_7 : i32
    %scan3A_9 = arith.constant 1 : i32
    scf.for %scan3A_13 = %scan3A_6 to %scan3A_8 step %scan3A_9  : i32 {
      %mul3A_14 = arith.constant 2 : i32
      %mul3A_15 = arith.muli %mul3A_14, %scan3A_13 : i32
      %mul3A_16 = arith.constant 10000 : i32
      %mul3A_17 = arith.muli %mul3A_15, %mul3A_16 : i32
      %add3A = arith.addi %mul3A_2, %mul3A_17 : i32
      %mul3A_18 = arith.constant 2 : i32
      %mul3A_19 = arith.muli %mul3A_18, %scan3A_13 : i32
      %add3A_20 = arith.constant 1 : i32
      %add3A_21 = arith.addi %mul3A_19, %add3A_20 : i32
      %mul3A_22 = arith.constant 10000 : i32
      %mul3A_23 = arith.muli %add3A_21, %mul3A_22 : i32
      %add3A_24 = arith.addi %mul3A_2, %mul3A_23 : i32
      %dma_wait3A_25 = tpu.memref_slice %arg3[%add3A] : memref<3200000xi32, #tpu.memory_space<hbm>> -> memref<10000xi32, #tpu.memory_space<hbm>>
      %dma_wait3A_26 = tpu.memref_slice %arg3[%add3A] : memref<3200000xi32, #tpu.memory_space<hbm>> -> memref<10000xi32, #tpu.memory_space<hbm>>
      tpu.wait_dma2 semaphore(%arg15 : memref<!tpu.dma_semaphore, #tpu.memory_space<semaphore_mem>>) src(%dma_wait3A_26 : memref<10000xi32, #tpu.memory_space<hbm>>) dst(%arg7 : memref<10000xi32, #tpu.memory_space<vmem>>)
      %dma_wait3A_27 = tpu.memref_slice %arg4[%add3A] : memref<3200000xi32, #tpu.memory_space<hbm>> -> memref<10000xi32, #tpu.memory_space<hbm>>
      %dma_wait3A_28 = tpu.memref_slice %arg4[%add3A] : memref<3200000xi32, #tpu.memory_space<hbm>> -> memref<10000xi32, #tpu.memory_space<hbm>>
      tpu.wait_dma2 semaphore(%arg15 : memref<!tpu.dma_semaphore, #tpu.memory_space<semaphore_mem>>) src(%dma_wait3A_28 : memref<10000xi32, #tpu.memory_space<hbm>>) dst(%arg8 : memref<10000xi32, #tpu.memory_space<vmem>>)
      %dma_start3A_29 = arith.constant 0 : i32
      %dma_start3A_30 = tpu.memref_slice %arg13[%dma_start3A_29] : memref<100352xf32, #tpu.memory_space<vmem_shared>> -> memref<100352xf32, #tpu.memory_space<vmem_shared>>
      tpu.enqueue_indirect_dma source(%dma_start3A_30 : memref<100352xf32, #tpu.memory_space<vmem_shared>>) target(%arg11 : memref<10000xf32, #tpu.memory_space<vmem>>) offsets(%arg7 : memref<10000xi32, #tpu.memory_space<vmem>>) semaphore(%arg17 : memref<!tpu.dma_semaphore, #tpu.memory_space<semaphore_mem>>)
      %gt3A = arith.constant 0 : i32
      %gt3A_31 = arith.cmpi sgt, %scan3A_13, %gt3A : i32
      %convert_element_type3A = arith.extui %gt3A_31 : i1 to i32
      %cond3A = arith.constant 0 : i32
      %cond3A_32 = arith.cmpi ne, %convert_element_type3A, %cond3A : i32
      scf.if %cond3A_32 {
        %dma_wait3A_51 = arith.constant 0 : i32
        %dma_wait3A_52 = tpu.memref_slice %arg13[%dma_wait3A_51] : memref<100352xf32, #tpu.memory_space<vmem_shared>> -> memref<100352xf32, #tpu.memory_space<vmem_shared>>
        tpu.wait_indirect_dma semaphore(%arg18 : memref<!tpu.dma_semaphore, #tpu.memory_space<semaphore_mem>>) src(%dma_wait3A_52 : memref<100352xf32, #tpu.memory_space<vmem_shared>>) dst(%arg12 : memref<10000xf32, #tpu.memory_space<vmem>>)
        "tpu.region"() ({
          %run_scoped3A = tpu.sem_alloc : memref<!tpu.dma_semaphore, #tpu.memory_space<semaphore_mem>>
          %dma_start3A_53 = arith.constant 0 : i32
          %dma_start3A_54 = tpu.memref_slice %arg14[%dma_start3A_53] : memref<100352xf32, #tpu.memory_space<vmem_shared>> -> memref<100352xf32, #tpu.memory_space<vmem_shared>>
          tpu.enqueue_indirect_dma source(%arg12 : memref<10000xf32, #tpu.memory_space<vmem>>) target(%dma_start3A_54 : memref<100352xf32, #tpu.memory_space<vmem_shared>>) offsets(%arg10 : memref<10000xi32, #tpu.memory_space<vmem>>) semaphore(%run_scoped3A : memref<!tpu.dma_semaphore, #tpu.memory_space<semaphore_mem>>) {add = true}
          %dma_wait3A_55 = arith.constant 0 : i32
          %dma_wait3A_56 = tpu.memref_slice %arg14[%dma_wait3A_55] : memref<100352xf32, #tpu.memory_space<vmem_shared>> -> memref<100352xf32, #tpu.memory_space<vmem_shared>>
          tpu.wait_indirect_dma semaphore(%run_scoped3A : memref<!tpu.dma_semaphore, #tpu.memory_space<semaphore_mem>>) src(%arg12 : memref<10000xf32, #tpu.memory_space<vmem>>) dst(%dma_wait3A_56 : memref<100352xf32, #tpu.memory_space<vmem_shared>>)
          tpu.yield
        }) : () -> ()
      } else {
      }
      %dma_start3A_33 = tpu.memref_slice %arg3[%add3A_24] : memref<3200000xi32, #tpu.memory_space<hbm>> -> memref<10000xi32, #tpu.memory_space<hbm>>
      %dma_start3A_34 = tpu.memref_slice %arg3[%add3A_24] : memref<3200000xi32, #tpu.memory_space<hbm>> -> memref<10000xi32, #tpu.memory_space<hbm>>
      tpu.enqueue_dma source(%dma_start3A_34 : memref<10000xi32, #tpu.memory_space<hbm>>) target(%arg9 : memref<10000xi32, #tpu.memory_space<vmem>>) target_semaphore(%arg16 : memref<!tpu.dma_semaphore, #tpu.memory_space<semaphore_mem>>)
      %dma_start3A_35 = tpu.memref_slice %arg4[%add3A_24] : memref<3200000xi32, #tpu.memory_space<hbm>> -> memref<10000xi32, #tpu.memory_space<hbm>>
      %dma_start3A_36 = tpu.memref_slice %arg4[%add3A_24] : memref<3200000xi32, #tpu.memory_space<hbm>> -> memref<10000xi32, #tpu.memory_space<hbm>>
      tpu.enqueue_dma source(%dma_start3A_36 : memref<10000xi32, #tpu.memory_space<hbm>>) target(%arg10 : memref<10000xi32, #tpu.memory_space<vmem>>) target_semaphore(%arg16 : memref<!tpu.dma_semaphore, #tpu.memory_space<semaphore_mem>>)
      %dma_wait3A_37 = tpu.memref_slice %arg3[%add3A_24] : memref<3200000xi32, #tpu.memory_space<hbm>> -> memref<10000xi32, #tpu.memory_space<hbm>>
      %dma_wait3A_38 = tpu.memref_slice %arg3[%add3A_24] : memref<3200000xi32, #tpu.memory_space<hbm>> -> memref<10000xi32, #tpu.memory_space<hbm>>
      tpu.wait_dma2 semaphore(%arg16 : memref<!tpu.dma_semaphore, #tpu.memory_space<semaphore_mem>>) src(%dma_wait3A_38 : memref<10000xi32, #tpu.memory_space<hbm>>) dst(%arg9 : memref<10000xi32, #tpu.memory_space<vmem>>)
      %dma_wait3A_39 = tpu.memref_slice %arg4[%add3A_24] : memref<3200000xi32, #tpu.memory_space<hbm>> -> memref<10000xi32, #tpu.memory_space<hbm>>
      %dma_wait3A_40 = tpu.memref_slice %arg4[%add3A_24] : memref<3200000xi32, #tpu.memory_space<hbm>> -> memref<10000xi32, #tpu.memory_space<hbm>>
      tpu.wait_dma2 semaphore(%arg16 : memref<!tpu.dma_semaphore, #tpu.memory_space<semaphore_mem>>) src(%dma_wait3A_40 : memref<10000xi32, #tpu.memory_space<hbm>>) dst(%arg10 : memref<10000xi32, #tpu.memory_space<vmem>>)
      %dma_start3A_41 = arith.constant 0 : i32
      %dma_start3A_42 = tpu.memref_slice %arg13[%dma_start3A_41] : memref<100352xf32, #tpu.memory_space<vmem_shared>> -> memref<100352xf32, #tpu.memory_space<vmem_shared>>
      tpu.enqueue_indirect_dma source(%dma_start3A_42 : memref<100352xf32, #tpu.memory_space<vmem_shared>>) target(%arg12 : memref<10000xf32, #tpu.memory_space<vmem>>) offsets(%arg9 : memref<10000xi32, #tpu.memory_space<vmem>>) semaphore(%arg18 : memref<!tpu.dma_semaphore, #tpu.memory_space<semaphore_mem>>)
      %dma_wait3A_43 = arith.constant 0 : i32
      %dma_wait3A_44 = tpu.memref_slice %arg13[%dma_wait3A_43] : memref<100352xf32, #tpu.memory_space<vmem_shared>> -> memref<100352xf32, #tpu.memory_space<vmem_shared>>
      tpu.wait_indirect_dma semaphore(%arg17 : memref<!tpu.dma_semaphore, #tpu.memory_space<semaphore_mem>>) src(%dma_wait3A_44 : memref<100352xf32, #tpu.memory_space<vmem_shared>>) dst(%arg11 : memref<10000xf32, #tpu.memory_space<vmem>>)
      "tpu.region"() ({
        %run_scoped3A = tpu.sem_alloc : memref<!tpu.dma_semaphore, #tpu.memory_space<semaphore_mem>>
        %dma_start3A_51 = arith.constant 0 : i32
        %dma_start3A_52 = tpu.memref_slice %arg14[%dma_start3A_51] : memref<100352xf32, #tpu.memory_space<vmem_shared>> -> memref<100352xf32, #tpu.memory_space<vmem_shared>>
        tpu.enqueue_indirect_dma source(%arg11 : memref<10000xf32, #tpu.memory_space<vmem>>) target(%dma_start3A_52 : memref<100352xf32, #tpu.memory_space<vmem_shared>>) offsets(%arg8 : memref<10000xi32, #tpu.memory_space<vmem>>) semaphore(%run_scoped3A : memref<!tpu.dma_semaphore, #tpu.memory_space<semaphore_mem>>) {add = true}
        %dma_wait3A_53 = arith.constant 0 : i32
        %dma_wait3A_54 = tpu.memref_slice %arg14[%dma_wait3A_53] : memref<100352xf32, #tpu.memory_space<vmem_shared>> -> memref<100352xf32, #tpu.memory_space<vmem_shared>>
        tpu.wait_indirect_dma semaphore(%run_scoped3A : memref<!tpu.dma_semaphore, #tpu.memory_space<semaphore_mem>>) src(%arg11 : memref<10000xf32, #tpu.memory_space<vmem>>) dst(%dma_wait3A_54 : memref<100352xf32, #tpu.memory_space<vmem_shared>>)
        tpu.yield
      }) : () -> ()
      %add3A_45 = arith.constant 1 : i32
      %add3A_46 = arith.addi %scan3A_13, %add3A_45 : i32
      %lt3A = arith.constant 10 : i32
      %lt3A_47 = arith.cmpi slt, %add3A_46, %lt3A : i32
      %convert_element_type3A_48 = arith.extui %lt3A_47 : i1 to i32
      %cond3A_49 = arith.constant 0 : i32
      %cond3A_50 = arith.cmpi ne, %convert_element_type3A_48, %cond3A_49 : i32
      scf.if %cond3A_50 {
        %mul3A_51 = arith.constant 2 : i32
        %mul3A_52 = arith.muli %mul3A_51, %scan3A_13 : i32
        %add3A_53 = arith.constant 2 : i32
        %add3A_54 = arith.addi %mul3A_52, %add3A_53 : i32
        %mul3A_55 = arith.constant 10000 : i32
        %mul3A_56 = arith.muli %add3A_54, %mul3A_55 : i32
        %add3A_57 = arith.addi %mul3A_2, %mul3A_56 : i32
        %dma_start3A_58 = tpu.memref_slice %arg3[%add3A_57] : memref<3200000xi32, #tpu.memory_space<hbm>> -> memref<10000xi32, #tpu.memory_space<hbm>>
        %dma_start3A_59 = tpu.memref_slice %arg3[%add3A_57] : memref<3200000xi32, #tpu.memory_space<hbm>> -> memref<10000xi32, #tpu.memory_space<hbm>>
        tpu.enqueue_dma source(%dma_start3A_59 : memref<10000xi32, #tpu.memory_space<hbm>>) target(%arg7 : memref<10000xi32, #tpu.memory_space<vmem>>) target_semaphore(%arg15 : memref<!tpu.dma_semaphore, #tpu.memory_space<semaphore_mem>>)
        %dma_start3A_60 = tpu.memref_slice %arg4[%add3A_57] : memref<3200000xi32, #tpu.memory_space<hbm>> -> memref<10000xi32, #tpu.memory_space<hbm>>
        %dma_start3A_61 = tpu.memref_slice %arg4[%add3A_57] : memref<3200000xi32, #tpu.memory_space<hbm>> -> memref<10000xi32, #tpu.memory_space<hbm>>
        tpu.enqueue_dma source(%dma_start3A_61 : memref<10000xi32, #tpu.memory_space<hbm>>) target(%arg8 : memref<10000xi32, #tpu.memory_space<vmem>>) target_semaphore(%arg15 : memref<!tpu.dma_semaphore, #tpu.memory_space<semaphore_mem>>)
      } else {
      }
    }
    %scan3A_10 = arith.constant 10 : i32
    %dma_wait3A = arith.constant 0 : i32
    %dma_wait3A_11 = tpu.memref_slice %arg13[%dma_wait3A] : memref<100352xf32, #tpu.memory_space<vmem_shared>> -> memref<100352xf32, #tpu.memory_space<vmem_shared>>
    tpu.wait_indirect_dma semaphore(%arg18 : memref<!tpu.dma_semaphore, #tpu.memory_space<semaphore_mem>>) src(%dma_wait3A_11 : memref<100352xf32, #tpu.memory_space<vmem_shared>>) dst(%arg12 : memref<10000xf32, #tpu.memory_space<vmem>>)
    "tpu.region"() ({
      %run_scoped3A = tpu.sem_alloc : memref<!tpu.dma_semaphore, #tpu.memory_space<semaphore_mem>>
      %dma_start3A_13 = arith.constant 0 : i32
      %dma_start3A_14 = tpu.memref_slice %arg14[%dma_start3A_13] : memref<100352xf32, #tpu.memory_space<vmem_shared>> -> memref<100352xf32, #tpu.memory_space<vmem_shared>>
      tpu.enqueue_indirect_dma source(%arg12 : memref<10000xf32, #tpu.memory_space<vmem>>) target(%dma_start3A_14 : memref<100352xf32, #tpu.memory_space<vmem_shared>>) offsets(%arg10 : memref<10000xi32, #tpu.memory_space<vmem>>) semaphore(%run_scoped3A : memref<!tpu.dma_semaphore, #tpu.memory_space<semaphore_mem>>) {add = true}
      %dma_wait3A_15 = arith.constant 0 : i32
      %dma_wait3A_16 = tpu.memref_slice %arg14[%dma_wait3A_15] : memref<100352xf32, #tpu.memory_space<vmem_shared>> -> memref<100352xf32, #tpu.memory_space<vmem_shared>>
      tpu.wait_indirect_dma semaphore(%run_scoped3A : memref<!tpu.dma_semaphore, #tpu.memory_space<semaphore_mem>>) src(%arg12 : memref<10000xf32, #tpu.memory_space<vmem>>) dst(%dma_wait3A_16 : memref<100352xf32, #tpu.memory_space<vmem_shared>>)
      tpu.yield
    }) : () -> ()
    %barrier3A_12 = arith.constant 0 : index
    tpu.barrier barrier_id(%barrier3A_12)
    "tpu.region"() ({
      %run_scoped3A = tpu.sem_alloc : memref<!tpu.dma_semaphore, #tpu.memory_space<semaphore_mem>>
      %dma_start3A_13 = tpu.memref_slice %arg6[%mul3A_0] : memref<100352xf32, #tpu.memory_space<hbm>> -> memref<6272xf32, #tpu.memory_space<hbm>>
      %dma_start3A_14 = tpu.memref_slice %arg14[%mul3A_0] : memref<100352xf32, #tpu.memory_space<vmem_shared>> -> memref<6272xf32, #tpu.memory_space<vmem_shared>>
      tpu.enqueue_dma source(%dma_start3A_14 : memref<6272xf32, #tpu.memory_space<vmem_shared>>) target(%dma_start3A_13 : memref<6272xf32, #tpu.memory_space<hbm>>) target_semaphore(%run_scoped3A : memref<!tpu.dma_semaphore, #tpu.memory_space<semaphore_mem>>)
      %dma_wait3A_15 = tpu.memref_slice %arg6[%mul3A_0] : memref<100352xf32, #tpu.memory_space<hbm>> -> memref<6272xf32, #tpu.memory_space<hbm>>
      %dma_wait3A_16 = tpu.memref_slice %arg14[%mul3A_0] : memref<100352xf32, #tpu.memory_space<vmem_shared>> -> memref<6272xf32, #tpu.memory_space<vmem_shared>>
      tpu.wait_dma2 semaphore(%run_scoped3A : memref<!tpu.dma_semaphore, #tpu.memory_space<semaphore_mem>>) src(%dma_wait3A_16 : memref<6272xf32, #tpu.memory_space<vmem_shared>>) dst(%dma_wait3A_15 : memref<6272xf32, #tpu.memory_space<hbm>>)
      tpu.yield
    }) : () -> ()
    return
  }
}

#map = affine_map<(d0, d1) -> (0)>
module attributes {stable_mosaic.version = 14 : i64} {
  func.func @agg(%arg0: i32, %arg1: i32, %arg2: memref<401408xf32, #tpu.memory_space<hbm>>, %arg3: memref<12800000xi32, #tpu.memory_space<hbm>>, %arg4: memref<12800000xi32, #tpu.memory_space<hbm>>, %arg5: memref<401408xf32, #tpu.memory_space<hbm>>, %arg6: memref<401408xf32, #tpu.memory_space<hbm>>, %arg7: memref<10000xi32, #tpu.memory_space<vmem>>, %arg8: memref<10000xi32, #tpu.memory_space<vmem>>, %arg9: memref<10000xi32, #tpu.memory_space<vmem>>, %arg10: memref<10000xi32, #tpu.memory_space<vmem>>, %arg11: memref<10000xf32, #tpu.memory_space<vmem>>, %arg12: memref<10000xf32, #tpu.memory_space<vmem>>, %arg13: memref<401408xf32, #tpu.memory_space<vmem_shared>>, %arg14: memref<401408xf32, #tpu.memory_space<vmem_shared>>, %arg15: memref<!tpu.dma_semaphore, #tpu.memory_space<semaphore_mem>>, %arg16: memref<!tpu.dma_semaphore, #tpu.memory_space<semaphore_mem>>, %arg17: memref<!tpu.dma_semaphore, #tpu.memory_space<semaphore_mem>>, %arg18: memref<!tpu.dma_semaphore, #tpu.memory_space<semaphore_mem>>) attributes {dimension_semantics = [#tpu.dimension_semantics<core_parallel>, #tpu.dimension_semantics<subcore_parallel>], iteration_bounds = array<i64: 1, 16>, scalar_prefetch = 0 : i64, scratch_operands = 12 : i64, tpu.core_type = #tpu.core_type<sc_vector_subcore>, window_params = [{transform_indices = #map}, {transform_indices = #map}, {transform_indices = #map}, {transform_indices = #map}, {transform_indices = #map}]} {
    %mul3A = arith.constant 25088 : i32
    %mul3A_0 = arith.muli %arg1, %mul3A : i32
    "tpu.region"() ({
      %run_scoped3A = tpu.sem_alloc : memref<!tpu.dma_semaphore, #tpu.memory_space<semaphore_mem>>
      %dma_start3A_13 = tpu.memref_slice %arg14[%mul3A_0] : memref<401408xf32, #tpu.memory_space<vmem_shared>> -> memref<25088xf32, #tpu.memory_space<vmem_shared>>
      %dma_start3A_14 = tpu.memref_slice %arg5[%mul3A_0] : memref<401408xf32, #tpu.memory_space<hbm>> -> memref<25088xf32, #tpu.memory_space<hbm>>
      tpu.enqueue_dma source(%dma_start3A_14 : memref<25088xf32, #tpu.memory_space<hbm>>) target(%dma_start3A_13 : memref<25088xf32, #tpu.memory_space<vmem_shared>>) target_semaphore(%run_scoped3A : memref<!tpu.dma_semaphore, #tpu.memory_space<semaphore_mem>>)
      %dma_wait3A_15 = tpu.memref_slice %arg14[%mul3A_0] : memref<401408xf32, #tpu.memory_space<vmem_shared>> -> memref<25088xf32, #tpu.memory_space<vmem_shared>>
      %dma_wait3A_16 = tpu.memref_slice %arg5[%mul3A_0] : memref<401408xf32, #tpu.memory_space<hbm>> -> memref<25088xf32, #tpu.memory_space<hbm>>
      tpu.wait_dma2 semaphore(%run_scoped3A : memref<!tpu.dma_semaphore, #tpu.memory_space<semaphore_mem>>) src(%dma_wait3A_16 : memref<25088xf32, #tpu.memory_space<hbm>>) dst(%dma_wait3A_15 : memref<25088xf32, #tpu.memory_space<vmem_shared>>)
      tpu.yield
    }) : () -> ()
    "tpu.region"() ({
      %run_scoped3A = tpu.sem_alloc : memref<!tpu.dma_semaphore, #tpu.memory_space<semaphore_mem>>
      %dma_start3A_13 = tpu.memref_slice %arg13[%mul3A_0] : memref<401408xf32, #tpu.memory_space<vmem_shared>> -> memref<25088xf32, #tpu.memory_space<vmem_shared>>
      %dma_start3A_14 = tpu.memref_slice %arg2[%mul3A_0] : memref<401408xf32, #tpu.memory_space<hbm>> -> memref<25088xf32, #tpu.memory_space<hbm>>
      tpu.enqueue_dma source(%dma_start3A_14 : memref<25088xf32, #tpu.memory_space<hbm>>) target(%dma_start3A_13 : memref<25088xf32, #tpu.memory_space<vmem_shared>>) target_semaphore(%run_scoped3A : memref<!tpu.dma_semaphore, #tpu.memory_space<semaphore_mem>>)
      %dma_wait3A_15 = tpu.memref_slice %arg13[%mul3A_0] : memref<401408xf32, #tpu.memory_space<vmem_shared>> -> memref<25088xf32, #tpu.memory_space<vmem_shared>>
      %dma_wait3A_16 = tpu.memref_slice %arg2[%mul3A_0] : memref<401408xf32, #tpu.memory_space<hbm>> -> memref<25088xf32, #tpu.memory_space<hbm>>
      tpu.wait_dma2 semaphore(%run_scoped3A : memref<!tpu.dma_semaphore, #tpu.memory_space<semaphore_mem>>) src(%dma_wait3A_16 : memref<25088xf32, #tpu.memory_space<hbm>>) dst(%dma_wait3A_15 : memref<25088xf32, #tpu.memory_space<vmem_shared>>)
      tpu.yield
    }) : () -> ()
    %barrier3A = arith.constant 0 : index
    tpu.barrier barrier_id(%barrier3A)
    %mul3A_1 = arith.constant 800000 : i32
    %mul3A_2 = arith.muli %arg1, %mul3A_1 : i32
    %dma_start3A = tpu.memref_slice %arg3[%mul3A_2] : memref<12800000xi32, #tpu.memory_space<hbm>> -> memref<10000xi32, #tpu.memory_space<hbm>>
    %dma_start3A_3 = tpu.memref_slice %arg3[%mul3A_2] : memref<12800000xi32, #tpu.memory_space<hbm>> -> memref<10000xi32, #tpu.memory_space<hbm>>
    tpu.enqueue_dma source(%dma_start3A_3 : memref<10000xi32, #tpu.memory_space<hbm>>) target(%arg7 : memref<10000xi32, #tpu.memory_space<vmem>>) target_semaphore(%arg15 : memref<!tpu.dma_semaphore, #tpu.memory_space<semaphore_mem>>)
    %dma_start3A_4 = tpu.memref_slice %arg4[%mul3A_2] : memref<12800000xi32, #tpu.memory_space<hbm>> -> memref<10000xi32, #tpu.memory_space<hbm>>
    %dma_start3A_5 = tpu.memref_slice %arg4[%mul3A_2] : memref<12800000xi32, #tpu.memory_space<hbm>> -> memref<10000xi32, #tpu.memory_space<hbm>>
    tpu.enqueue_dma source(%dma_start3A_5 : memref<10000xi32, #tpu.memory_space<hbm>>) target(%arg8 : memref<10000xi32, #tpu.memory_space<vmem>>) target_semaphore(%arg15 : memref<!tpu.dma_semaphore, #tpu.memory_space<semaphore_mem>>)
    %scan3A = arith.constant 0 : i32
    %scan3A_6 = arith.constant 0 : i32
    %scan3A_7 = arith.constant 40 : i32
    %scan3A_8 = arith.addi %scan3A_6, %scan3A_7 : i32
    %scan3A_9 = arith.constant 1 : i32
    scf.for %scan3A_13 = %scan3A_6 to %scan3A_8 step %scan3A_9  : i32 {
      %mul3A_14 = arith.constant 2 : i32
      %mul3A_15 = arith.muli %mul3A_14, %scan3A_13 : i32
      %mul3A_16 = arith.constant 10000 : i32
      %mul3A_17 = arith.muli %mul3A_15, %mul3A_16 : i32
      %add3A = arith.addi %mul3A_2, %mul3A_17 : i32
      %mul3A_18 = arith.constant 2 : i32
      %mul3A_19 = arith.muli %mul3A_18, %scan3A_13 : i32
      %add3A_20 = arith.constant 1 : i32
      %add3A_21 = arith.addi %mul3A_19, %add3A_20 : i32
      %mul3A_22 = arith.constant 10000 : i32
      %mul3A_23 = arith.muli %add3A_21, %mul3A_22 : i32
      %add3A_24 = arith.addi %mul3A_2, %mul3A_23 : i32
      %dma_wait3A_25 = tpu.memref_slice %arg3[%add3A] : memref<12800000xi32, #tpu.memory_space<hbm>> -> memref<10000xi32, #tpu.memory_space<hbm>>
      %dma_wait3A_26 = tpu.memref_slice %arg3[%add3A] : memref<12800000xi32, #tpu.memory_space<hbm>> -> memref<10000xi32, #tpu.memory_space<hbm>>
      tpu.wait_dma2 semaphore(%arg15 : memref<!tpu.dma_semaphore, #tpu.memory_space<semaphore_mem>>) src(%dma_wait3A_26 : memref<10000xi32, #tpu.memory_space<hbm>>) dst(%arg7 : memref<10000xi32, #tpu.memory_space<vmem>>)
      %dma_wait3A_27 = tpu.memref_slice %arg4[%add3A] : memref<12800000xi32, #tpu.memory_space<hbm>> -> memref<10000xi32, #tpu.memory_space<hbm>>
      %dma_wait3A_28 = tpu.memref_slice %arg4[%add3A] : memref<12800000xi32, #tpu.memory_space<hbm>> -> memref<10000xi32, #tpu.memory_space<hbm>>
      tpu.wait_dma2 semaphore(%arg15 : memref<!tpu.dma_semaphore, #tpu.memory_space<semaphore_mem>>) src(%dma_wait3A_28 : memref<10000xi32, #tpu.memory_space<hbm>>) dst(%arg8 : memref<10000xi32, #tpu.memory_space<vmem>>)
      %dma_start3A_29 = arith.constant 0 : i32
      %dma_start3A_30 = tpu.memref_slice %arg13[%dma_start3A_29] : memref<401408xf32, #tpu.memory_space<vmem_shared>> -> memref<401408xf32, #tpu.memory_space<vmem_shared>>
      tpu.enqueue_indirect_dma source(%dma_start3A_30 : memref<401408xf32, #tpu.memory_space<vmem_shared>>) target(%arg11 : memref<10000xf32, #tpu.memory_space<vmem>>) offsets(%arg7 : memref<10000xi32, #tpu.memory_space<vmem>>) semaphore(%arg17 : memref<!tpu.dma_semaphore, #tpu.memory_space<semaphore_mem>>)
      %gt3A = arith.constant 0 : i32
      %gt3A_31 = arith.cmpi sgt, %scan3A_13, %gt3A : i32
      %convert_element_type3A = arith.extui %gt3A_31 : i1 to i32
      %cond3A = arith.constant 0 : i32
      %cond3A_32 = arith.cmpi ne, %convert_element_type3A, %cond3A : i32
      scf.if %cond3A_32 {
        %dma_wait3A_51 = arith.constant 0 : i32
        %dma_wait3A_52 = tpu.memref_slice %arg13[%dma_wait3A_51] : memref<401408xf32, #tpu.memory_space<vmem_shared>> -> memref<401408xf32, #tpu.memory_space<vmem_shared>>
        tpu.wait_indirect_dma semaphore(%arg18 : memref<!tpu.dma_semaphore, #tpu.memory_space<semaphore_mem>>) src(%dma_wait3A_52 : memref<401408xf32, #tpu.memory_space<vmem_shared>>) dst(%arg12 : memref<10000xf32, #tpu.memory_space<vmem>>)
        "tpu.region"() ({
          %run_scoped3A = tpu.sem_alloc : memref<!tpu.dma_semaphore, #tpu.memory_space<semaphore_mem>>
          %dma_start3A_53 = arith.constant 0 : i32
          %dma_start3A_54 = tpu.memref_slice %arg14[%dma_start3A_53] : memref<401408xf32, #tpu.memory_space<vmem_shared>> -> memref<401408xf32, #tpu.memory_space<vmem_shared>>
          tpu.enqueue_indirect_dma source(%arg12 : memref<10000xf32, #tpu.memory_space<vmem>>) target(%dma_start3A_54 : memref<401408xf32, #tpu.memory_space<vmem_shared>>) offsets(%arg10 : memref<10000xi32, #tpu.memory_space<vmem>>) semaphore(%run_scoped3A : memref<!tpu.dma_semaphore, #tpu.memory_space<semaphore_mem>>) {add = true}
          %dma_wait3A_55 = arith.constant 0 : i32
          %dma_wait3A_56 = tpu.memref_slice %arg14[%dma_wait3A_55] : memref<401408xf32, #tpu.memory_space<vmem_shared>> -> memref<401408xf32, #tpu.memory_space<vmem_shared>>
          tpu.wait_indirect_dma semaphore(%run_scoped3A : memref<!tpu.dma_semaphore, #tpu.memory_space<semaphore_mem>>) src(%arg12 : memref<10000xf32, #tpu.memory_space<vmem>>) dst(%dma_wait3A_56 : memref<401408xf32, #tpu.memory_space<vmem_shared>>)
          tpu.yield
        }) : () -> ()
      } else {
      }
      %dma_start3A_33 = tpu.memref_slice %arg3[%add3A_24] : memref<12800000xi32, #tpu.memory_space<hbm>> -> memref<10000xi32, #tpu.memory_space<hbm>>
      %dma_start3A_34 = tpu.memref_slice %arg3[%add3A_24] : memref<12800000xi32, #tpu.memory_space<hbm>> -> memref<10000xi32, #tpu.memory_space<hbm>>
      tpu.enqueue_dma source(%dma_start3A_34 : memref<10000xi32, #tpu.memory_space<hbm>>) target(%arg9 : memref<10000xi32, #tpu.memory_space<vmem>>) target_semaphore(%arg16 : memref<!tpu.dma_semaphore, #tpu.memory_space<semaphore_mem>>)
      %dma_start3A_35 = tpu.memref_slice %arg4[%add3A_24] : memref<12800000xi32, #tpu.memory_space<hbm>> -> memref<10000xi32, #tpu.memory_space<hbm>>
      %dma_start3A_36 = tpu.memref_slice %arg4[%add3A_24] : memref<12800000xi32, #tpu.memory_space<hbm>> -> memref<10000xi32, #tpu.memory_space<hbm>>
      tpu.enqueue_dma source(%dma_start3A_36 : memref<10000xi32, #tpu.memory_space<hbm>>) target(%arg10 : memref<10000xi32, #tpu.memory_space<vmem>>) target_semaphore(%arg16 : memref<!tpu.dma_semaphore, #tpu.memory_space<semaphore_mem>>)
      %dma_wait3A_37 = tpu.memref_slice %arg3[%add3A_24] : memref<12800000xi32, #tpu.memory_space<hbm>> -> memref<10000xi32, #tpu.memory_space<hbm>>
      %dma_wait3A_38 = tpu.memref_slice %arg3[%add3A_24] : memref<12800000xi32, #tpu.memory_space<hbm>> -> memref<10000xi32, #tpu.memory_space<hbm>>
      tpu.wait_dma2 semaphore(%arg16 : memref<!tpu.dma_semaphore, #tpu.memory_space<semaphore_mem>>) src(%dma_wait3A_38 : memref<10000xi32, #tpu.memory_space<hbm>>) dst(%arg9 : memref<10000xi32, #tpu.memory_space<vmem>>)
      %dma_wait3A_39 = tpu.memref_slice %arg4[%add3A_24] : memref<12800000xi32, #tpu.memory_space<hbm>> -> memref<10000xi32, #tpu.memory_space<hbm>>
      %dma_wait3A_40 = tpu.memref_slice %arg4[%add3A_24] : memref<12800000xi32, #tpu.memory_space<hbm>> -> memref<10000xi32, #tpu.memory_space<hbm>>
      tpu.wait_dma2 semaphore(%arg16 : memref<!tpu.dma_semaphore, #tpu.memory_space<semaphore_mem>>) src(%dma_wait3A_40 : memref<10000xi32, #tpu.memory_space<hbm>>) dst(%arg10 : memref<10000xi32, #tpu.memory_space<vmem>>)
      %dma_start3A_41 = arith.constant 0 : i32
      %dma_start3A_42 = tpu.memref_slice %arg13[%dma_start3A_41] : memref<401408xf32, #tpu.memory_space<vmem_shared>> -> memref<401408xf32, #tpu.memory_space<vmem_shared>>
      tpu.enqueue_indirect_dma source(%dma_start3A_42 : memref<401408xf32, #tpu.memory_space<vmem_shared>>) target(%arg12 : memref<10000xf32, #tpu.memory_space<vmem>>) offsets(%arg9 : memref<10000xi32, #tpu.memory_space<vmem>>) semaphore(%arg18 : memref<!tpu.dma_semaphore, #tpu.memory_space<semaphore_mem>>)
      %dma_wait3A_43 = arith.constant 0 : i32
      %dma_wait3A_44 = tpu.memref_slice %arg13[%dma_wait3A_43] : memref<401408xf32, #tpu.memory_space<vmem_shared>> -> memref<401408xf32, #tpu.memory_space<vmem_shared>>
      tpu.wait_indirect_dma semaphore(%arg17 : memref<!tpu.dma_semaphore, #tpu.memory_space<semaphore_mem>>) src(%dma_wait3A_44 : memref<401408xf32, #tpu.memory_space<vmem_shared>>) dst(%arg11 : memref<10000xf32, #tpu.memory_space<vmem>>)
      "tpu.region"() ({
        %run_scoped3A = tpu.sem_alloc : memref<!tpu.dma_semaphore, #tpu.memory_space<semaphore_mem>>
        %dma_start3A_51 = arith.constant 0 : i32
        %dma_start3A_52 = tpu.memref_slice %arg14[%dma_start3A_51] : memref<401408xf32, #tpu.memory_space<vmem_shared>> -> memref<401408xf32, #tpu.memory_space<vmem_shared>>
        tpu.enqueue_indirect_dma source(%arg11 : memref<10000xf32, #tpu.memory_space<vmem>>) target(%dma_start3A_52 : memref<401408xf32, #tpu.memory_space<vmem_shared>>) offsets(%arg8 : memref<10000xi32, #tpu.memory_space<vmem>>) semaphore(%run_scoped3A : memref<!tpu.dma_semaphore, #tpu.memory_space<semaphore_mem>>) {add = true}
        %dma_wait3A_53 = arith.constant 0 : i32
        %dma_wait3A_54 = tpu.memref_slice %arg14[%dma_wait3A_53] : memref<401408xf32, #tpu.memory_space<vmem_shared>> -> memref<401408xf32, #tpu.memory_space<vmem_shared>>
        tpu.wait_indirect_dma semaphore(%run_scoped3A : memref<!tpu.dma_semaphore, #tpu.memory_space<semaphore_mem>>) src(%arg11 : memref<10000xf32, #tpu.memory_space<vmem>>) dst(%dma_wait3A_54 : memref<401408xf32, #tpu.memory_space<vmem_shared>>)
        tpu.yield
      }) : () -> ()
      %add3A_45 = arith.constant 1 : i32
      %add3A_46 = arith.addi %scan3A_13, %add3A_45 : i32
      %lt3A = arith.constant 40 : i32
      %lt3A_47 = arith.cmpi slt, %add3A_46, %lt3A : i32
      %convert_element_type3A_48 = arith.extui %lt3A_47 : i1 to i32
      %cond3A_49 = arith.constant 0 : i32
      %cond3A_50 = arith.cmpi ne, %convert_element_type3A_48, %cond3A_49 : i32
      scf.if %cond3A_50 {
        %mul3A_51 = arith.constant 2 : i32
        %mul3A_52 = arith.muli %mul3A_51, %scan3A_13 : i32
        %add3A_53 = arith.constant 2 : i32
        %add3A_54 = arith.addi %mul3A_52, %add3A_53 : i32
        %mul3A_55 = arith.constant 10000 : i32
        %mul3A_56 = arith.muli %add3A_54, %mul3A_55 : i32
        %add3A_57 = arith.addi %mul3A_2, %mul3A_56 : i32
        %dma_start3A_58 = tpu.memref_slice %arg3[%add3A_57] : memref<12800000xi32, #tpu.memory_space<hbm>> -> memref<10000xi32, #tpu.memory_space<hbm>>
        %dma_start3A_59 = tpu.memref_slice %arg3[%add3A_57] : memref<12800000xi32, #tpu.memory_space<hbm>> -> memref<10000xi32, #tpu.memory_space<hbm>>
        tpu.enqueue_dma source(%dma_start3A_59 : memref<10000xi32, #tpu.memory_space<hbm>>) target(%arg7 : memref<10000xi32, #tpu.memory_space<vmem>>) target_semaphore(%arg15 : memref<!tpu.dma_semaphore, #tpu.memory_space<semaphore_mem>>)
        %dma_start3A_60 = tpu.memref_slice %arg4[%add3A_57] : memref<12800000xi32, #tpu.memory_space<hbm>> -> memref<10000xi32, #tpu.memory_space<hbm>>
        %dma_start3A_61 = tpu.memref_slice %arg4[%add3A_57] : memref<12800000xi32, #tpu.memory_space<hbm>> -> memref<10000xi32, #tpu.memory_space<hbm>>
        tpu.enqueue_dma source(%dma_start3A_61 : memref<10000xi32, #tpu.memory_space<hbm>>) target(%arg8 : memref<10000xi32, #tpu.memory_space<vmem>>) target_semaphore(%arg15 : memref<!tpu.dma_semaphore, #tpu.memory_space<semaphore_mem>>)
      } else {
      }
    }
    %scan3A_10 = arith.constant 40 : i32
    %dma_wait3A = arith.constant 0 : i32
    %dma_wait3A_11 = tpu.memref_slice %arg13[%dma_wait3A] : memref<401408xf32, #tpu.memory_space<vmem_shared>> -> memref<401408xf32, #tpu.memory_space<vmem_shared>>
    tpu.wait_indirect_dma semaphore(%arg18 : memref<!tpu.dma_semaphore, #tpu.memory_space<semaphore_mem>>) src(%dma_wait3A_11 : memref<401408xf32, #tpu.memory_space<vmem_shared>>) dst(%arg12 : memref<10000xf32, #tpu.memory_space<vmem>>)
    "tpu.region"() ({
      %run_scoped3A = tpu.sem_alloc : memref<!tpu.dma_semaphore, #tpu.memory_space<semaphore_mem>>
      %dma_start3A_13 = arith.constant 0 : i32
      %dma_start3A_14 = tpu.memref_slice %arg14[%dma_start3A_13] : memref<401408xf32, #tpu.memory_space<vmem_shared>> -> memref<401408xf32, #tpu.memory_space<vmem_shared>>
      tpu.enqueue_indirect_dma source(%arg12 : memref<10000xf32, #tpu.memory_space<vmem>>) target(%dma_start3A_14 : memref<401408xf32, #tpu.memory_space<vmem_shared>>) offsets(%arg10 : memref<10000xi32, #tpu.memory_space<vmem>>) semaphore(%run_scoped3A : memref<!tpu.dma_semaphore, #tpu.memory_space<semaphore_mem>>) {add = true}
      %dma_wait3A_15 = arith.constant 0 : i32
      %dma_wait3A_16 = tpu.memref_slice %arg14[%dma_wait3A_15] : memref<401408xf32, #tpu.memory_space<vmem_shared>> -> memref<401408xf32, #tpu.memory_space<vmem_shared>>
      tpu.wait_indirect_dma semaphore(%run_scoped3A : memref<!tpu.dma_semaphore, #tpu.memory_space<semaphore_mem>>) src(%arg12 : memref<10000xf32, #tpu.memory_space<vmem>>) dst(%dma_wait3A_16 : memref<401408xf32, #tpu.memory_space<vmem_shared>>)
      tpu.yield
    }) : () -> ()
    %barrier3A_12 = arith.constant 0 : index
    tpu.barrier barrier_id(%barrier3A_12)
    "tpu.region"() ({
      %run_scoped3A = tpu.sem_alloc : memref<!tpu.dma_semaphore, #tpu.memory_space<semaphore_mem>>
      %dma_start3A_13 = tpu.memref_slice %arg6[%mul3A_0] : memref<401408xf32, #tpu.memory_space<hbm>> -> memref<25088xf32, #tpu.memory_space<hbm>>
      %dma_start3A_14 = tpu.memref_slice %arg14[%mul3A_0] : memref<401408xf32, #tpu.memory_space<vmem_shared>> -> memref<25088xf32, #tpu.memory_space<vmem_shared>>
      tpu.enqueue_dma source(%dma_start3A_14 : memref<25088xf32, #tpu.memory_space<vmem_shared>>) target(%dma_start3A_13 : memref<25088xf32, #tpu.memory_space<hbm>>) target_semaphore(%run_scoped3A : memref<!tpu.dma_semaphore, #tpu.memory_space<semaphore_mem>>)
      %dma_wait3A_15 = tpu.memref_slice %arg6[%mul3A_0] : memref<401408xf32, #tpu.memory_space<hbm>> -> memref<25088xf32, #tpu.memory_space<hbm>>
      %dma_wait3A_16 = tpu.memref_slice %arg14[%mul3A_0] : memref<401408xf32, #tpu.memory_space<vmem_shared>> -> memref<25088xf32, #tpu.memory_space<vmem_shared>>
      tpu.wait_dma2 semaphore(%run_scoped3A : memref<!tpu.dma_semaphore, #tpu.memory_space<semaphore_mem>>) src(%dma_wait3A_16 : memref<25088xf32, #tpu.memory_space<vmem_shared>>) dst(%dma_wait3A_15 : memref<25088xf32, #tpu.memory_space<hbm>>)
      tpu.yield
    }) : () -> ()
    return
  }
}

#map = affine_map<(d0, d1) -> (0)>
module attributes {stable_mosaic.version = 14 : i64} {
  func.func @agg(%arg0: i32, %arg1: i32, %arg2: memref<401408xf32, #tpu.memory_space<hbm>>, %arg3: memref<12800000xi32, #tpu.memory_space<hbm>>, %arg4: memref<12800000xi32, #tpu.memory_space<hbm>>, %arg5: memref<401408xf32, #tpu.memory_space<hbm>>, %arg6: memref<401408xf32, #tpu.memory_space<hbm>>, %arg7: memref<10000xi32, #tpu.memory_space<vmem>>, %arg8: memref<10000xi32, #tpu.memory_space<vmem>>, %arg9: memref<10000xi32, #tpu.memory_space<vmem>>, %arg10: memref<10000xi32, #tpu.memory_space<vmem>>, %arg11: memref<10000xf32, #tpu.memory_space<vmem>>, %arg12: memref<10000xf32, #tpu.memory_space<vmem>>, %arg13: memref<401408xf32, #tpu.memory_space<vmem_shared>>, %arg14: memref<401408xf32, #tpu.memory_space<vmem_shared>>, %arg15: memref<!tpu.dma_semaphore, #tpu.memory_space<semaphore_mem>>, %arg16: memref<!tpu.dma_semaphore, #tpu.memory_space<semaphore_mem>>, %arg17: memref<!tpu.dma_semaphore, #tpu.memory_space<semaphore_mem>>, %arg18: memref<!tpu.dma_semaphore, #tpu.memory_space<semaphore_mem>>) attributes {dimension_semantics = [#tpu.dimension_semantics<core_parallel>, #tpu.dimension_semantics<subcore_parallel>], iteration_bounds = array<i64: 1, 16>, scalar_prefetch = 0 : i64, scratch_operands = 12 : i64, tpu.core_type = #tpu.core_type<sc_vector_subcore>, window_params = [{transform_indices = #map}, {transform_indices = #map}, {transform_indices = #map}, {transform_indices = #map}, {transform_indices = #map}]} {
    %mul3A = arith.constant 25088 : i32
    %mul3A_0 = arith.muli %arg1, %mul3A : i32
    "tpu.region"() ({
      %run_scoped3A = tpu.sem_alloc : memref<!tpu.dma_semaphore, #tpu.memory_space<semaphore_mem>>
      %dma_start3A_13 = tpu.memref_slice %arg14[%mul3A_0] : memref<401408xf32, #tpu.memory_space<vmem_shared>> -> memref<25088xf32, #tpu.memory_space<vmem_shared>>
      %dma_start3A_14 = tpu.memref_slice %arg5[%mul3A_0] : memref<401408xf32, #tpu.memory_space<hbm>> -> memref<25088xf32, #tpu.memory_space<hbm>>
      tpu.enqueue_dma source(%dma_start3A_14 : memref<25088xf32, #tpu.memory_space<hbm>>) target(%dma_start3A_13 : memref<25088xf32, #tpu.memory_space<vmem_shared>>) target_semaphore(%run_scoped3A : memref<!tpu.dma_semaphore, #tpu.memory_space<semaphore_mem>>)
      %dma_wait3A_15 = tpu.memref_slice %arg14[%mul3A_0] : memref<401408xf32, #tpu.memory_space<vmem_shared>> -> memref<25088xf32, #tpu.memory_space<vmem_shared>>
      %dma_wait3A_16 = tpu.memref_slice %arg5[%mul3A_0] : memref<401408xf32, #tpu.memory_space<hbm>> -> memref<25088xf32, #tpu.memory_space<hbm>>
      tpu.wait_dma2 semaphore(%run_scoped3A : memref<!tpu.dma_semaphore, #tpu.memory_space<semaphore_mem>>) src(%dma_wait3A_16 : memref<25088xf32, #tpu.memory_space<hbm>>) dst(%dma_wait3A_15 : memref<25088xf32, #tpu.memory_space<vmem_shared>>)
      tpu.yield
    }) : () -> ()
    "tpu.region"() ({
      %run_scoped3A = tpu.sem_alloc : memref<!tpu.dma_semaphore, #tpu.memory_space<semaphore_mem>>
      %dma_start3A_13 = tpu.memref_slice %arg13[%mul3A_0] : memref<401408xf32, #tpu.memory_space<vmem_shared>> -> memref<25088xf32, #tpu.memory_space<vmem_shared>>
      %dma_start3A_14 = tpu.memref_slice %arg2[%mul3A_0] : memref<401408xf32, #tpu.memory_space<hbm>> -> memref<25088xf32, #tpu.memory_space<hbm>>
      tpu.enqueue_dma source(%dma_start3A_14 : memref<25088xf32, #tpu.memory_space<hbm>>) target(%dma_start3A_13 : memref<25088xf32, #tpu.memory_space<vmem_shared>>) target_semaphore(%run_scoped3A : memref<!tpu.dma_semaphore, #tpu.memory_space<semaphore_mem>>)
      %dma_wait3A_15 = tpu.memref_slice %arg13[%mul3A_0] : memref<401408xf32, #tpu.memory_space<vmem_shared>> -> memref<25088xf32, #tpu.memory_space<vmem_shared>>
      %dma_wait3A_16 = tpu.memref_slice %arg2[%mul3A_0] : memref<401408xf32, #tpu.memory_space<hbm>> -> memref<25088xf32, #tpu.memory_space<hbm>>
      tpu.wait_dma2 semaphore(%run_scoped3A : memref<!tpu.dma_semaphore, #tpu.memory_space<semaphore_mem>>) src(%dma_wait3A_16 : memref<25088xf32, #tpu.memory_space<hbm>>) dst(%dma_wait3A_15 : memref<25088xf32, #tpu.memory_space<vmem_shared>>)
      tpu.yield
    }) : () -> ()
    %barrier3A = arith.constant 0 : index
    tpu.barrier barrier_id(%barrier3A)
    %mul3A_1 = arith.constant 800000 : i32
    %mul3A_2 = arith.muli %arg1, %mul3A_1 : i32
    %dma_start3A = tpu.memref_slice %arg3[%mul3A_2] : memref<12800000xi32, #tpu.memory_space<hbm>> -> memref<10000xi32, #tpu.memory_space<hbm>>
    %dma_start3A_3 = tpu.memref_slice %arg3[%mul3A_2] : memref<12800000xi32, #tpu.memory_space<hbm>> -> memref<10000xi32, #tpu.memory_space<hbm>>
    tpu.enqueue_dma source(%dma_start3A_3 : memref<10000xi32, #tpu.memory_space<hbm>>) target(%arg7 : memref<10000xi32, #tpu.memory_space<vmem>>) target_semaphore(%arg15 : memref<!tpu.dma_semaphore, #tpu.memory_space<semaphore_mem>>)
    %dma_start3A_4 = tpu.memref_slice %arg4[%mul3A_2] : memref<12800000xi32, #tpu.memory_space<hbm>> -> memref<10000xi32, #tpu.memory_space<hbm>>
    %dma_start3A_5 = tpu.memref_slice %arg4[%mul3A_2] : memref<12800000xi32, #tpu.memory_space<hbm>> -> memref<10000xi32, #tpu.memory_space<hbm>>
    tpu.enqueue_dma source(%dma_start3A_5 : memref<10000xi32, #tpu.memory_space<hbm>>) target(%arg8 : memref<10000xi32, #tpu.memory_space<vmem>>) target_semaphore(%arg15 : memref<!tpu.dma_semaphore, #tpu.memory_space<semaphore_mem>>)
    %scan3A = arith.constant 0 : i32
    %scan3A_6 = arith.constant 0 : i32
    %scan3A_7 = arith.constant 40 : i32
    %scan3A_8 = arith.addi %scan3A_6, %scan3A_7 : i32
    %scan3A_9 = arith.constant 1 : i32
    scf.for %scan3A_13 = %scan3A_6 to %scan3A_8 step %scan3A_9  : i32 {
      %mul3A_14 = arith.constant 2 : i32
      %mul3A_15 = arith.muli %mul3A_14, %scan3A_13 : i32
      %mul3A_16 = arith.constant 10000 : i32
      %mul3A_17 = arith.muli %mul3A_15, %mul3A_16 : i32
      %add3A = arith.addi %mul3A_2, %mul3A_17 : i32
      %mul3A_18 = arith.constant 2 : i32
      %mul3A_19 = arith.muli %mul3A_18, %scan3A_13 : i32
      %add3A_20 = arith.constant 1 : i32
      %add3A_21 = arith.addi %mul3A_19, %add3A_20 : i32
      %mul3A_22 = arith.constant 10000 : i32
      %mul3A_23 = arith.muli %add3A_21, %mul3A_22 : i32
      %add3A_24 = arith.addi %mul3A_2, %mul3A_23 : i32
      %dma_wait3A_25 = tpu.memref_slice %arg3[%add3A] : memref<12800000xi32, #tpu.memory_space<hbm>> -> memref<10000xi32, #tpu.memory_space<hbm>>
      %dma_wait3A_26 = tpu.memref_slice %arg3[%add3A] : memref<12800000xi32, #tpu.memory_space<hbm>> -> memref<10000xi32, #tpu.memory_space<hbm>>
      tpu.wait_dma2 semaphore(%arg15 : memref<!tpu.dma_semaphore, #tpu.memory_space<semaphore_mem>>) src(%dma_wait3A_26 : memref<10000xi32, #tpu.memory_space<hbm>>) dst(%arg7 : memref<10000xi32, #tpu.memory_space<vmem>>)
      %dma_wait3A_27 = tpu.memref_slice %arg4[%add3A] : memref<12800000xi32, #tpu.memory_space<hbm>> -> memref<10000xi32, #tpu.memory_space<hbm>>
      %dma_wait3A_28 = tpu.memref_slice %arg4[%add3A] : memref<12800000xi32, #tpu.memory_space<hbm>> -> memref<10000xi32, #tpu.memory_space<hbm>>
      tpu.wait_dma2 semaphore(%arg15 : memref<!tpu.dma_semaphore, #tpu.memory_space<semaphore_mem>>) src(%dma_wait3A_28 : memref<10000xi32, #tpu.memory_space<hbm>>) dst(%arg8 : memref<10000xi32, #tpu.memory_space<vmem>>)
      %dma_start3A_29 = arith.constant 0 : i32
      %dma_start3A_30 = tpu.memref_slice %arg13[%dma_start3A_29] : memref<401408xf32, #tpu.memory_space<vmem_shared>> -> memref<401408xf32, #tpu.memory_space<vmem_shared>>
      tpu.enqueue_indirect_dma source(%dma_start3A_30 : memref<401408xf32, #tpu.memory_space<vmem_shared>>) target(%arg11 : memref<10000xf32, #tpu.memory_space<vmem>>) offsets(%arg7 : memref<10000xi32, #tpu.memory_space<vmem>>) semaphore(%arg17 : memref<!tpu.dma_semaphore, #tpu.memory_space<semaphore_mem>>)
      %gt3A = arith.constant 0 : i32
      %gt3A_31 = arith.cmpi sgt, %scan3A_13, %gt3A : i32
      %convert_element_type3A = arith.extui %gt3A_31 : i1 to i32
      %cond3A = arith.constant 0 : i32
      %cond3A_32 = arith.cmpi ne, %convert_element_type3A, %cond3A : i32
      scf.if %cond3A_32 {
        %dma_wait3A_51 = arith.constant 0 : i32
        %dma_wait3A_52 = tpu.memref_slice %arg13[%dma_wait3A_51] : memref<401408xf32, #tpu.memory_space<vmem_shared>> -> memref<401408xf32, #tpu.memory_space<vmem_shared>>
        tpu.wait_indirect_dma semaphore(%arg18 : memref<!tpu.dma_semaphore, #tpu.memory_space<semaphore_mem>>) src(%dma_wait3A_52 : memref<401408xf32, #tpu.memory_space<vmem_shared>>) dst(%arg12 : memref<10000xf32, #tpu.memory_space<vmem>>)
        "tpu.region"() ({
          %run_scoped3A = tpu.sem_alloc : memref<!tpu.dma_semaphore, #tpu.memory_space<semaphore_mem>>
          %dma_start3A_53 = arith.constant 0 : i32
          %dma_start3A_54 = tpu.memref_slice %arg14[%dma_start3A_53] : memref<401408xf32, #tpu.memory_space<vmem_shared>> -> memref<401408xf32, #tpu.memory_space<vmem_shared>>
          tpu.enqueue_indirect_dma source(%arg12 : memref<10000xf32, #tpu.memory_space<vmem>>) target(%dma_start3A_54 : memref<401408xf32, #tpu.memory_space<vmem_shared>>) offsets(%arg10 : memref<10000xi32, #tpu.memory_space<vmem>>) semaphore(%run_scoped3A : memref<!tpu.dma_semaphore, #tpu.memory_space<semaphore_mem>>) {add = true}
          %dma_wait3A_55 = arith.constant 0 : i32
          %dma_wait3A_56 = tpu.memref_slice %arg14[%dma_wait3A_55] : memref<401408xf32, #tpu.memory_space<vmem_shared>> -> memref<401408xf32, #tpu.memory_space<vmem_shared>>
          tpu.wait_indirect_dma semaphore(%run_scoped3A : memref<!tpu.dma_semaphore, #tpu.memory_space<semaphore_mem>>) src(%arg12 : memref<10000xf32, #tpu.memory_space<vmem>>) dst(%dma_wait3A_56 : memref<401408xf32, #tpu.memory_space<vmem_shared>>)
          tpu.yield
        }) : () -> ()
      } else {
      }
      %dma_start3A_33 = tpu.memref_slice %arg3[%add3A_24] : memref<12800000xi32, #tpu.memory_space<hbm>> -> memref<10000xi32, #tpu.memory_space<hbm>>
      %dma_start3A_34 = tpu.memref_slice %arg3[%add3A_24] : memref<12800000xi32, #tpu.memory_space<hbm>> -> memref<10000xi32, #tpu.memory_space<hbm>>
      tpu.enqueue_dma source(%dma_start3A_34 : memref<10000xi32, #tpu.memory_space<hbm>>) target(%arg9 : memref<10000xi32, #tpu.memory_space<vmem>>) target_semaphore(%arg16 : memref<!tpu.dma_semaphore, #tpu.memory_space<semaphore_mem>>)
      %dma_start3A_35 = tpu.memref_slice %arg4[%add3A_24] : memref<12800000xi32, #tpu.memory_space<hbm>> -> memref<10000xi32, #tpu.memory_space<hbm>>
      %dma_start3A_36 = tpu.memref_slice %arg4[%add3A_24] : memref<12800000xi32, #tpu.memory_space<hbm>> -> memref<10000xi32, #tpu.memory_space<hbm>>
      tpu.enqueue_dma source(%dma_start3A_36 : memref<10000xi32, #tpu.memory_space<hbm>>) target(%arg10 : memref<10000xi32, #tpu.memory_space<vmem>>) target_semaphore(%arg16 : memref<!tpu.dma_semaphore, #tpu.memory_space<semaphore_mem>>)
      %dma_wait3A_37 = tpu.memref_slice %arg3[%add3A_24] : memref<12800000xi32, #tpu.memory_space<hbm>> -> memref<10000xi32, #tpu.memory_space<hbm>>
      %dma_wait3A_38 = tpu.memref_slice %arg3[%add3A_24] : memref<12800000xi32, #tpu.memory_space<hbm>> -> memref<10000xi32, #tpu.memory_space<hbm>>
      tpu.wait_dma2 semaphore(%arg16 : memref<!tpu.dma_semaphore, #tpu.memory_space<semaphore_mem>>) src(%dma_wait3A_38 : memref<10000xi32, #tpu.memory_space<hbm>>) dst(%arg9 : memref<10000xi32, #tpu.memory_space<vmem>>)
      %dma_wait3A_39 = tpu.memref_slice %arg4[%add3A_24] : memref<12800000xi32, #tpu.memory_space<hbm>> -> memref<10000xi32, #tpu.memory_space<hbm>>
      %dma_wait3A_40 = tpu.memref_slice %arg4[%add3A_24] : memref<12800000xi32, #tpu.memory_space<hbm>> -> memref<10000xi32, #tpu.memory_space<hbm>>
      tpu.wait_dma2 semaphore(%arg16 : memref<!tpu.dma_semaphore, #tpu.memory_space<semaphore_mem>>) src(%dma_wait3A_40 : memref<10000xi32, #tpu.memory_space<hbm>>) dst(%arg10 : memref<10000xi32, #tpu.memory_space<vmem>>)
      %dma_start3A_41 = arith.constant 0 : i32
      %dma_start3A_42 = tpu.memref_slice %arg13[%dma_start3A_41] : memref<401408xf32, #tpu.memory_space<vmem_shared>> -> memref<401408xf32, #tpu.memory_space<vmem_shared>>
      tpu.enqueue_indirect_dma source(%dma_start3A_42 : memref<401408xf32, #tpu.memory_space<vmem_shared>>) target(%arg12 : memref<10000xf32, #tpu.memory_space<vmem>>) offsets(%arg9 : memref<10000xi32, #tpu.memory_space<vmem>>) semaphore(%arg18 : memref<!tpu.dma_semaphore, #tpu.memory_space<semaphore_mem>>)
      %dma_wait3A_43 = arith.constant 0 : i32
      %dma_wait3A_44 = tpu.memref_slice %arg13[%dma_wait3A_43] : memref<401408xf32, #tpu.memory_space<vmem_shared>> -> memref<401408xf32, #tpu.memory_space<vmem_shared>>
      tpu.wait_indirect_dma semaphore(%arg17 : memref<!tpu.dma_semaphore, #tpu.memory_space<semaphore_mem>>) src(%dma_wait3A_44 : memref<401408xf32, #tpu.memory_space<vmem_shared>>) dst(%arg11 : memref<10000xf32, #tpu.memory_space<vmem>>)
      "tpu.region"() ({
        %run_scoped3A = tpu.sem_alloc : memref<!tpu.dma_semaphore, #tpu.memory_space<semaphore_mem>>
        %dma_start3A_51 = arith.constant 0 : i32
        %dma_start3A_52 = tpu.memref_slice %arg14[%dma_start3A_51] : memref<401408xf32, #tpu.memory_space<vmem_shared>> -> memref<401408xf32, #tpu.memory_space<vmem_shared>>
        tpu.enqueue_indirect_dma source(%arg11 : memref<10000xf32, #tpu.memory_space<vmem>>) target(%dma_start3A_52 : memref<401408xf32, #tpu.memory_space<vmem_shared>>) offsets(%arg8 : memref<10000xi32, #tpu.memory_space<vmem>>) semaphore(%run_scoped3A : memref<!tpu.dma_semaphore, #tpu.memory_space<semaphore_mem>>) {add = true}
        %dma_wait3A_53 = arith.constant 0 : i32
        %dma_wait3A_54 = tpu.memref_slice %arg14[%dma_wait3A_53] : memref<401408xf32, #tpu.memory_space<vmem_shared>> -> memref<401408xf32, #tpu.memory_space<vmem_shared>>
        tpu.wait_indirect_dma semaphore(%run_scoped3A : memref<!tpu.dma_semaphore, #tpu.memory_space<semaphore_mem>>) src(%arg11 : memref<10000xf32, #tpu.memory_space<vmem>>) dst(%dma_wait3A_54 : memref<401408xf32, #tpu.memory_space<vmem_shared>>)
        tpu.yield
      }) : () -> ()
      %add3A_45 = arith.constant 1 : i32
      %add3A_46 = arith.addi %scan3A_13, %add3A_45 : i32
      %lt3A = arith.constant 40 : i32
      %lt3A_47 = arith.cmpi slt, %add3A_46, %lt3A : i32
      %convert_element_type3A_48 = arith.extui %lt3A_47 : i1 to i32
      %cond3A_49 = arith.constant 0 : i32
      %cond3A_50 = arith.cmpi ne, %convert_element_type3A_48, %cond3A_49 : i32
      scf.if %cond3A_50 {
        %mul3A_51 = arith.constant 2 : i32
        %mul3A_52 = arith.muli %mul3A_51, %scan3A_13 : i32
        %add3A_53 = arith.constant 2 : i32
        %add3A_54 = arith.addi %mul3A_52, %add3A_53 : i32
        %mul3A_55 = arith.constant 10000 : i32
        %mul3A_56 = arith.muli %add3A_54, %mul3A_55 : i32
        %add3A_57 = arith.addi %mul3A_2, %mul3A_56 : i32
        %dma_start3A_58 = tpu.memref_slice %arg3[%add3A_57] : memref<12800000xi32, #tpu.memory_space<hbm>> -> memref<10000xi32, #tpu.memory_space<hbm>>
        %dma_start3A_59 = tpu.memref_slice %arg3[%add3A_57] : memref<12800000xi32, #tpu.memory_space<hbm>> -> memref<10000xi32, #tpu.memory_space<hbm>>
        tpu.enqueue_dma source(%dma_start3A_59 : memref<10000xi32, #tpu.memory_space<hbm>>) target(%arg7 : memref<10000xi32, #tpu.memory_space<vmem>>) target_semaphore(%arg15 : memref<!tpu.dma_semaphore, #tpu.memory_space<semaphore_mem>>)
        %dma_start3A_60 = tpu.memref_slice %arg4[%add3A_57] : memref<12800000xi32, #tpu.memory_space<hbm>> -> memref<10000xi32, #tpu.memory_space<hbm>>
        %dma_start3A_61 = tpu.memref_slice %arg4[%add3A_57] : memref<12800000xi32, #tpu.memory_space<hbm>> -> memref<10000xi32, #tpu.memory_space<hbm>>
        tpu.enqueue_dma source(%dma_start3A_61 : memref<10000xi32, #tpu.memory_space<hbm>>) target(%arg8 : memref<10000xi32, #tpu.memory_space<vmem>>) target_semaphore(%arg15 : memref<!tpu.dma_semaphore, #tpu.memory_space<semaphore_mem>>)
      } else {
      }
    }
    %scan3A_10 = arith.constant 40 : i32
    %dma_wait3A = arith.constant 0 : i32
    %dma_wait3A_11 = tpu.memref_slice %arg13[%dma_wait3A] : memref<401408xf32, #tpu.memory_space<vmem_shared>> -> memref<401408xf32, #tpu.memory_space<vmem_shared>>
    tpu.wait_indirect_dma semaphore(%arg18 : memref<!tpu.dma_semaphore, #tpu.memory_space<semaphore_mem>>) src(%dma_wait3A_11 : memref<401408xf32, #tpu.memory_space<vmem_shared>>) dst(%arg12 : memref<10000xf32, #tpu.memory_space<vmem>>)
    "tpu.region"() ({
      %run_scoped3A = tpu.sem_alloc : memref<!tpu.dma_semaphore, #tpu.memory_space<semaphore_mem>>
      %dma_start3A_13 = arith.constant 0 : i32
      %dma_start3A_14 = tpu.memref_slice %arg14[%dma_start3A_13] : memref<401408xf32, #tpu.memory_space<vmem_shared>> -> memref<401408xf32, #tpu.memory_space<vmem_shared>>
      tpu.enqueue_indirect_dma source(%arg12 : memref<10000xf32, #tpu.memory_space<vmem>>) target(%dma_start3A_14 : memref<401408xf32, #tpu.memory_space<vmem_shared>>) offsets(%arg10 : memref<10000xi32, #tpu.memory_space<vmem>>) semaphore(%run_scoped3A : memref<!tpu.dma_semaphore, #tpu.memory_space<semaphore_mem>>) {add = true}
      %dma_wait3A_15 = arith.constant 0 : i32
      %dma_wait3A_16 = tpu.memref_slice %arg14[%dma_wait3A_15] : memref<401408xf32, #tpu.memory_space<vmem_shared>> -> memref<401408xf32, #tpu.memory_space<vmem_shared>>
      tpu.wait_indirect_dma semaphore(%run_scoped3A : memref<!tpu.dma_semaphore, #tpu.memory_space<semaphore_mem>>) src(%arg12 : memref<10000xf32, #tpu.memory_space<vmem>>) dst(%dma_wait3A_16 : memref<401408xf32, #tpu.memory_space<vmem_shared>>)
      tpu.yield
    }) : () -> ()
    %barrier3A_12 = arith.constant 0 : index
    tpu.barrier barrier_id(%barrier3A_12)
    "tpu.region"() ({
      %run_scoped3A = tpu.sem_alloc : memref<!tpu.dma_semaphore, #tpu.memory_space<semaphore_mem>>
      %dma_start3A_13 = tpu.memref_slice %arg6[%mul3A_0] : memref<401408xf32, #tpu.memory_space<hbm>> -> memref<25088xf32, #tpu.memory_space<hbm>>
      %dma_start3A_14 = tpu.memref_slice %arg14[%mul3A_0] : memref<401408xf32, #tpu.memory_space<vmem_shared>> -> memref<25088xf32, #tpu.memory_space<vmem_shared>>
      tpu.enqueue_dma source(%dma_start3A_14 : memref<25088xf32, #tpu.memory_space<vmem_shared>>) target(%dma_start3A_13 : memref<25088xf32, #tpu.memory_space<hbm>>) target_semaphore(%run_scoped3A : memref<!tpu.dma_semaphore, #tpu.memory_space<semaphore_mem>>)
      %dma_wait3A_15 = tpu.memref_slice %arg6[%mul3A_0] : memref<401408xf32, #tpu.memory_space<hbm>> -> memref<25088xf32, #tpu.memory_space<hbm>>
      %dma_wait3A_16 = tpu.memref_slice %arg14[%mul3A_0] : memref<401408xf32, #tpu.memory_space<vmem_shared>> -> memref<25088xf32, #tpu.memory_space<vmem_shared>>
      tpu.wait_dma2 semaphore(%run_scoped3A : memref<!tpu.dma_semaphore, #tpu.memory_space<semaphore_mem>>) src(%dma_wait3A_16 : memref<25088xf32, #tpu.memory_space<vmem_shared>>) dst(%dma_wait3A_15 : memref<25088xf32, #tpu.memory_space<hbm>>)
      tpu.yield
    }) : () -> ()
    return
  }
}

#map = affine_map<(d0, d1) -> (0)>
module attributes {stable_mosaic.version = 14 : i64} {
  func.func @agg(%arg0: i32, %arg1: i32, %arg2: memref<401408xf32, #tpu.memory_space<hbm>>, %arg3: memref<12800000xi32, #tpu.memory_space<hbm>>, %arg4: memref<12800000xi32, #tpu.memory_space<hbm>>, %arg5: memref<401408xf32, #tpu.memory_space<hbm>>, %arg6: memref<401408xf32, #tpu.memory_space<hbm>>, %arg7: memref<10000xi32, #tpu.memory_space<vmem>>, %arg8: memref<10000xi32, #tpu.memory_space<vmem>>, %arg9: memref<10000xi32, #tpu.memory_space<vmem>>, %arg10: memref<10000xi32, #tpu.memory_space<vmem>>, %arg11: memref<10000xf32, #tpu.memory_space<vmem>>, %arg12: memref<10000xf32, #tpu.memory_space<vmem>>, %arg13: memref<401408xf32, #tpu.memory_space<vmem_shared>>, %arg14: memref<401408xf32, #tpu.memory_space<vmem_shared>>, %arg15: memref<!tpu.dma_semaphore, #tpu.memory_space<semaphore_mem>>, %arg16: memref<!tpu.dma_semaphore, #tpu.memory_space<semaphore_mem>>, %arg17: memref<!tpu.dma_semaphore, #tpu.memory_space<semaphore_mem>>, %arg18: memref<!tpu.dma_semaphore, #tpu.memory_space<semaphore_mem>>) attributes {dimension_semantics = [#tpu.dimension_semantics<core_parallel>, #tpu.dimension_semantics<subcore_parallel>], iteration_bounds = array<i64: 1, 16>, scalar_prefetch = 0 : i64, scratch_operands = 12 : i64, tpu.core_type = #tpu.core_type<sc_vector_subcore>, window_params = [{transform_indices = #map}, {transform_indices = #map}, {transform_indices = #map}, {transform_indices = #map}, {transform_indices = #map}]} {
    %mul3A = arith.constant 25088 : i32
    %mul3A_0 = arith.muli %arg1, %mul3A : i32
    "tpu.region"() ({
      %run_scoped3A = tpu.sem_alloc : memref<!tpu.dma_semaphore, #tpu.memory_space<semaphore_mem>>
      %dma_start3A_13 = tpu.memref_slice %arg14[%mul3A_0] : memref<401408xf32, #tpu.memory_space<vmem_shared>> -> memref<25088xf32, #tpu.memory_space<vmem_shared>>
      %dma_start3A_14 = tpu.memref_slice %arg5[%mul3A_0] : memref<401408xf32, #tpu.memory_space<hbm>> -> memref<25088xf32, #tpu.memory_space<hbm>>
      tpu.enqueue_dma source(%dma_start3A_14 : memref<25088xf32, #tpu.memory_space<hbm>>) target(%dma_start3A_13 : memref<25088xf32, #tpu.memory_space<vmem_shared>>) target_semaphore(%run_scoped3A : memref<!tpu.dma_semaphore, #tpu.memory_space<semaphore_mem>>)
      %dma_wait3A_15 = tpu.memref_slice %arg14[%mul3A_0] : memref<401408xf32, #tpu.memory_space<vmem_shared>> -> memref<25088xf32, #tpu.memory_space<vmem_shared>>
      %dma_wait3A_16 = tpu.memref_slice %arg5[%mul3A_0] : memref<401408xf32, #tpu.memory_space<hbm>> -> memref<25088xf32, #tpu.memory_space<hbm>>
      tpu.wait_dma2 semaphore(%run_scoped3A : memref<!tpu.dma_semaphore, #tpu.memory_space<semaphore_mem>>) src(%dma_wait3A_16 : memref<25088xf32, #tpu.memory_space<hbm>>) dst(%dma_wait3A_15 : memref<25088xf32, #tpu.memory_space<vmem_shared>>)
      tpu.yield
    }) : () -> ()
    "tpu.region"() ({
      %run_scoped3A = tpu.sem_alloc : memref<!tpu.dma_semaphore, #tpu.memory_space<semaphore_mem>>
      %dma_start3A_13 = tpu.memref_slice %arg13[%mul3A_0] : memref<401408xf32, #tpu.memory_space<vmem_shared>> -> memref<25088xf32, #tpu.memory_space<vmem_shared>>
      %dma_start3A_14 = tpu.memref_slice %arg2[%mul3A_0] : memref<401408xf32, #tpu.memory_space<hbm>> -> memref<25088xf32, #tpu.memory_space<hbm>>
      tpu.enqueue_dma source(%dma_start3A_14 : memref<25088xf32, #tpu.memory_space<hbm>>) target(%dma_start3A_13 : memref<25088xf32, #tpu.memory_space<vmem_shared>>) target_semaphore(%run_scoped3A : memref<!tpu.dma_semaphore, #tpu.memory_space<semaphore_mem>>)
      %dma_wait3A_15 = tpu.memref_slice %arg13[%mul3A_0] : memref<401408xf32, #tpu.memory_space<vmem_shared>> -> memref<25088xf32, #tpu.memory_space<vmem_shared>>
      %dma_wait3A_16 = tpu.memref_slice %arg2[%mul3A_0] : memref<401408xf32, #tpu.memory_space<hbm>> -> memref<25088xf32, #tpu.memory_space<hbm>>
      tpu.wait_dma2 semaphore(%run_scoped3A : memref<!tpu.dma_semaphore, #tpu.memory_space<semaphore_mem>>) src(%dma_wait3A_16 : memref<25088xf32, #tpu.memory_space<hbm>>) dst(%dma_wait3A_15 : memref<25088xf32, #tpu.memory_space<vmem_shared>>)
      tpu.yield
    }) : () -> ()
    %barrier3A = arith.constant 0 : index
    tpu.barrier barrier_id(%barrier3A)
    %mul3A_1 = arith.constant 800000 : i32
    %mul3A_2 = arith.muli %arg1, %mul3A_1 : i32
    %dma_start3A = tpu.memref_slice %arg3[%mul3A_2] : memref<12800000xi32, #tpu.memory_space<hbm>> -> memref<10000xi32, #tpu.memory_space<hbm>>
    %dma_start3A_3 = tpu.memref_slice %arg3[%mul3A_2] : memref<12800000xi32, #tpu.memory_space<hbm>> -> memref<10000xi32, #tpu.memory_space<hbm>>
    tpu.enqueue_dma source(%dma_start3A_3 : memref<10000xi32, #tpu.memory_space<hbm>>) target(%arg7 : memref<10000xi32, #tpu.memory_space<vmem>>) target_semaphore(%arg15 : memref<!tpu.dma_semaphore, #tpu.memory_space<semaphore_mem>>)
    %dma_start3A_4 = tpu.memref_slice %arg4[%mul3A_2] : memref<12800000xi32, #tpu.memory_space<hbm>> -> memref<10000xi32, #tpu.memory_space<hbm>>
    %dma_start3A_5 = tpu.memref_slice %arg4[%mul3A_2] : memref<12800000xi32, #tpu.memory_space<hbm>> -> memref<10000xi32, #tpu.memory_space<hbm>>
    tpu.enqueue_dma source(%dma_start3A_5 : memref<10000xi32, #tpu.memory_space<hbm>>) target(%arg8 : memref<10000xi32, #tpu.memory_space<vmem>>) target_semaphore(%arg15 : memref<!tpu.dma_semaphore, #tpu.memory_space<semaphore_mem>>)
    %scan3A = arith.constant 0 : i32
    %scan3A_6 = arith.constant 0 : i32
    %scan3A_7 = arith.constant 40 : i32
    %scan3A_8 = arith.addi %scan3A_6, %scan3A_7 : i32
    %scan3A_9 = arith.constant 1 : i32
    scf.for %scan3A_13 = %scan3A_6 to %scan3A_8 step %scan3A_9  : i32 {
      %mul3A_14 = arith.constant 2 : i32
      %mul3A_15 = arith.muli %mul3A_14, %scan3A_13 : i32
      %mul3A_16 = arith.constant 10000 : i32
      %mul3A_17 = arith.muli %mul3A_15, %mul3A_16 : i32
      %add3A = arith.addi %mul3A_2, %mul3A_17 : i32
      %mul3A_18 = arith.constant 2 : i32
      %mul3A_19 = arith.muli %mul3A_18, %scan3A_13 : i32
      %add3A_20 = arith.constant 1 : i32
      %add3A_21 = arith.addi %mul3A_19, %add3A_20 : i32
      %mul3A_22 = arith.constant 10000 : i32
      %mul3A_23 = arith.muli %add3A_21, %mul3A_22 : i32
      %add3A_24 = arith.addi %mul3A_2, %mul3A_23 : i32
      %dma_wait3A_25 = tpu.memref_slice %arg3[%add3A] : memref<12800000xi32, #tpu.memory_space<hbm>> -> memref<10000xi32, #tpu.memory_space<hbm>>
      %dma_wait3A_26 = tpu.memref_slice %arg3[%add3A] : memref<12800000xi32, #tpu.memory_space<hbm>> -> memref<10000xi32, #tpu.memory_space<hbm>>
      tpu.wait_dma2 semaphore(%arg15 : memref<!tpu.dma_semaphore, #tpu.memory_space<semaphore_mem>>) src(%dma_wait3A_26 : memref<10000xi32, #tpu.memory_space<hbm>>) dst(%arg7 : memref<10000xi32, #tpu.memory_space<vmem>>)
      %dma_wait3A_27 = tpu.memref_slice %arg4[%add3A] : memref<12800000xi32, #tpu.memory_space<hbm>> -> memref<10000xi32, #tpu.memory_space<hbm>>
      %dma_wait3A_28 = tpu.memref_slice %arg4[%add3A] : memref<12800000xi32, #tpu.memory_space<hbm>> -> memref<10000xi32, #tpu.memory_space<hbm>>
      tpu.wait_dma2 semaphore(%arg15 : memref<!tpu.dma_semaphore, #tpu.memory_space<semaphore_mem>>) src(%dma_wait3A_28 : memref<10000xi32, #tpu.memory_space<hbm>>) dst(%arg8 : memref<10000xi32, #tpu.memory_space<vmem>>)
      %dma_start3A_29 = arith.constant 0 : i32
      %dma_start3A_30 = tpu.memref_slice %arg13[%dma_start3A_29] : memref<401408xf32, #tpu.memory_space<vmem_shared>> -> memref<401408xf32, #tpu.memory_space<vmem_shared>>
      tpu.enqueue_indirect_dma source(%dma_start3A_30 : memref<401408xf32, #tpu.memory_space<vmem_shared>>) target(%arg11 : memref<10000xf32, #tpu.memory_space<vmem>>) offsets(%arg7 : memref<10000xi32, #tpu.memory_space<vmem>>) semaphore(%arg17 : memref<!tpu.dma_semaphore, #tpu.memory_space<semaphore_mem>>)
      %gt3A = arith.constant 0 : i32
      %gt3A_31 = arith.cmpi sgt, %scan3A_13, %gt3A : i32
      %convert_element_type3A = arith.extui %gt3A_31 : i1 to i32
      %cond3A = arith.constant 0 : i32
      %cond3A_32 = arith.cmpi ne, %convert_element_type3A, %cond3A : i32
      scf.if %cond3A_32 {
        %dma_wait3A_51 = arith.constant 0 : i32
        %dma_wait3A_52 = tpu.memref_slice %arg13[%dma_wait3A_51] : memref<401408xf32, #tpu.memory_space<vmem_shared>> -> memref<401408xf32, #tpu.memory_space<vmem_shared>>
        tpu.wait_indirect_dma semaphore(%arg18 : memref<!tpu.dma_semaphore, #tpu.memory_space<semaphore_mem>>) src(%dma_wait3A_52 : memref<401408xf32, #tpu.memory_space<vmem_shared>>) dst(%arg12 : memref<10000xf32, #tpu.memory_space<vmem>>)
        "tpu.region"() ({
          %run_scoped3A = tpu.sem_alloc : memref<!tpu.dma_semaphore, #tpu.memory_space<semaphore_mem>>
          %dma_start3A_53 = arith.constant 0 : i32
          %dma_start3A_54 = tpu.memref_slice %arg14[%dma_start3A_53] : memref<401408xf32, #tpu.memory_space<vmem_shared>> -> memref<401408xf32, #tpu.memory_space<vmem_shared>>
          tpu.enqueue_indirect_dma source(%arg12 : memref<10000xf32, #tpu.memory_space<vmem>>) target(%dma_start3A_54 : memref<401408xf32, #tpu.memory_space<vmem_shared>>) offsets(%arg10 : memref<10000xi32, #tpu.memory_space<vmem>>) semaphore(%run_scoped3A : memref<!tpu.dma_semaphore, #tpu.memory_space<semaphore_mem>>) {add = true}
          %dma_wait3A_55 = arith.constant 0 : i32
          %dma_wait3A_56 = tpu.memref_slice %arg14[%dma_wait3A_55] : memref<401408xf32, #tpu.memory_space<vmem_shared>> -> memref<401408xf32, #tpu.memory_space<vmem_shared>>
          tpu.wait_indirect_dma semaphore(%run_scoped3A : memref<!tpu.dma_semaphore, #tpu.memory_space<semaphore_mem>>) src(%arg12 : memref<10000xf32, #tpu.memory_space<vmem>>) dst(%dma_wait3A_56 : memref<401408xf32, #tpu.memory_space<vmem_shared>>)
          tpu.yield
        }) : () -> ()
      } else {
      }
      %dma_start3A_33 = tpu.memref_slice %arg3[%add3A_24] : memref<12800000xi32, #tpu.memory_space<hbm>> -> memref<10000xi32, #tpu.memory_space<hbm>>
      %dma_start3A_34 = tpu.memref_slice %arg3[%add3A_24] : memref<12800000xi32, #tpu.memory_space<hbm>> -> memref<10000xi32, #tpu.memory_space<hbm>>
      tpu.enqueue_dma source(%dma_start3A_34 : memref<10000xi32, #tpu.memory_space<hbm>>) target(%arg9 : memref<10000xi32, #tpu.memory_space<vmem>>) target_semaphore(%arg16 : memref<!tpu.dma_semaphore, #tpu.memory_space<semaphore_mem>>)
      %dma_start3A_35 = tpu.memref_slice %arg4[%add3A_24] : memref<12800000xi32, #tpu.memory_space<hbm>> -> memref<10000xi32, #tpu.memory_space<hbm>>
      %dma_start3A_36 = tpu.memref_slice %arg4[%add3A_24] : memref<12800000xi32, #tpu.memory_space<hbm>> -> memref<10000xi32, #tpu.memory_space<hbm>>
      tpu.enqueue_dma source(%dma_start3A_36 : memref<10000xi32, #tpu.memory_space<hbm>>) target(%arg10 : memref<10000xi32, #tpu.memory_space<vmem>>) target_semaphore(%arg16 : memref<!tpu.dma_semaphore, #tpu.memory_space<semaphore_mem>>)
      %dma_wait3A_37 = tpu.memref_slice %arg3[%add3A_24] : memref<12800000xi32, #tpu.memory_space<hbm>> -> memref<10000xi32, #tpu.memory_space<hbm>>
      %dma_wait3A_38 = tpu.memref_slice %arg3[%add3A_24] : memref<12800000xi32, #tpu.memory_space<hbm>> -> memref<10000xi32, #tpu.memory_space<hbm>>
      tpu.wait_dma2 semaphore(%arg16 : memref<!tpu.dma_semaphore, #tpu.memory_space<semaphore_mem>>) src(%dma_wait3A_38 : memref<10000xi32, #tpu.memory_space<hbm>>) dst(%arg9 : memref<10000xi32, #tpu.memory_space<vmem>>)
      %dma_wait3A_39 = tpu.memref_slice %arg4[%add3A_24] : memref<12800000xi32, #tpu.memory_space<hbm>> -> memref<10000xi32, #tpu.memory_space<hbm>>
      %dma_wait3A_40 = tpu.memref_slice %arg4[%add3A_24] : memref<12800000xi32, #tpu.memory_space<hbm>> -> memref<10000xi32, #tpu.memory_space<hbm>>
      tpu.wait_dma2 semaphore(%arg16 : memref<!tpu.dma_semaphore, #tpu.memory_space<semaphore_mem>>) src(%dma_wait3A_40 : memref<10000xi32, #tpu.memory_space<hbm>>) dst(%arg10 : memref<10000xi32, #tpu.memory_space<vmem>>)
      %dma_start3A_41 = arith.constant 0 : i32
      %dma_start3A_42 = tpu.memref_slice %arg13[%dma_start3A_41] : memref<401408xf32, #tpu.memory_space<vmem_shared>> -> memref<401408xf32, #tpu.memory_space<vmem_shared>>
      tpu.enqueue_indirect_dma source(%dma_start3A_42 : memref<401408xf32, #tpu.memory_space<vmem_shared>>) target(%arg12 : memref<10000xf32, #tpu.memory_space<vmem>>) offsets(%arg9 : memref<10000xi32, #tpu.memory_space<vmem>>) semaphore(%arg18 : memref<!tpu.dma_semaphore, #tpu.memory_space<semaphore_mem>>)
      %dma_wait3A_43 = arith.constant 0 : i32
      %dma_wait3A_44 = tpu.memref_slice %arg13[%dma_wait3A_43] : memref<401408xf32, #tpu.memory_space<vmem_shared>> -> memref<401408xf32, #tpu.memory_space<vmem_shared>>
      tpu.wait_indirect_dma semaphore(%arg17 : memref<!tpu.dma_semaphore, #tpu.memory_space<semaphore_mem>>) src(%dma_wait3A_44 : memref<401408xf32, #tpu.memory_space<vmem_shared>>) dst(%arg11 : memref<10000xf32, #tpu.memory_space<vmem>>)
      "tpu.region"() ({
        %run_scoped3A = tpu.sem_alloc : memref<!tpu.dma_semaphore, #tpu.memory_space<semaphore_mem>>
        %dma_start3A_51 = arith.constant 0 : i32
        %dma_start3A_52 = tpu.memref_slice %arg14[%dma_start3A_51] : memref<401408xf32, #tpu.memory_space<vmem_shared>> -> memref<401408xf32, #tpu.memory_space<vmem_shared>>
        tpu.enqueue_indirect_dma source(%arg11 : memref<10000xf32, #tpu.memory_space<vmem>>) target(%dma_start3A_52 : memref<401408xf32, #tpu.memory_space<vmem_shared>>) offsets(%arg8 : memref<10000xi32, #tpu.memory_space<vmem>>) semaphore(%run_scoped3A : memref<!tpu.dma_semaphore, #tpu.memory_space<semaphore_mem>>) {add = true}
        %dma_wait3A_53 = arith.constant 0 : i32
        %dma_wait3A_54 = tpu.memref_slice %arg14[%dma_wait3A_53] : memref<401408xf32, #tpu.memory_space<vmem_shared>> -> memref<401408xf32, #tpu.memory_space<vmem_shared>>
        tpu.wait_indirect_dma semaphore(%run_scoped3A : memref<!tpu.dma_semaphore, #tpu.memory_space<semaphore_mem>>) src(%arg11 : memref<10000xf32, #tpu.memory_space<vmem>>) dst(%dma_wait3A_54 : memref<401408xf32, #tpu.memory_space<vmem_shared>>)
        tpu.yield
      }) : () -> ()
      %add3A_45 = arith.constant 1 : i32
      %add3A_46 = arith.addi %scan3A_13, %add3A_45 : i32
      %lt3A = arith.constant 40 : i32
      %lt3A_47 = arith.cmpi slt, %add3A_46, %lt3A : i32
      %convert_element_type3A_48 = arith.extui %lt3A_47 : i1 to i32
      %cond3A_49 = arith.constant 0 : i32
      %cond3A_50 = arith.cmpi ne, %convert_element_type3A_48, %cond3A_49 : i32
      scf.if %cond3A_50 {
        %mul3A_51 = arith.constant 2 : i32
        %mul3A_52 = arith.muli %mul3A_51, %scan3A_13 : i32
        %add3A_53 = arith.constant 2 : i32
        %add3A_54 = arith.addi %mul3A_52, %add3A_53 : i32
        %mul3A_55 = arith.constant 10000 : i32
        %mul3A_56 = arith.muli %add3A_54, %mul3A_55 : i32
        %add3A_57 = arith.addi %mul3A_2, %mul3A_56 : i32
        %dma_start3A_58 = tpu.memref_slice %arg3[%add3A_57] : memref<12800000xi32, #tpu.memory_space<hbm>> -> memref<10000xi32, #tpu.memory_space<hbm>>
        %dma_start3A_59 = tpu.memref_slice %arg3[%add3A_57] : memref<12800000xi32, #tpu.memory_space<hbm>> -> memref<10000xi32, #tpu.memory_space<hbm>>
        tpu.enqueue_dma source(%dma_start3A_59 : memref<10000xi32, #tpu.memory_space<hbm>>) target(%arg7 : memref<10000xi32, #tpu.memory_space<vmem>>) target_semaphore(%arg15 : memref<!tpu.dma_semaphore, #tpu.memory_space<semaphore_mem>>)
        %dma_start3A_60 = tpu.memref_slice %arg4[%add3A_57] : memref<12800000xi32, #tpu.memory_space<hbm>> -> memref<10000xi32, #tpu.memory_space<hbm>>
        %dma_start3A_61 = tpu.memref_slice %arg4[%add3A_57] : memref<12800000xi32, #tpu.memory_space<hbm>> -> memref<10000xi32, #tpu.memory_space<hbm>>
        tpu.enqueue_dma source(%dma_start3A_61 : memref<10000xi32, #tpu.memory_space<hbm>>) target(%arg8 : memref<10000xi32, #tpu.memory_space<vmem>>) target_semaphore(%arg15 : memref<!tpu.dma_semaphore, #tpu.memory_space<semaphore_mem>>)
      } else {
      }
    }
    %scan3A_10 = arith.constant 40 : i32
    %dma_wait3A = arith.constant 0 : i32
    %dma_wait3A_11 = tpu.memref_slice %arg13[%dma_wait3A] : memref<401408xf32, #tpu.memory_space<vmem_shared>> -> memref<401408xf32, #tpu.memory_space<vmem_shared>>
    tpu.wait_indirect_dma semaphore(%arg18 : memref<!tpu.dma_semaphore, #tpu.memory_space<semaphore_mem>>) src(%dma_wait3A_11 : memref<401408xf32, #tpu.memory_space<vmem_shared>>) dst(%arg12 : memref<10000xf32, #tpu.memory_space<vmem>>)
    "tpu.region"() ({
      %run_scoped3A = tpu.sem_alloc : memref<!tpu.dma_semaphore, #tpu.memory_space<semaphore_mem>>
      %dma_start3A_13 = arith.constant 0 : i32
      %dma_start3A_14 = tpu.memref_slice %arg14[%dma_start3A_13] : memref<401408xf32, #tpu.memory_space<vmem_shared>> -> memref<401408xf32, #tpu.memory_space<vmem_shared>>
      tpu.enqueue_indirect_dma source(%arg12 : memref<10000xf32, #tpu.memory_space<vmem>>) target(%dma_start3A_14 : memref<401408xf32, #tpu.memory_space<vmem_shared>>) offsets(%arg10 : memref<10000xi32, #tpu.memory_space<vmem>>) semaphore(%run_scoped3A : memref<!tpu.dma_semaphore, #tpu.memory_space<semaphore_mem>>) {add = true}
      %dma_wait3A_15 = arith.constant 0 : i32
      %dma_wait3A_16 = tpu.memref_slice %arg14[%dma_wait3A_15] : memref<401408xf32, #tpu.memory_space<vmem_shared>> -> memref<401408xf32, #tpu.memory_space<vmem_shared>>
      tpu.wait_indirect_dma semaphore(%run_scoped3A : memref<!tpu.dma_semaphore, #tpu.memory_space<semaphore_mem>>) src(%arg12 : memref<10000xf32, #tpu.memory_space<vmem>>) dst(%dma_wait3A_16 : memref<401408xf32, #tpu.memory_space<vmem_shared>>)
      tpu.yield
    }) : () -> ()
    %barrier3A_12 = arith.constant 0 : index
    tpu.barrier barrier_id(%barrier3A_12)
    "tpu.region"() ({
      %run_scoped3A = tpu.sem_alloc : memref<!tpu.dma_semaphore, #tpu.memory_space<semaphore_mem>>
      %dma_start3A_13 = tpu.memref_slice %arg6[%mul3A_0] : memref<401408xf32, #tpu.memory_space<hbm>> -> memref<25088xf32, #tpu.memory_space<hbm>>
      %dma_start3A_14 = tpu.memref_slice %arg14[%mul3A_0] : memref<401408xf32, #tpu.memory_space<vmem_shared>> -> memref<25088xf32, #tpu.memory_space<vmem_shared>>
      tpu.enqueue_dma source(%dma_start3A_14 : memref<25088xf32, #tpu.memory_space<vmem_shared>>) target(%dma_start3A_13 : memref<25088xf32, #tpu.memory_space<hbm>>) target_semaphore(%run_scoped3A : memref<!tpu.dma_semaphore, #tpu.memory_space<semaphore_mem>>)
      %dma_wait3A_15 = tpu.memref_slice %arg6[%mul3A_0] : memref<401408xf32, #tpu.memory_space<hbm>> -> memref<25088xf32, #tpu.memory_space<hbm>>
      %dma_wait3A_16 = tpu.memref_slice %arg14[%mul3A_0] : memref<401408xf32, #tpu.memory_space<vmem_shared>> -> memref<25088xf32, #tpu.memory_space<vmem_shared>>
      tpu.wait_dma2 semaphore(%run_scoped3A : memref<!tpu.dma_semaphore, #tpu.memory_space<semaphore_mem>>) src(%dma_wait3A_16 : memref<25088xf32, #tpu.memory_space<vmem_shared>>) dst(%dma_wait3A_15 : memref<25088xf32, #tpu.memory_space<hbm>>)
      tpu.yield
    }) : () -> ()
    return
  }
}

module attributes {stable_mosaic.version = 14 : i64} {
  func.func @body(%arg0: i32, %arg1: memref<2000x1xf32, #tpu.memory_space<vmem>>, %arg2: memref<2000x4xf32, #tpu.memory_space<vmem>>, %arg3: memref<2000x1xf32, #tpu.memory_space<vmem>>, %arg4: memref<2000x4xf32, #tpu.memory_space<vmem>>) attributes {dimension_semantics = [#tpu.dimension_semantics<arbitrary>], iteration_bounds = array<i64: 50>, scalar_prefetch = 0 : i64, scratch_operands = 0 : i64, tpu.core_type = #tpu.core_type<tc>, window_params = [{transform_indices = @transform_0, window_bounds = array<i64: 2000, 1>}, {transform_indices = @transform_1, window_bounds = array<i64: 2000, 4>}, {transform_indices = @transform_2, window_bounds = array<i64: 2000, 1>}, {transform_indices = @transform_3, window_bounds = array<i64: 2000, 4>}]} {
    %get3A = arith.constant 0 : index
    %get3A_0 = arith.constant 0 : index
    %get3A_1 = vector.load %arg1[%get3A, %get3A_0] : memref<2000x1xf32, #tpu.memory_space<vmem>>, vector<2000x1xf32>
    %add3A = arith.constant 1.000000e+00 : f32
    %add3A_2 = vector.broadcast %add3A : f32 to vector<2000x1xf32>
    %add3A_3 = arith.addf %get3A_1, %add3A_2 : vector<2000x1xf32>
    %rsqrt3A = math.rsqrt %add3A_3 : vector<2000x1xf32>
    %swap3A = arith.constant 0 : index
    %swap3A_4 = arith.constant 0 : index
    %swap3A_5 = vector.load %arg3[%swap3A, %swap3A_4] : memref<2000x1xf32, #tpu.memory_space<vmem>>, vector<2000x1xf32>
    tpu.vector_store %arg3[%swap3A, %swap3A_4], %rsqrt3A {strides = array<i32>} : memref<2000x1xf32, #tpu.memory_space<vmem>>, vector<2000x1xf32>,
    %get3A_6 = arith.constant 0 : index
    %get3A_7 = arith.constant 0 : index
    %get3A_8 = vector.load %arg2[%get3A_6, %get3A_7] : memref<2000x4xf32, #tpu.memory_space<vmem>>, vector<2000x4xf32>
    %mul3A = vector.broadcast %rsqrt3A : vector<2000x1xf32> to vector<2000x4xf32>
    %mul3A_9 = arith.mulf %mul3A, %get3A_8 : vector<2000x4xf32>
    %swap3A_10 = arith.constant 0 : index
    %swap3A_11 = arith.constant 0 : index
    %swap3A_12 = vector.load %arg4[%swap3A_10, %swap3A_11] : memref<2000x4xf32, #tpu.memory_space<vmem>>, vector<2000x4xf32>
    tpu.vector_store %arg4[%swap3A_10, %swap3A_11], %mul3A_9 {strides = array<i32>} : memref<2000x4xf32, #tpu.memory_space<vmem>>, vector<2000x4xf32>,
    return
  }
  func.func @transform_0(%arg0: i32) -> (i32, i32) {
    %c0_i32 = arith.constant 0 : i32
    %c0_i32_0 = arith.constant 0 : i32
    return %arg0, %c0_i32 : i32, i32
  }
  func.func @transform_1(%arg0: i32) -> (i32, i32) {
    %c0_i32 = arith.constant 0 : i32
    %c0_i32_0 = arith.constant 0 : i32
    return %arg0, %c0_i32 : i32, i32
  }
  func.func @transform_2(%arg0: i32) -> (i32, i32) {
    %c0_i32 = arith.constant 0 : i32
    %c0_i32_0 = arith.constant 0 : i32
    return %arg0, %c0_i32 : i32, i32
  }
  func.func @transform_3(%arg0: i32) -> (i32, i32) {
    %c0_i32 = arith.constant 0 : i32
    %c0_i32_0 = arith.constant 0 : i32
    return %arg0, %c0_i32 : i32, i32
  }
}

module attributes {stable_mosaic.version = 14 : i64} {
  func.func @body(%arg0: i32, %arg1: i32, %arg2: memref<2000x4xf32, #tpu.memory_space<vmem>>, %arg3: memref<2000x4xf32, #tpu.memory_space<vmem>>, %arg4: memref<2000x1xf32, #tpu.memory_space<vmem>>, %arg5: memref<4x16xf32, #tpu.memory_space<vmem>>, %arg6: memref<1x16xf32, #tpu.memory_space<vmem>>, %arg7: memref<1x16xf32, #tpu.memory_space<vmem>>, %arg8: memref<1x16xf32, #tpu.memory_space<vmem>>, %arg9: memref<16x8xf32, #tpu.memory_space<vmem>>, %arg10: memref<2000x4xf32, #tpu.memory_space<vmem>>, %arg11: memref<2000x4xf32, #tpu.memory_space<vmem>>, %arg12: memref<8x128xf32, #tpu.memory_space<vmem>>) attributes {dimension_semantics = [#tpu.dimension_semantics<arbitrary>, #tpu.dimension_semantics<arbitrary>], iteration_bounds = array<i64: 2, 50>, scalar_prefetch = 0 : i64, scratch_operands = 1 : i64, tpu.core_type = #tpu.core_type<tc>, window_params = [{transform_indices = @transform_0, window_bounds = array<i64: 2000, 4>}, {transform_indices = @transform_1, window_bounds = array<i64: 2000, 4>}, {transform_indices = @transform_2, window_bounds = array<i64: 2000, 1>}, {pipeline_mode = #tpu.pipeline_mode<synchronous>, transform_indices = @transform_3, window_bounds = array<i64: 4, 16>}, {pipeline_mode = #tpu.pipeline_mode<synchronous>, transform_indices = @transform_4, window_bounds = array<i64: 1, 16>}, {pipeline_mode = #tpu.pipeline_mode<synchronous>, transform_indices = @transform_5, window_bounds = array<i64: 1, 16>}, {pipeline_mode = #tpu.pipeline_mode<synchronous>, transform_indices = @transform_6, window_bounds = array<i64: 1, 16>}, {pipeline_mode = #tpu.pipeline_mode<synchronous>, transform_indices = @transform_7, window_bounds = array<i64: 16, 8>}, {transform_indices = @transform_8, window_bounds = array<i64: 2000, 4>}, {transform_indices = @transform_9, window_bounds = array<i64: 2000, 4>}]} {
    %get3A = arith.constant 0 : index
    %get3A_0 = arith.constant 0 : index
    %get3A_1 = vector.load %arg4[%get3A, %get3A_0] : memref<2000x1xf32, #tpu.memory_space<vmem>>, vector<2000x1xf32>
    %get3A_2 = arith.constant 0 : index
    %get3A_3 = arith.constant 0 : index
    %get3A_4 = vector.load %arg2[%get3A_2, %get3A_3] : memref<2000x4xf32, #tpu.memory_space<vmem>>, vector<2000x4xf32>
    %get3A_5 = arith.constant 0 : index
    %get3A_6 = arith.constant 0 : index
    %get3A_7 = vector.load %arg3[%get3A_5, %get3A_6] : memref<2000x4xf32, #tpu.memory_space<vmem>>, vector<2000x4xf32>
    %add3A = arith.addf %get3A_4, %get3A_7 : vector<2000x4xf32>
    %mul3A = vector.broadcast %get3A_1 : vector<2000x1xf32> to vector<2000x4xf32>
    %mul3A_8 = arith.mulf %mul3A, %add3A : vector<2000x4xf32>
    %get3A_9 = arith.constant 0 : index
    %get3A_10 = arith.constant 0 : index
    %get3A_11 = vector.load %arg5[%get3A_9, %get3A_10] : memref<4x16xf32, #tpu.memory_space<vmem>>, vector<4x16xf32>
    %dot_general3A = arith.constant dense<0.000000e+00> : vector<2000x16xf32>
    %dot_general3A_12 = tpu.matmul %mul3A_8, %get3A_11, %dot_general3A {dimension_numbers = #tpu.dot_dimension_numbers<[1], [0], [0], [1], [0, 0, 1, 1], [], []>, transpose_lhs_hint = false} : vector<2000x4xf32>, vector<4x16xf32>, vector<2000x16xf32> -> vector<2000x16xf32>
    %get3A_13 = arith.constant 0 : index
    %get3A_14 = arith.constant 0 : index
    %get3A_15 = vector.load %arg6[%get3A_13, %get3A_14] : memref<1x16xf32, #tpu.memory_space<vmem>>, vector<1x16xf32>
    %add3A_16 = vector.broadcast %get3A_15 : vector<1x16xf32> to vector<2000x16xf32>
    %add3A_17 = arith.addf %dot_general3A_12, %add3A_16 : vector<2000x16xf32>
    %eq3A = arith.constant 0 : i32
    %eq3A_18 = arith.cmpi eq, %arg0, %eq3A : i32
    %eq3A_19 = arith.constant 0 : i32
    %eq3A_20 = arith.cmpi eq, %arg1, %eq3A_19 : i32
    %and3A = arith.andi %eq3A_18, %eq3A_20 : i1
    %convert_element_type3A = arith.extui %and3A : i1 to i32
    %cond3A = arith.constant 0 : i32
    %cond3A_21 = arith.cmpi ne, %convert_element_type3A, %cond3A : i32
    scf.if %cond3A_21 {
      %broadcast_in_dim3A = arith.constant 0.000000e+00 : f32
      %broadcast_in_dim3A_32 = vector.broadcast %broadcast_in_dim3A : f32 to vector<8x128xf32>
      %swap3A = arith.constant 0 : index
      %swap3A_33 = arith.constant 0 : index
      %swap3A_34 = vector.load %arg12[%swap3A, %swap3A_33] : memref<8x128xf32, #tpu.memory_space<vmem>>, vector<8x128xf32>
      tpu.vector_store %arg12[%swap3A, %swap3A_33], %broadcast_in_dim3A_32 {strides = array<i32>} : memref<8x128xf32, #tpu.memory_space<vmem>>, vector<8x128xf32>,
    } else {
    }
    %eq3A_22 = arith.constant 0 : i32
    %eq3A_23 = arith.cmpi eq, %arg0, %eq3A_22 : i32
    %convert_element_type3A_24 = arith.extui %eq3A_23 : i1 to i32
    %cond3A_25 = arith.constant 0 : i32
    %cond3A_26 = arith.cmpi ne, %convert_element_type3A_24, %cond3A_25 : i32
    scf.if %cond3A_26 {
      %get3A_32 = arith.constant 0 : index
      %get3A_33 = arith.constant 0 : index
      %get3A_34 = vector.load %arg12[%get3A_32, %get3A_33] : memref<8x128xf32, #tpu.memory_space<vmem>>, vector<1x16xf32>
      %reduce_sum3A = arith.constant dense<0.000000e+00> : vector<16xf32>
      %reduce_sum3A_35 = vector.multi_reduction <add>, %add3A_17, %reduce_sum3A [0] : vector<2000x16xf32> to vector<16xf32>
      %broadcast_in_dim3A = vector.shape_cast %reduce_sum3A_35 : vector<16xf32> to vector<1x16xf32>
      %add3A_36 = arith.addf %get3A_34, %broadcast_in_dim3A : vector<1x16xf32>
      %swap3A = arith.constant 0 : index
      %swap3A_37 = arith.constant 0 : index
      %swap3A_38 = vector.load %arg12[%swap3A, %swap3A_37] : memref<8x128xf32, #tpu.memory_space<vmem>>, vector<1x16xf32>
      tpu.vector_store %arg12[%swap3A, %swap3A_37], %add3A_36 {strides = array<i32>} : memref<8x128xf32, #tpu.memory_space<vmem>>, vector<1x16xf32>,
      %get3A_39 = arith.constant 1 : index
      %get3A_40 = arith.constant 0 : index
      %get3A_41 = vector.load %arg12[%get3A_39, %get3A_40] : memref<8x128xf32, #tpu.memory_space<vmem>>, vector<1x16xf32>
      %mul3A_42 = arith.mulf %add3A_17, %add3A_17 : vector<2000x16xf32>
      %reduce_sum3A_43 = arith.constant dense<0.000000e+00> : vector<16xf32>
      %reduce_sum3A_44 = vector.multi_reduction <add>, %mul3A_42, %reduce_sum3A_43 [0] : vector<2000x16xf32> to vector<16xf32>
      %broadcast_in_dim3A_45 = vector.shape_cast %reduce_sum3A_44 : vector<16xf32> to vector<1x16xf32>
      %add3A_46 = arith.addf %get3A_41, %broadcast_in_dim3A_45 : vector<1x16xf32>
      %swap3A_47 = arith.constant 1 : index
      %swap3A_48 = arith.constant 0 : index
      %swap3A_49 = vector.load %arg12[%swap3A_47, %swap3A_48] : memref<8x128xf32, #tpu.memory_space<vmem>>, vector<1x16xf32>
      tpu.vector_store %arg12[%swap3A_47, %swap3A_48], %add3A_46 {strides = array<i32>} : memref<8x128xf32, #tpu.memory_space<vmem>>, vector<1x16xf32>,
    } else {
    }
    %eq3A_27 = arith.constant 1 : i32
    %eq3A_28 = arith.cmpi eq, %arg0, %eq3A_27 : i32
    %convert_element_type3A_29 = arith.extui %eq3A_28 : i1 to i32
    %cond3A_30 = arith.constant 0 : i32
    %cond3A_31 = arith.cmpi ne, %convert_element_type3A_29, %cond3A_30 : i32
    scf.if %cond3A_31 {
      %get3A_32 = arith.constant 0 : index
      %get3A_33 = arith.constant 0 : index
      %get3A_34 = vector.load %arg12[%get3A_32, %get3A_33] : memref<8x128xf32, #tpu.memory_space<vmem>>, vector<1x16xf32>
      %div3A = arith.constant 1.000000e+05 : f32
      %div3A_35 = vector.broadcast %div3A : f32 to vector<1x16xf32>
      %div3A_36 = arith.divf %get3A_34, %div3A_35 : vector<1x16xf32>
      %get3A_37 = arith.constant 1 : index
      %get3A_38 = arith.constant 0 : index
      %get3A_39 = vector.load %arg12[%get3A_37, %get3A_38] : memref<8x128xf32, #tpu.memory_space<vmem>>, vector<1x16xf32>
      %div3A_40 = arith.constant 1.000000e+05 : f32
      %div3A_41 = vector.broadcast %div3A_40 : f32 to vector<1x16xf32>
      %div3A_42 = arith.divf %get3A_39, %div3A_41 : vector<1x16xf32>
      %mul3A_43 = arith.mulf %div3A_36, %div3A_36 : vector<1x16xf32>
      %sub3A = arith.subf %div3A_42, %mul3A_43 : vector<1x16xf32>
      %add3A_44 = arith.constant 9.99999974E-6 : f32
      %add3A_45 = vector.broadcast %add3A_44 : f32 to vector<1x16xf32>
      %add3A_46 = arith.addf %sub3A, %add3A_45 : vector<1x16xf32>
      %rsqrt3A = math.rsqrt %add3A_46 : vector<1x16xf32>
      %sub3A_47 = vector.broadcast %div3A_36 : vector<1x16xf32> to vector<2000x16xf32>
      %sub3A_48 = arith.subf %add3A_17, %sub3A_47 : vector<2000x16xf32>
      %get3A_49 = arith.constant 0 : index
      %get3A_50 = arith.constant 0 : index
      %get3A_51 = vector.load %arg7[%get3A_49, %get3A_50] : memref<1x16xf32, #tpu.memory_space<vmem>>, vector<1x16xf32>
      %mul3A_52 = arith.mulf %rsqrt3A, %get3A_51 : vector<1x16xf32>
      %mul3A_53 = vector.broadcast %mul3A_52 : vector<1x16xf32> to vector<2000x16xf32>
      %mul3A_54 = arith.mulf %sub3A_48, %mul3A_53 : vector<2000x16xf32>
      %get3A_55 = arith.constant 0 : index
      %get3A_56 = arith.constant 0 : index
      %get3A_57 = vector.load %arg8[%get3A_55, %get3A_56] : memref<1x16xf32, #tpu.memory_space<vmem>>, vector<1x16xf32>
      %add3A_58 = vector.broadcast %get3A_57 : vector<1x16xf32> to vector<2000x16xf32>
      %add3A_59 = arith.addf %mul3A_54, %add3A_58 : vector<2000x16xf32>
      %max3A = arith.constant 0.000000e+00 : f32
      %max3A_60 = vector.broadcast %max3A : f32 to vector<2000x16xf32>
      %max3A_61 = arith.maximumf %add3A_59, %max3A_60 : vector<2000x16xf32>
      %get3A_62 = arith.constant 0 : index
      %get3A_63 = arith.constant 0 : index
      %get3A_64 = vector.load %arg9[%get3A_62, %get3A_63] : memref<16x8xf32, #tpu.memory_space<vmem>>, vector<16x8xf32>
      %dot_general3A_65 = arith.constant dense<0.000000e+00> : vector<2000x8xf32>
      %dot_general3A_66 = tpu.matmul %max3A_61, %get3A_64, %dot_general3A_65 {dimension_numbers = #tpu.dot_dimension_numbers<[1], [0], [0], [1], [0, 0, 1, 1], [], []>, transpose_lhs_hint = false} : vector<2000x16xf32>, vector<16x8xf32>, vector<2000x8xf32> -> vector<2000x8xf32>
      %mul3A_67 = vector.broadcast %get3A_1 : vector<2000x1xf32> to vector<2000x8xf32>
      %mul3A_68 = arith.mulf %mul3A_67, %dot_general3A_66 : vector<2000x8xf32>
      %slice3A = vector.extract_strided_slice %mul3A_68 {offsets = [0, 0], sizes = [2000, 4], strides = [1, 1]} : vector<2000x8xf32> to vector<2000x4xf32>
      %swap3A = arith.constant 0 : index
      %swap3A_69 = arith.constant 0 : index
      %swap3A_70 = vector.load %arg10[%swap3A, %swap3A_69] : memref<2000x4xf32, #tpu.memory_space<vmem>>, vector<2000x4xf32>
      tpu.vector_store %arg10[%swap3A, %swap3A_69], %slice3A {strides = array<i32>} : memref<2000x4xf32, #tpu.memory_space<vmem>>, vector<2000x4xf32>,
      %slice3A_71 = vector.extract_strided_slice %mul3A_68 {offsets = [0, 4], sizes = [2000, 4], strides = [1, 1]} : vector<2000x8xf32> to vector<2000x4xf32>
      %swap3A_72 = arith.constant 0 : index
      %swap3A_73 = arith.constant 0 : index
      %swap3A_74 = vector.load %arg11[%swap3A_72, %swap3A_73] : memref<2000x4xf32, #tpu.memory_space<vmem>>, vector<2000x4xf32>
      tpu.vector_store %arg11[%swap3A_72, %swap3A_73], %slice3A_71 {strides = array<i32>} : memref<2000x4xf32, #tpu.memory_space<vmem>>, vector<2000x4xf32>,
    } else {
    }
    return
  }
  func.func @transform_0(%arg0: i32, %arg1: i32) -> (i32, i32) {
    %c0_i32 = arith.constant 0 : i32
    %c0_i32_0 = arith.constant 0 : i32
    return %arg1, %c0_i32 : i32, i32
  }
  func.func @transform_1(%arg0: i32, %arg1: i32) -> (i32, i32) {
    %c0_i32 = arith.constant 0 : i32
    %c0_i32_0 = arith.constant 0 : i32
    return %arg1, %c0_i32 : i32, i32
  }
  func.func @transform_2(%arg0: i32, %arg1: i32) -> (i32, i32) {
    %c0_i32 = arith.constant 0 : i32
    %c0_i32_0 = arith.constant 0 : i32
    return %arg1, %c0_i32 : i32, i32
  }
  func.func @transform_3(%arg0: i32, %arg1: i32) -> (i32, i32) {
    %c0_i32 = arith.constant 0 : i32
    %c0_i32_0 = arith.constant 0 : i32
    %c0_i32_1 = arith.constant 0 : i32
    return %c0_i32, %c0_i32_0 : i32, i32
  }
  func.func @transform_4(%arg0: i32, %arg1: i32) -> (i32, i32) {
    %c0_i32 = arith.constant 0 : i32
    %c0_i32_0 = arith.constant 0 : i32
    %c0_i32_1 = arith.constant 0 : i32
    return %c0_i32, %c0_i32_0 : i32, i32
  }
  func.func @transform_5(%arg0: i32, %arg1: i32) -> (i32, i32) {
    %c0_i32 = arith.constant 0 : i32
    %c0_i32_0 = arith.constant 0 : i32
    %c0_i32_1 = arith.constant 0 : i32
    return %c0_i32, %c0_i32_0 : i32, i32
  }
  func.func @transform_6(%arg0: i32, %arg1: i32) -> (i32, i32) {
    %c0_i32 = arith.constant 0 : i32
    %c0_i32_0 = arith.constant 0 : i32
    %c0_i32_1 = arith.constant 0 : i32
    return %c0_i32, %c0_i32_0 : i32, i32
  }
  func.func @transform_7(%arg0: i32, %arg1: i32) -> (i32, i32) {
    %c0_i32 = arith.constant 0 : i32
    %c0_i32_0 = arith.constant 0 : i32
    %c0_i32_1 = arith.constant 0 : i32
    return %c0_i32, %c0_i32_0 : i32, i32
  }
  func.func @transform_8(%arg0: i32, %arg1: i32) -> (i32, i32) {
    %c0_i32 = arith.constant 0 : i32
    %c0_i32_0 = arith.constant 0 : i32
    return %arg1, %c0_i32 : i32, i32
  }
  func.func @transform_9(%arg0: i32, %arg1: i32) -> (i32, i32) {
    %c0_i32 = arith.constant 0 : i32
    %c0_i32_0 = arith.constant 0 : i32
    return %arg1, %c0_i32 : i32, i32
  }
}

module attributes {stable_mosaic.version = 14 : i64} {
  func.func @body(%arg0: i32, %arg1: i32, %arg2: memref<2000x4xf32, #tpu.memory_space<vmem>>, %arg3: memref<2000x4xf32, #tpu.memory_space<vmem>>, %arg4: memref<2000x4xf32, #tpu.memory_space<vmem>>, %arg5: memref<2000x4xf32, #tpu.memory_space<vmem>>, %arg6: memref<2000x1xf32, #tpu.memory_space<vmem>>, %arg7: memref<1x8xf32, #tpu.memory_space<vmem>>, %arg8: memref<1x8xf32, #tpu.memory_space<vmem>>, %arg9: memref<1x8xf32, #tpu.memory_space<vmem>>, %arg10: memref<8x4xf32, #tpu.memory_space<vmem>>, %arg11: memref<2000x4xf32, #tpu.memory_space<vmem>>, %arg12: memref<8x128xf32, #tpu.memory_space<vmem>>) attributes {dimension_semantics = [#tpu.dimension_semantics<arbitrary>, #tpu.dimension_semantics<arbitrary>], iteration_bounds = array<i64: 2, 50>, scalar_prefetch = 0 : i64, scratch_operands = 1 : i64, tpu.core_type = #tpu.core_type<tc>, window_params = [{transform_indices = @transform_0, window_bounds = array<i64: 2000, 4>}, {transform_indices = @transform_1, window_bounds = array<i64: 2000, 4>}, {transform_indices = @transform_2, window_bounds = array<i64: 2000, 4>}, {transform_indices = @transform_3, window_bounds = array<i64: 2000, 4>}, {transform_indices = @transform_4, window_bounds = array<i64: 2000, 1>}, {pipeline_mode = #tpu.pipeline_mode<synchronous>, transform_indices = @transform_5, window_bounds = array<i64: 1, 8>}, {pipeline_mode = #tpu.pipeline_mode<synchronous>, transform_indices = @transform_6, window_bounds = array<i64: 1, 8>}, {pipeline_mode = #tpu.pipeline_mode<synchronous>, transform_indices = @transform_7, window_bounds = array<i64: 1, 8>}, {pipeline_mode = #tpu.pipeline_mode<synchronous>, transform_indices = @transform_8, window_bounds = array<i64: 8, 4>}, {transform_indices = @transform_9, window_bounds = array<i64: 2000, 4>}]} {
    %get3A = arith.constant 0 : index
    %get3A_0 = arith.constant 0 : index
    %get3A_1 = vector.load %arg6[%get3A, %get3A_0] : memref<2000x1xf32, #tpu.memory_space<vmem>>, vector<2000x1xf32>
    %get3A_2 = arith.constant 0 : index
    %get3A_3 = arith.constant 0 : index
    %get3A_4 = vector.load %arg2[%get3A_2, %get3A_3] : memref<2000x4xf32, #tpu.memory_space<vmem>>, vector<2000x4xf32>
    %get3A_5 = arith.constant 0 : index
    %get3A_6 = arith.constant 0 : index
    %get3A_7 = vector.load %arg4[%get3A_5, %get3A_6] : memref<2000x4xf32, #tpu.memory_space<vmem>>, vector<2000x4xf32>
    %add3A = arith.addf %get3A_4, %get3A_7 : vector<2000x4xf32>
    %mul3A = vector.broadcast %get3A_1 : vector<2000x1xf32> to vector<2000x4xf32>
    %mul3A_8 = arith.mulf %mul3A, %add3A : vector<2000x4xf32>
    %get3A_9 = arith.constant 0 : index
    %get3A_10 = arith.constant 0 : index
    %get3A_11 = vector.load %arg3[%get3A_9, %get3A_10] : memref<2000x4xf32, #tpu.memory_space<vmem>>, vector<2000x4xf32>
    %get3A_12 = arith.constant 0 : index
    %get3A_13 = arith.constant 0 : index
    %get3A_14 = vector.load %arg5[%get3A_12, %get3A_13] : memref<2000x4xf32, #tpu.memory_space<vmem>>, vector<2000x4xf32>
    %add3A_15 = arith.addf %get3A_11, %get3A_14 : vector<2000x4xf32>
    %mul3A_16 = vector.broadcast %get3A_1 : vector<2000x1xf32> to vector<2000x4xf32>
    %mul3A_17 = arith.mulf %mul3A_16, %add3A_15 : vector<2000x4xf32>
    %concatenate3A = tpu.concatenate %mul3A_8, %mul3A_17 in 1 : vector<2000x4xf32>, vector<2000x4xf32> -> vector<2000x8xf32>
    %get3A_18 = arith.constant 0 : index
    %get3A_19 = arith.constant 0 : index
    %get3A_20 = vector.load %arg7[%get3A_18, %get3A_19] : memref<1x8xf32, #tpu.memory_space<vmem>>, vector<1x8xf32>
    %add3A_21 = vector.broadcast %get3A_20 : vector<1x8xf32> to vector<2000x8xf32>
    %add3A_22 = arith.addf %concatenate3A, %add3A_21 : vector<2000x8xf32>
    %eq3A = arith.constant 0 : i32
    %eq3A_23 = arith.cmpi eq, %arg0, %eq3A : i32
    %eq3A_24 = arith.constant 0 : i32
    %eq3A_25 = arith.cmpi eq, %arg1, %eq3A_24 : i32
    %and3A = arith.andi %eq3A_23, %eq3A_25 : i1
    %convert_element_type3A = arith.extui %and3A : i1 to i32
    %cond3A = arith.constant 0 : i32
    %cond3A_26 = arith.cmpi ne, %convert_element_type3A, %cond3A : i32
    scf.if %cond3A_26 {
      %broadcast_in_dim3A = arith.constant 0.000000e+00 : f32
      %broadcast_in_dim3A_37 = vector.broadcast %broadcast_in_dim3A : f32 to vector<8x128xf32>
      %swap3A = arith.constant 0 : index
      %swap3A_38 = arith.constant 0 : index
      %swap3A_39 = vector.load %arg12[%swap3A, %swap3A_38] : memref<8x128xf32, #tpu.memory_space<vmem>>, vector<8x128xf32>
      tpu.vector_store %arg12[%swap3A, %swap3A_38], %broadcast_in_dim3A_37 {strides = array<i32>} : memref<8x128xf32, #tpu.memory_space<vmem>>, vector<8x128xf32>,
    } else {
    }
    %eq3A_27 = arith.constant 0 : i32
    %eq3A_28 = arith.cmpi eq, %arg0, %eq3A_27 : i32
    %convert_element_type3A_29 = arith.extui %eq3A_28 : i1 to i32
    %cond3A_30 = arith.constant 0 : i32
    %cond3A_31 = arith.cmpi ne, %convert_element_type3A_29, %cond3A_30 : i32
    scf.if %cond3A_31 {
      %get3A_37 = arith.constant 0 : index
      %get3A_38 = arith.constant 0 : index
      %get3A_39 = vector.load %arg12[%get3A_37, %get3A_38] : memref<8x128xf32, #tpu.memory_space<vmem>>, vector<1x8xf32>
      %reduce_sum3A = arith.constant dense<0.000000e+00> : vector<8xf32>
      %reduce_sum3A_40 = vector.multi_reduction <add>, %add3A_22, %reduce_sum3A [0] : vector<2000x8xf32> to vector<8xf32>
      %broadcast_in_dim3A = vector.shape_cast %reduce_sum3A_40 : vector<8xf32> to vector<1x8xf32>
      %add3A_41 = arith.addf %get3A_39, %broadcast_in_dim3A : vector<1x8xf32>
      %swap3A = arith.constant 0 : index
      %swap3A_42 = arith.constant 0 : index
      %swap3A_43 = vector.load %arg12[%swap3A, %swap3A_42] : memref<8x128xf32, #tpu.memory_space<vmem>>, vector<1x8xf32>
      tpu.vector_store %arg12[%swap3A, %swap3A_42], %add3A_41 {strides = array<i32>} : memref<8x128xf32, #tpu.memory_space<vmem>>, vector<1x8xf32>,
      %get3A_44 = arith.constant 1 : index
      %get3A_45 = arith.constant 0 : index
      %get3A_46 = vector.load %arg12[%get3A_44, %get3A_45] : memref<8x128xf32, #tpu.memory_space<vmem>>, vector<1x8xf32>
      %mul3A_47 = arith.mulf %add3A_22, %add3A_22 : vector<2000x8xf32>
      %reduce_sum3A_48 = arith.constant dense<0.000000e+00> : vector<8xf32>
      %reduce_sum3A_49 = vector.multi_reduction <add>, %mul3A_47, %reduce_sum3A_48 [0] : vector<2000x8xf32> to vector<8xf32>
      %broadcast_in_dim3A_50 = vector.shape_cast %reduce_sum3A_49 : vector<8xf32> to vector<1x8xf32>
      %add3A_51 = arith.addf %get3A_46, %broadcast_in_dim3A_50 : vector<1x8xf32>
      %swap3A_52 = arith.constant 1 : index
      %swap3A_53 = arith.constant 0 : index
      %swap3A_54 = vector.load %arg12[%swap3A_52, %swap3A_53] : memref<8x128xf32, #tpu.memory_space<vmem>>, vector<1x8xf32>
      tpu.vector_store %arg12[%swap3A_52, %swap3A_53], %add3A_51 {strides = array<i32>} : memref<8x128xf32, #tpu.memory_space<vmem>>, vector<1x8xf32>,
    } else {
    }
    %eq3A_32 = arith.constant 1 : i32
    %eq3A_33 = arith.cmpi eq, %arg0, %eq3A_32 : i32
    %convert_element_type3A_34 = arith.extui %eq3A_33 : i1 to i32
    %cond3A_35 = arith.constant 0 : i32
    %cond3A_36 = arith.cmpi ne, %convert_element_type3A_34, %cond3A_35 : i32
    scf.if %cond3A_36 {
      %get3A_37 = arith.constant 0 : index
      %get3A_38 = arith.constant 0 : index
      %get3A_39 = vector.load %arg12[%get3A_37, %get3A_38] : memref<8x128xf32, #tpu.memory_space<vmem>>, vector<1x8xf32>
      %div3A = arith.constant 1.000000e+05 : f32
      %div3A_40 = vector.broadcast %div3A : f32 to vector<1x8xf32>
      %div3A_41 = arith.divf %get3A_39, %div3A_40 : vector<1x8xf32>
      %get3A_42 = arith.constant 1 : index
      %get3A_43 = arith.constant 0 : index
      %get3A_44 = vector.load %arg12[%get3A_42, %get3A_43] : memref<8x128xf32, #tpu.memory_space<vmem>>, vector<1x8xf32>
      %div3A_45 = arith.constant 1.000000e+05 : f32
      %div3A_46 = vector.broadcast %div3A_45 : f32 to vector<1x8xf32>
      %div3A_47 = arith.divf %get3A_44, %div3A_46 : vector<1x8xf32>
      %mul3A_48 = arith.mulf %div3A_41, %div3A_41 : vector<1x8xf32>
      %sub3A = arith.subf %div3A_47, %mul3A_48 : vector<1x8xf32>
      %add3A_49 = arith.constant 9.99999974E-6 : f32
      %add3A_50 = vector.broadcast %add3A_49 : f32 to vector<1x8xf32>
      %add3A_51 = arith.addf %sub3A, %add3A_50 : vector<1x8xf32>
      %rsqrt3A = math.rsqrt %add3A_51 : vector<1x8xf32>
      %sub3A_52 = vector.broadcast %div3A_41 : vector<1x8xf32> to vector<2000x8xf32>
      %sub3A_53 = arith.subf %add3A_22, %sub3A_52 : vector<2000x8xf32>
      %get3A_54 = arith.constant 0 : index
      %get3A_55 = arith.constant 0 : index
      %get3A_56 = vector.load %arg8[%get3A_54, %get3A_55] : memref<1x8xf32, #tpu.memory_space<vmem>>, vector<1x8xf32>
      %mul3A_57 = arith.mulf %rsqrt3A, %get3A_56 : vector<1x8xf32>
      %mul3A_58 = vector.broadcast %mul3A_57 : vector<1x8xf32> to vector<2000x8xf32>
      %mul3A_59 = arith.mulf %sub3A_53, %mul3A_58 : vector<2000x8xf32>
      %get3A_60 = arith.constant 0 : index
      %get3A_61 = arith.constant 0 : index
      %get3A_62 = vector.load %arg9[%get3A_60, %get3A_61] : memref<1x8xf32, #tpu.memory_space<vmem>>, vector<1x8xf32>
      %add3A_63 = vector.broadcast %get3A_62 : vector<1x8xf32> to vector<2000x8xf32>
      %add3A_64 = arith.addf %mul3A_59, %add3A_63 : vector<2000x8xf32>
      %max3A = arith.constant 0.000000e+00 : f32
      %max3A_65 = vector.broadcast %max3A : f32 to vector<2000x8xf32>
      %max3A_66 = arith.maximumf %add3A_64, %max3A_65 : vector<2000x8xf32>
      %get3A_67 = arith.constant 0 : index
      %get3A_68 = arith.constant 0 : index
      %get3A_69 = vector.load %arg10[%get3A_67, %get3A_68] : memref<8x4xf32, #tpu.memory_space<vmem>>, vector<8x4xf32>
      %dot_general3A = arith.constant dense<0.000000e+00> : vector<2000x4xf32>
      %dot_general3A_70 = tpu.matmul %max3A_66, %get3A_69, %dot_general3A {dimension_numbers = #tpu.dot_dimension_numbers<[1], [0], [0], [1], [0, 0, 1, 1], [], []>, transpose_lhs_hint = false} : vector<2000x8xf32>, vector<8x4xf32>, vector<2000x4xf32> -> vector<2000x4xf32>
      %mul3A_71 = vector.broadcast %get3A_1 : vector<2000x1xf32> to vector<2000x4xf32>
      %mul3A_72 = arith.mulf %mul3A_71, %dot_general3A_70 : vector<2000x4xf32>
      %swap3A = arith.constant 0 : index
      %swap3A_73 = arith.constant 0 : index
      %swap3A_74 = vector.load %arg11[%swap3A, %swap3A_73] : memref<2000x4xf32, #tpu.memory_space<vmem>>, vector<2000x4xf32>
      tpu.vector_store %arg11[%swap3A, %swap3A_73], %mul3A_72 {strides = array<i32>} : memref<2000x4xf32, #tpu.memory_space<vmem>>, vector<2000x4xf32>,
    } else {
    }
    return
  }
  func.func @transform_0(%arg0: i32, %arg1: i32) -> (i32, i32) {
    %c0_i32 = arith.constant 0 : i32
    %c0_i32_0 = arith.constant 0 : i32
    return %arg1, %c0_i32 : i32, i32
  }
  func.func @transform_1(%arg0: i32, %arg1: i32) -> (i32, i32) {
    %c0_i32 = arith.constant 0 : i32
    %c0_i32_0 = arith.constant 0 : i32
    return %arg1, %c0_i32 : i32, i32
  }
  func.func @transform_2(%arg0: i32, %arg1: i32) -> (i32, i32) {
    %c0_i32 = arith.constant 0 : i32
    %c0_i32_0 = arith.constant 0 : i32
    return %arg1, %c0_i32 : i32, i32
  }
  func.func @transform_3(%arg0: i32, %arg1: i32) -> (i32, i32) {
    %c0_i32 = arith.constant 0 : i32
    %c0_i32_0 = arith.constant 0 : i32
    return %arg1, %c0_i32 : i32, i32
  }
  func.func @transform_4(%arg0: i32, %arg1: i32) -> (i32, i32) {
    %c0_i32 = arith.constant 0 : i32
    %c0_i32_0 = arith.constant 0 : i32
    return %arg1, %c0_i32 : i32, i32
  }
  func.func @transform_5(%arg0: i32, %arg1: i32) -> (i32, i32) {
    %c0_i32 = arith.constant 0 : i32
    %c0_i32_0 = arith.constant 0 : i32
    %c0_i32_1 = arith.constant 0 : i32
    return %c0_i32, %c0_i32_0 : i32, i32
  }
  func.func @transform_6(%arg0: i32, %arg1: i32) -> (i32, i32) {
    %c0_i32 = arith.constant 0 : i32
    %c0_i32_0 = arith.constant 0 : i32
    %c0_i32_1 = arith.constant 0 : i32
    return %c0_i32, %c0_i32_0 : i32, i32
  }
  func.func @transform_7(%arg0: i32, %arg1: i32) -> (i32, i32) {
    %c0_i32 = arith.constant 0 : i32
    %c0_i32_0 = arith.constant 0 : i32
    %c0_i32_1 = arith.constant 0 : i32
    return %c0_i32, %c0_i32_0 : i32, i32
  }
  func.func @transform_8(%arg0: i32, %arg1: i32) -> (i32, i32) {
    %c0_i32 = arith.constant 0 : i32
    %c0_i32_0 = arith.constant 0 : i32
    %c0_i32_1 = arith.constant 0 : i32
    return %c0_i32, %c0_i32_0 : i32, i32
  }
  func.func @transform_9(%arg0: i32, %arg1: i32) -> (i32, i32) {
    %c0_i32 = arith.constant 0 : i32
    %c0_i32_0 = arith.constant 0 : i32
    return %arg1, %c0_i32 : i32, i32
  }
}

module attributes {stable_mosaic.version = 14 : i64} {
  func.func @body(%arg0: i32, %arg1: memref<2000x4xf32, #tpu.memory_space<vmem>>, %arg2: memref<2000x4xf32, #tpu.memory_space<vmem>>, %arg3: memref<2000x1xf32, #tpu.memory_space<vmem>>, %arg4: memref<1x3xf32, #tpu.memory_space<vmem>>, %arg5: memref<2000x3xf32, #tpu.memory_space<vmem>>) attributes {dimension_semantics = [#tpu.dimension_semantics<arbitrary>], iteration_bounds = array<i64: 50>, scalar_prefetch = 0 : i64, scratch_operands = 0 : i64, tpu.core_type = #tpu.core_type<tc>, window_params = [{transform_indices = @transform_0, window_bounds = array<i64: 2000, 4>}, {transform_indices = @transform_1, window_bounds = array<i64: 2000, 4>}, {transform_indices = @transform_2, window_bounds = array<i64: 2000, 1>}, {pipeline_mode = #tpu.pipeline_mode<synchronous>, transform_indices = @transform_3, window_bounds = array<i64: 1, 3>}, {transform_indices = @transform_4, window_bounds = array<i64: 2000, 3>}]} {
    %get3A = arith.constant 0 : index
    %get3A_0 = arith.constant 0 : index
    %get3A_1 = vector.load %arg3[%get3A, %get3A_0] : memref<2000x1xf32, #tpu.memory_space<vmem>>, vector<2000x1xf32>
    %get3A_2 = arith.constant 0 : index
    %get3A_3 = arith.constant 0 : index
    %get3A_4 = vector.load %arg1[%get3A_2, %get3A_3] : memref<2000x4xf32, #tpu.memory_space<vmem>>, vector<2000x3xf32>
    %get3A_5 = arith.constant 0 : index
    %get3A_6 = arith.constant 0 : index
    %get3A_7 = vector.load %arg2[%get3A_5, %get3A_6] : memref<2000x4xf32, #tpu.memory_space<vmem>>, vector<2000x3xf32>
    %add3A = arith.addf %get3A_4, %get3A_7 : vector<2000x3xf32>
    %mul3A = vector.broadcast %get3A_1 : vector<2000x1xf32> to vector<2000x3xf32>
    %mul3A_8 = arith.mulf %mul3A, %add3A : vector<2000x3xf32>
    %get3A_9 = arith.constant 0 : index
    %get3A_10 = arith.constant 0 : index
    %get3A_11 = vector.load %arg4[%get3A_9, %get3A_10] : memref<1x3xf32, #tpu.memory_space<vmem>>, vector<1x3xf32>
    %add3A_12 = vector.broadcast %get3A_11 : vector<1x3xf32> to vector<2000x3xf32>
    %add3A_13 = arith.addf %mul3A_8, %add3A_12 : vector<2000x3xf32>
    %reduce_max3A = arith.constant dense<0xFF800000> : vector<2000xf32>
    %reduce_max3A_14 = vector.multi_reduction <maximumf>, %add3A_13, %reduce_max3A [1] : vector<2000x3xf32> to vector<2000xf32>
    %broadcast_in_dim3A = vector.shape_cast %reduce_max3A_14 : vector<2000xf32> to vector<2000x1xf32>
    %sub3A = vector.broadcast %broadcast_in_dim3A : vector<2000x1xf32> to vector<2000x3xf32>
    %sub3A_15 = arith.subf %add3A_13, %sub3A : vector<2000x3xf32>
    %exp3A = math.exp %sub3A_15 : vector<2000x3xf32>
    %reduce_sum3A = arith.constant dense<0.000000e+00> : vector<2000xf32>
    %reduce_sum3A_16 = vector.multi_reduction <add>, %exp3A, %reduce_sum3A [1] : vector<2000x3xf32> to vector<2000xf32>
    %broadcast_in_dim3A_17 = vector.shape_cast %reduce_sum3A_16 : vector<2000xf32> to vector<2000x1xf32>
    %sub3A_18 = vector.broadcast %broadcast_in_dim3A : vector<2000x1xf32> to vector<2000x3xf32>
    %sub3A_19 = arith.subf %add3A_13, %sub3A_18 : vector<2000x3xf32>
    %log3A = math.log %broadcast_in_dim3A_17 : vector<2000x1xf32>
    %sub3A_20 = vector.broadcast %log3A : vector<2000x1xf32> to vector<2000x3xf32>
    %sub3A_21 = arith.subf %sub3A_19, %sub3A_20 : vector<2000x3xf32>
    %swap3A = arith.constant 0 : index
    %swap3A_22 = arith.constant 0 : index
    %swap3A_23 = vector.load %arg5[%swap3A, %swap3A_22] : memref<2000x3xf32, #tpu.memory_space<vmem>>, vector<2000x3xf32>
    tpu.vector_store %arg5[%swap3A, %swap3A_22], %sub3A_21 {strides = array<i32>} : memref<2000x3xf32, #tpu.memory_space<vmem>>, vector<2000x3xf32>,
    return
  }
  func.func @transform_0(%arg0: i32) -> (i32, i32) {
    %c0_i32 = arith.constant 0 : i32
    %c0_i32_0 = arith.constant 0 : i32
    return %arg0, %c0_i32 : i32, i32
  }
  func.func @transform_1(%arg0: i32) -> (i32, i32) {
    %c0_i32 = arith.constant 0 : i32
    %c0_i32_0 = arith.constant 0 : i32
    return %arg0, %c0_i32 : i32, i32
  }
  func.func @transform_2(%arg0: i32) -> (i32, i32) {
    %c0_i32 = arith.constant 0 : i32
    %c0_i32_0 = arith.constant 0 : i32
    return %arg0, %c0_i32 : i32, i32
  }
  func.func @transform_3(%arg0: i32) -> (i32, i32) {
    %c0_i32 = arith.constant 0 : i32
    %c0_i32_0 = arith.constant 0 : i32
    %c0_i32_1 = arith.constant 0 : i32
    return %c0_i32, %c0_i32_0 : i32, i32
  }
  func.func @transform_4(%arg0: i32) -> (i32, i32) {
    %c0_i32 = arith.constant 0 : i32
    %c0_i32_0 = arith.constant 0 : i32
    return %arg0, %c0_i32 : i32, i32
  }
}

</mosaic_0001>

<sc_bundles>
// kernel: kernel.11.cloned.1.call-start
scs
__scs_entry_jumppad:
0x0: {  	(pc) =	sbr.rel $0x88, $3  }
0x1: {  	(tag) =	ssettag $0x0;
	lr =	simm.s32 $0x1  }
0x2: {  	[smem:$0x3F95] =	sst lr;
	_ =	strace $0xD0000000  }
0x3: {  	_ = 	snop  }
0x4: {  	_ = 	snop  }
0x5: {  	_ = 	snop  }
0x6: {  	_ = 	snop  }
0x7: {  	_ = 	snop  }
__scs_overlays_trampoline_lowered:
0x8: {  	[smem:$0x3FA4] =	sst s0  }
0x9: {  	[smem:$0x3FA5] =	sst s1  }
0xa: {  	[smem:$0x3FA6] =	sst s2  }
0xb: {  	[smem:$0x3FA7] =	sst s3  }
0xc: {  	[smem:$0x3FA8] =	sst s4  }
0xd: {  	[smem:$0x3FA9] =	sst s5  }
0xe: {  	[smem:$0x3FAA] =	sst s6  }
0xf: {  	[smem:$0x3FAB] =	sst s7  }
0x10: {  	[smem:$0x3FAC] =	sst s8  }
0x11: {  	[smem:$0x3FAD] =	sst s9;
	s0 =	simm.s32 @!p0 $0x0  }
0x12: {  	s1 =	sld [smem:$0x3F93];
	s0 =	simm.s32 @p0 $0x1  }
0x13: {  	[smem:$0x3FAE] =	sst s0;
	s0 =	simm.s32 @!p1 $0x0  }
0x14: {  	s2 =	sld [smem:$0x3F92];
	s0 =	simm.s32 @p1 $0x1  }
0x15: {  	[smem:$0x3FAF] =	sst s0;
	s0 =	simm.s32 @!p2 $0x0  }
0x16: {  	s3 =	sld [smem:$0x3FDB];
	s0 =	simm.s32 @p2 $0x1  }
0x17: {  	s4 =	simm.s32 $0x1BF5;
	[smem:$0x3FB1] =	sst s0  }
0x18: {  	s0 =	sld [smem:$0x3F94];
	_ =	swait.ge [sflag:s4], $0x0  }
0x19: {  	s7 =	sld [smem:$0x3F95]  }
0x1a: {  	s8 =	sadd.s32 $0xFFFFE003, lr  }
0x1b: {  	s9 =	sadd.s32 $0xFFFFFEF7, lr;
	s5 =	simm.s32 $0xFFFFFFFF;
	p2 =	slt.u32 s8, $0xFFFFF086  }
0x1c: {  	p1 =	slt.u32 s9, $0xF7A;
	s5 =	simm.s32 @!p2 $0x0  }
0x1d: {  	s5 =	simm.s32 @p1 $0x1;
	p0 =	seq.s32 s7, s2  }
0x1e: {  	s7 =	smul.u32 @!p0 $0xF7A, s2;
	p2 =	seq.s32 @!p0 s5, $0x0  }
0x1f: {  	s9 =	smul.u32 $0xF7A, s1;
	s8 =	simm.s32 @!p0 $0x1BF5;
	p2 =	por !p2, p0  }
0x20: {  	[sflag:s8] =	ssyncset.s32 @!p0 $0xFFFFF086;
	s6 =	sadd.s32 @!p0 s3, s7;
	s7 =	simm.s32 @!p0 $0x108  }
0x21: {  	s3 =	sadd.s32 s3, s9;
	s6 =	sadd.s32 @!p0 $0x88, s6;
	s7 =	simm.s32 @p2 $0x1082  }
0x22: {  	[simem:s7], [sflag:s8] =	dma.local @!p0 [hbm:s6], $0xF7A  }
0x23: {  	s9 =	sor.u32 $0xD0000000, s2;
	s6 =	simm.s32 $0x108;
	_ =	swait.ge @!p0 [sflag:s8], $0x0  }
0x24: {  	s3 =	sadd.s32 $0x88, s3;
	s6 =	simm.s32 @!p1 $0x1082;
	[sflag:s4] =	ssyncset.s32 $0xFFFFF086  }
0x25: {  	[simem:s6], [sflag:s4] =	dma.local [hbm:s3], $0xF7A  }
0x26: {  	[smem:$0x3F95] =	sst s1;
	(tag) =	ssettag s2;
	_ =	strace s9  }
0x27: {  	s1 =	sld [smem:$0x3FA5]  }
0x28: {  	s2 =	sld [smem:$0x3FA6]  }
0x29: {  	s4 =	sld [smem:$0x3FA8]  }
0x2a: {  	p0 =	seq.s32 s5, $0x0;
	s5 =	sld [smem:$0x3FA9]  }
0x2b: {  	s6 =	sld [smem:$0x3FAA]  }
0x2c: {  	s7 =	sld [smem:$0x3FAB]  }
0x2d: {  	s3 =	simm.s32 $0x108;
	s8 =	sld [smem:$0x3FAC]  }
0x2e: {  	s3 =	simm.s32 @!p0 $0x1082;
	s9 =	sld [smem:$0x3FAD]  }
0x2f: {  	lr =	sadd.s32 s0, s3;
	s0 =	sld [smem:$0x3FA4]  }
0x30: {  	s3 =	sld [smem:$0x3FA7]  }
0x31: {  	[smem:$0x3FB0] =	sst s10  }
0x32: {  	s10 =	sld [smem:$0x3FAE];
	_ =	sdelay $0x3  }
0x33: {  	p0 =	seq.s32 s10, $0x1;
	s10 =	sld [smem:$0x3FB0];
	_ =	sdelay $0x3  }
0x34: {  	[smem:$0x3FB0] =	sst s10  }
0x35: {  	s10 =	sld [smem:$0x3FAF];
	_ =	sdelay $0x3  }
0x36: {  	p1 =	seq.s32 s10, $0x1;
	s10 =	sld [smem:$0x3FB0];
	_ =	sdelay $0x3  }
0x37: {  	[smem:$0x3FB0] =	sst s10  }
0x38: {  	s10 =	sld [smem:$0x3FB1]  }
0x39: {  	_ = 	snop;
	(pc) =	sbr.ind lr, $3  }
0x3a: {  	_ = 	snop  }
0x3b: {  	_ = 	snop  }
0x3c: {  	p2 =	seq.s32 s10, $0x1;
	s10 =	sld [smem:$0x3FB0]  }
0x3d: {  	_ =	shalt  }
0x3e: {  	_ =	shalt  }
0x3f: {  	_ =	shalt  }
0x40: {  	_ =	shalt  }
0x41: {  	_ =	shalt  }
0x42: {  	_ =	shalt  }
0x43: {  	_ =	shalt  }
0x44: {  	_ =	shalt  }
0x45: {  	_ =	shalt  }
0x46: {  	_ =	shalt  }
0x47: {  	_ =	shalt  }
0x48: {  	_ =	shalt  }
0x49: {  	_ =	shalt  }
0x4a: {  	_ =	shalt  }
0x4b: {  	_ =	shalt  }
0x4c: {  	_ =	shalt  }
0x4d: {  	_ =	shalt  }
0x4e: {  	_ =	shalt  }
0x4f: {  	_ =	shalt  }
0x50: {  	_ =	shalt  }
0x51: {  	_ =	shalt  }
0x52: {  	_ =	shalt  }
0x53: {  	_ =	shalt  }
0x54: {  	_ =	shalt  }
0x55: {  	_ =	shalt  }
0x56: {  	_ =	shalt  }
0x57: {  	_ =	shalt  }
0x58: {  	_ =	shalt  }
0x59: {  	_ =	shalt  }
0x5a: {  	_ =	shalt  }
0x5b: {  	_ =	shalt  }
0x5c: {  	_ =	shalt  }
0x5d: {  	_ =	shalt  }
0x5e: {  	_ =	shalt  }
0x5f: {  	_ =	shalt  }
0x60: {  	_ =	shalt  }
0x61: {  	_ =	shalt  }
0x62: {  	_ =	shalt  }
0x63: {  	_ =	shalt  }
0x64: {  	_ =	shalt  }
0x65: {  	_ =	shalt  }
0x66: {  	_ =	shalt  }
0x67: {  	_ =	shalt  }
0x68: {  	_ =	shalt  }
0x69: {  	_ =	shalt  }
0x6a: {  	_ =	shalt  }
0x6b: {  	_ =	shalt  }
0x6c: {  	_ =	shalt  }
0x6d: {  	_ =	shalt  }
0x6e: {  	_ =	shalt  }
0x6f: {  	_ =	shalt  }
0x70: {  	_ =	shalt  }
0x71: {  	_ =	shalt  }
0x72: {  	_ =	shalt  }
0x73: {  	_ =	shalt  }
0x74: {  	_ =	shalt  }
0x75: {  	_ =	shalt  }
0x76: {  	_ =	shalt  }
0x77: {  	_ =	shalt  }
0x78: {  	_ =	shalt  }
0x79: {  	_ =	shalt  }
0x7a: {  	_ =	shalt  }
0x7b: {  	_ =	shalt  }
0x7c: {  	_ =	shalt  }
0x7d: {  	_ =	shalt  }
0x7e: {  	_ =	shalt  }
0x7f: {  	_ =	shalt  }
0x80: {  	_ =	shalt  }
0x81: {  	_ =	shalt  }
0x82: {  	_ =	shalt  }
0x83: {  	_ =	shalt  }
0x84: {  	_ =	shalt  }
0x85: {  	_ =	shalt  }
0x86: {  	_ =	shalt  }
0x87: {  	_ =	shalt  }
.Lfunc_end0:
.L_simem_size_0:
called_computation_lowered:
.L_overlay_start_0:
0x88: {  	s0 =	sld [smem:$0x3FD9]  }
0x89: {  	s1 =	sld [smem:$0x3FFE];
	_ =	sdelay $0x3  }
0x8a: {  	s0 =	sadd.s32 s1, s0  }
0x8b: {  	[smem:$0x3FBC] =	sst s0  }
0x8c: {  	_ = 	snop  }
0x8d: {  	s0 =	sld [smem:$0x3FD0];
	(tm) =	ssettm $0x1  }
0x8e: {  	s16 =	sld [smem:$0x3FFB];
	_ =	sdelay $0x3  }
0x8f: {  	_ =	strace s16  }
0x90: {  	s1 =	sld [smem:$0x3FFC];
	_ =	sdelay $0x3  }
0x91: {  	_ =	strace s1  }
0x92: {  	s1 =	sld [smem:$0x3FFD];
	_ =	sdelay $0x3  }
0x93: {  	_ =	strace s1  }
0x94: {  	_ =	strace $0x8FFFFFFF  }
0x95: {  	s17 =	sld [smem:$0x3FDB];
	_ =	sdelay $0x1  }
0x96: {  	s2 =	simm.s32 $_scs_section_size  }
0x97: {  	s3 =	simm.s32 $_size__tile_overlayer_lowered;
	s4 =	simm.s32 $_tile_overlayer_lowered  }
0x98: {  	s20 =	simm.s32 $0x1BFF;
	s19 =	sshll.u32 s4, $0x1;
	s1 =	sadd.s32 s2, s17  }
0x99: {  	s5 =	simm.s32 $0x0;
	s18 =	sshll.u32 s3, $0x1;
	s3 =	sadd.s32 s19, s1  }
0x9a: {  	[timem:s5], [sflag:s20] =	dma.local [hbm:s3], s18  }
0x9b: {  	_ =	swait.ge [sflag:s20], s18  }
0x9c: {  	s2 =	ssub.s32 $0x0, s18;
	[sflag:s20] =	ssyncset.done $0x0  }
0x9d: {  	[sflag:s20] =	ssyncadd.s32 s2;
	_ =	sdelay $0x1  }
0x9e: {  	s21 =	simm.s32 $0x1B8B  }
0x9f: {  	_ =	swait.ge [sflag:s21], $0x1  }
0xa0: {  	[sflag:s21] =	ssyncset.done $0x0  }
0xa1: {  	s23 =	simm.s32 $0x1B8E;
	s22 =	sld [smem:$0x3FFE];
	[sflag:s21] =	ssyncadd.s32 $0xFFFFFFFF  }
0xa2: {  	s24 =	simm.s32 $execute0_lowered;
	[smem:$0x3FD2] =	sst s23  }
0xa3: {  	s3 =	sshll.u32 s24, $0x1;
	_ =	strace $0x80000046;
	[dreg:$0x1] =	wrdreg $0xFFFFFFFF  }
0xa4: {  	s25 =	simm.s32 $_size_execute0_lowered;
	s1 =	sadd.s32 s1, s3;
	[dreg:$0x0] =	wrdreg $0x0  }
0xa5: {  	s3 =	sshll.u32 s25, $0x1;
	[dreg:$0x2] =	wrdreg s1  }
0xa6: {  	[dreg:$0x3] =	wrdreg s3  }
0xa7: {  	[dreg:$0x4] =	wrdreg $0xC0  }
0xa8: {  	_ =	task [dreg:s5], $0x5FFFF  }
0xa9: {  	[dreg:$0x1] =	wrdreg $0xFFFFFFFF  }
0xaa: {  	[dreg:$0x0] =	wrdreg $0x60  }
0xab: {  	[dreg:$0x2] =	wrdreg s0  }
0xac: {  	[dreg:$0x3] =	wrdreg s22  }
0xad: {  	[dreg:$0x4] =	wrdreg $0x102E00  }
0xae: {  	[dreg:$0x5] =	wrdreg $0xEA600  }
0xaf: {  	[dreg:$0x6] =	wrdreg $0x9  }
0xb0: {  	_ =	task.clear_ibuf [dreg:s5], $0x7FFFF;
	_ =	strace $0x90000046  }
0xb1: {  	s26 =	simm.s32 $0x9;
	_ =	strace $0x80000048  }
0xb2: {  	_ =	swait.ge [sflag:s26], $0x1  }
0xb3: {  	[sflag:s26] =	ssyncadd.s32 $0xFFFFFFFF  }
0xb4: {  	_ =	strace $0x90000048  }
0xb5: {  	_ =	sfence  }
0xb6: {  	s28 =	sld [smem:$0x0];
	_ =	sdelay $0x1  }
0xb7: {  	s29 =	srdreg.scid  }
0xb8: {  	s30 =	sshll.u32 s29, $0xD;
	s31 =	sshrl.u32 s29, $0x2  }
0xb9: {  	s2 =	sand.u32 $0x4000, s30;
	s1 =	sand.u32 $0x1, s29;
	s0 =	sadd.s32 s31, s28  }
0xba: {  	s1 =	sor.u32 s2, s1;
	s0 =	sshll.u32 s0, $0x11  }
0xbb: {  	s0 =	sor.u32 s0, s1  }
0xbc: {  	s0 =	sadd.s32 $0x8F2B, s0  }
0xbd: {  	[sflag:s0] =	ssyncadd.remote.s32 $0x1  }
0xbe: {  	_ =	sfence.sel $0xFFFF  }
0xbf: {  	[dreg:$0x0] =	wrdreg $0xFFFFFFFF;
	(pc) =	sbr.abs _section_cstart, $3  }
0xc0: {  	[dreg:$0x1] =	wrdreg $0xFFFFFFFF  }
0xc1: {  	_ =	task.clear_ibuf [dreg:s5], $0x2FFFF;
	_ =	strace $0x9FFFFFFF  }
0xc2: {  	(tm) =	ssettm $0x7FFFFFFF  }
0xc3: {  	_ =	shalt  }
tec
execute0_lowered:
.L_overlay_start_1:
0x0: {  	(tag) =	ssettag $0x1  }
0x1: {  	s9 =	rddreg [dreg:$0x0]  }
0x2: {  	s14 =	rddreg [dreg:$0x1]  }
0x3: {  	s2 =	rddreg [dreg:$0x2]  }
0x4: {  	s6 =	rddreg [dreg:$0x3];
	s1 =	stileid.u32  }
0x5: {  	s0 =	rddreg [dreg:$0x4];
	s7 =	simm.s32 $0x0;
	s10 =	smul.u32 $0x1880, s1  }
0x6: {  	[smem:$0x7FF] =	sst s7  }
0x7: {  	s8 =	sshll.u32 s1, $0x6;
	s3 =	sshrl.u32 s10, $0x3;
	s5 =	sadd.s32 s10, s2  }
0x8: {  	_ =	strace $0x80000047;
	s4 =	sadd.s32 s3, s14;
	s5 =	sshrl.u32 s5, $0x3  }
0x9: {  	s11 =	sadd.s32 $0xC7A00, s4;
	s4 =	sor.u32 $0x1C05, s8;
	s8 =	simm.s32 $0x5  }
0xa: {  	[spmem:s5], [sflag:s4] =	dma.local [hbm:s11], $0x310  }
0xb: {  	_ =	swait.ge [sflag:s8], $0x310  }
0xc: {  	s10 =	sadd.s32 s10, s6;
	[sflag:s8] =	ssyncset.done $0x0  }
0xd: {  	s9 =	sadd.s32 s9, s3;
	s10 =	sshrl.u32 s10, $0x3;
	[sflag:s8] =	ssyncadd.s32 $0xFFFFFCF0  }
0xe: {  	[spmem:s10], [sflag:s4] =	dma.local [hbm:s9], $0x310  }
0xf: {  	s30 =	smul.u32 $0x30D40, s1;
	_ =	swait.ge [sflag:s8], $0x310  }
0x10: {  	[sflag:s8] =	ssyncset.done $0x0  }
0x11: {  	s18 =	sadd.s32 $0x65E00, s14;
	s9 =	sshrl.u32 s30, $0x3;
	[sflag:s8] =	ssyncadd.s32 $0xFFFFFCF0  }
0x12: {  	s19 =	sadd.s32 s18, s9;
	[bflag:$0x0] =	sbarrier.arrive $0xFFFF  }
0x13: {  	[tilespmem:s7], [sflag:$0x1] =	stream.linear.gather [hbm4b:s19+s7], $0x2710, $0x38;
	[tilespmem:$0x11B60] =	vst v63  }
0x14: {  	s10 =	simm.s32 $0x1;
	s9 =	simm.s32 $0x2710  }
0x15: {  	[tilespmem:s9], [sflag:$0x1] =	stream.linear.gather [hbm4b:s19+s7], $0x2710, $0x38;
	[tilespmem:$0x11B60] =	vst v63  }
0x16: {  	_ =	swait.ge [sflag:s10], $0x2710  }
0x17: {  	[sflag:s10] =	ssyncset.done $0x0  }
0x18: {  	[sflag:s10] =	ssyncadd.s32 $0xFFFFD8F0  }
0x19: {  	_ =	swait.ge [sflag:s10], $0x2710  }
0x1a: {  	[sflag:s10] =	ssyncset.done $0x0  }
0x1b: {  	s11 =	simm.s32 $0x9C40;
	[sflag:s10] =	ssyncadd.s32 $0xFFFFD8F0  }
0x1c: {  	[tilespmem:s11], [sflag:$0x3] =	stream.indirect.gather [spmem:s6], $0x1, s7, s9, $0xb8;
	[tilespmem:$0x11B60] =	vst v63  }
0x1d: {  	s12 =	simm.s32 $0x4E20;
	s15 =	sadd.s32 $0x4E2, s19  }
0x1e: {  	[tilespmem:s12], [sflag:$0x2] =	stream.linear.gather [hbm4b:s15+s7], $0x2710, $0x38;
	[tilespmem:$0x11B60] =	vst v63  }
0x1f: {  	s13 =	simm.s32 $0x7530  }
0x20: {  	[tilespmem:s13], [sflag:$0x2] =	stream.linear.gather [hbm4b:s15+s7], $0x2710, $0x38;
	[tilespmem:$0x11B60] =	vst v63  }
0x21: {  	s15 =	simm.s32 $0x2  }
0x22: {  	_ =	swait.ge [sflag:s15], $0x2710  }
0x23: {  	[sflag:s15] =	ssyncset.done $0x0  }
0x24: {  	[sflag:s15] =	ssyncadd.s32 $0xFFFFD8F0  }
0x25: {  	_ =	swait.ge [sflag:s15], $0x2710  }
0x26: {  	[sflag:s15] =	ssyncset.done $0x0  }
0x27: {  	s16 =	simm.s32 $0xC350;
	s17 =	simm.s32 $0x3;
	[sflag:s15] =	ssyncadd.s32 $0xFFFFD8F0  }
0x28: {  	[tilespmem:s16], [sflag:$0x4] =	stream.indirect.gather [spmem:s6], $0x1, s12, s9, $0xb8;
	[tilespmem:$0x11B60] =	vst v63  }
0x29: {  	_ =	swait.ge [sflag:s17], $0x2710  }
0x2a: {  	[sflag:s17] =	ssyncset.done $0x0  }
0x2b: {  	[sflag:s17] =	ssyncadd.s32 $0xFFFFD8F0  }
0x2c: {  	[spmem:s2] =	stream.indirect.scatter.add.f32 [tilespmem:s11], [sflag:$0x5], $0x1, s9, s9, $0xb8;
	[tilespmem:$0x11B60] =	vst v63  }
0x2d: {  	_ =	swait.ge [sflag:s8], $0x2710  }
0x2e: {  	[sflag:s8] =	ssyncset.done $0x0  }
0x2f: {  	s19 =	sadd.s32 $0x9C4, s19;
	[sflag:s8] =	ssyncadd.s32 $0xFFFFD8F0  }
0x30: {  	[tilespmem:s7], [sflag:$0x1] =	stream.linear.gather [hbm4b:s19+s7], $0x2710, $0x38;
	[tilespmem:$0x11B60] =	vst v63  }
0x31: {  	s20 =	simm.s32 $0x4;
	s31 =	smul.u32 $0x61A8, s1  }
0x32: {  	[tilespmem:s9], [sflag:$0x1] =	stream.linear.gather [hbm4b:s19+s7], $0x2710, $0x38;
	[tilespmem:$0x11B60] =	vst v63  }
0x33: {  	s14 =	sadd.s32 $0xCAC00, s14;
	s18 =	sadd.s32 s31, s18;
	s19 =	simm.s32 $0xFFFFA81C  }
.LBB2_1:
0x34: {  	_ =	swait.ge [sflag:s10], $0x2710  }
0x35: {  	[sflag:s10] =	ssyncset.done $0x0  }
0x36: {  	[sflag:s10] =	ssyncadd.s32 $0xFFFFD8F0  }
0x37: {  	_ =	swait.ge [sflag:s10], $0x2710  }
0x38: {  	[sflag:s10] =	ssyncset.done $0x0  }
0x39: {  	[sflag:s10] =	ssyncadd.s32 $0xFFFFD8F0  }
0x3a: {  	[tilespmem:s11], [sflag:$0x3] =	stream.indirect.gather [spmem:s6], $0x1, s7, s9, $0xb8;
	[tilespmem:$0x11B60] =	vst v63  }
0x3b: {  	_ =	swait.ge [sflag:s20], $0x2710  }
0x3c: {  	[sflag:s20] =	ssyncset.done $0x0  }
0x3d: {  	[sflag:s20] =	ssyncadd.s32 $0xFFFFD8F0  }
0x3e: {  	[spmem:s2] =	stream.indirect.scatter.add.f32 [tilespmem:s16], [sflag:$0x5], $0x1, s13, s9, $0xb8;
	[tilespmem:$0x11B60] =	vst v63  }
0x3f: {  	_ =	swait.ge [sflag:s8], $0x2710  }
0x40: {  	s21 =	sadd.s32 s19, s18;
	[sflag:s8] =	ssyncset.done $0x0  }
0x41: {  	s21 =	sadd.s32 $0x668A, s21;
	[sflag:s8] =	ssyncadd.s32 $0xFFFFD8F0  }
0x42: {  	[tilespmem:s12], [sflag:$0x2] =	stream.linear.gather [hbm4b:s21+s7], $0x2710, $0x38;
	[tilespmem:$0x11B60] =	vst v63  }
0x43: {  	_ = 	snop  }
0x44: {  	[tilespmem:s13], [sflag:$0x2] =	stream.linear.gather [hbm4b:s21+s7], $0x2710, $0x38;
	[tilespmem:$0x11B60] =	vst v63  }
0x45: {  	_ =	swait.ge [sflag:s15], $0x2710  }
0x46: {  	[sflag:s15] =	ssyncset.done $0x0  }
0x47: {  	[sflag:s15] =	ssyncadd.s32 $0xFFFFD8F0  }
0x48: {  	_ =	swait.ge [sflag:s15], $0x2710  }
0x49: {  	[sflag:s15] =	ssyncset.done $0x0  }
0x4a: {  	[sflag:s15] =	ssyncadd.s32 $0xFFFFD8F0  }
0x4b: {  	[tilespmem:s16], [sflag:$0x4] =	stream.indirect.gather [spmem:s6], $0x1, s12, s9, $0xb8;
	[tilespmem:$0x11B60] =	vst v63  }
0x4c: {  	_ =	swait.ge [sflag:s17], $0x2710  }
0x4d: {  	[sflag:s17] =	ssyncset.done $0x0  }
0x4e: {  	[sflag:s17] =	ssyncadd.s32 $0xFFFFD8F0  }
0x4f: {  	[spmem:s2] =	stream.indirect.scatter.add.f32 [tilespmem:s11], [sflag:$0x5], $0x1, s9, s9, $0xb8;
	[tilespmem:$0x11B60] =	vst v63  }
0x50: {  	p0 =	seq.s32 s19, $0xFFFFF63C;
	_ =	swait.ge [sflag:s8], $0x2710  }
0x51: {  	s22 =	simm.s32 @!p0 $0x0;
	s21 =	sadd.s32 @!p0 s19, s18;
	[sflag:s8] =	ssyncset.done $0x0  }
0x52: {  	s19 =	sadd.s32 @!p0 $0x9C4, s19;
	s21 =	sadd.s32 @!p0 $0x6B6C, s21;
	[sflag:s8] =	ssyncadd.s32 $0xFFFFD8F0  }
0x53: {  	[tilespmem:s22], [sflag:$0x1] =	stream.linear.gather @!p0 [hbm4b:s21+s22], $0x2710, $0x38;
	[tilespmem:$0x11B60] =	vst v63  }
0x54: {  	s23 =	simm.s32 @!p0 $0x2710;
	p1 =	sne.s32 @!p0 s19, $0x0  }
0x55: {  	[tilespmem:s23], [sflag:$0x1] =	stream.linear.gather @!p0 [hbm4b:s21+s22], $0x2710, $0x38;
	[tilespmem:$0x11B60] =	vst v63  }
0x56: {  	p0 =	por p0, !p1  }
.Ltmp0:
0x57: {  	_ = 	snop;
	(pc) =	sbr.rel @!p0 .LBB2_1-.Ltmp0, $1  }
0x58: {  	_ =	sdelay $0x3  }
0x59: {  	s6 =	simm.s32 $0x4  }
0x5a: {  	_ =	swait.ge [sflag:s6], $0x2710  }
0x5b: {  	s30 =	simm.s32 $0x2710;
	s7 =	simm.s32 $0x7530;
	[sflag:s6] =	ssyncset.done $0x0  }
0x5c: {  	s8 =	simm.s32 $0xC350;
	s31 =	simm.s32 $0x5;
	[sflag:s6] =	ssyncadd.s32 $0xFFFFD8F0  }
0x5d: {  	[spmem:s2] =	stream.indirect.scatter.add.f32 [tilespmem:s8], [sflag:$0x5], $0x1, s7, s30, $0xb8;
	[tilespmem:$0x11B60] =	vst v63  }
0x5e: {  	_ =	swait.ge [sflag:s31], $0x2710  }
0x5f: {  	[sflag:s31] =	ssyncset.done $0x0  }
0x60: {  	[sflag:s31] =	ssyncadd.s32 $0xFFFFD8F0  }
0x61: {  	s3 =	sadd.s32 s14, s3;
	[bflag:$0x0] =	sbarrier.arrive $0xFFFF  }
0x62: {  	[hbm:s3], [sflag:s4] =	dma.local [spmem:s5], $0x310  }
0x63: {  	_ =	swait.ge [sflag:s31], $0x310  }
0x64: {  	[sflag:s31] =	ssyncset.done $0x0  }
0x65: {  	[sflag:s31] =	ssyncadd.s32 $0xFFFFFCF0  }
0x66: {  	_ =	sfence.sel $0x180000  }
0x67: {  	[bflag:$0x0] =	sbarrier.arrive $0xFFFF  }
0x68: {  	p0 =	sne.s32 s1, $0x0;
	_ =	strace $0x90000047  }
0x69: {  	s0 =	sadd.s32 @!p0 $0x100000, s0;
	[bflag:$0x2] =	sbarrier.arrive $0xFFFF  }
0x6a: {  	[sflag:s0] =	ssyncadd.tile.s32 @!p0 $0x1;
	_ =	shalt  }
.Lfunc_end2:
_tile_overlayer_lowered:
.L_overlay_start_2:
0x6b: {  	(tag) =	ssettag $0x2  }
0x6c: {  	s0 =	rddreg [dreg:$0x0];
	s2 =	stileid.u32  }
0x6d: {  	s1 =	rddreg [dreg:$0x1];
	p0 =	sne.s32 s2, $0x0  }
0x6e: {  	s3 =	rddreg [dreg:$0x2];
	[bflag:$0x3] =	sbarrier.arrive $0xFFFF;
	s2 =	simm.s32 @!p0 $0x1C05  }
0x6f: {  	[timem:s3], [sflag:s2] =	dma.local @!p0 [hbm:s0], s1  }
0x70: {  	s0 =	simm.s32 @!p0 $0x5  }
0x71: {  	_ =	swait.ge @!p0 [sflag:s0], s1  }
0x72: {  	s1 =	ssub.s32 @!p0 $0x0, s1;
	[sflag:s0] =	ssyncset.done @!p0 $0x0  }
0x73: {  	[sflag:s0] =	ssyncadd.s32 @!p0 s1  }
0x74: {  	[bflag:$0x3] =	sbarrier.arrive $0xFFFF  }
0x75: {  	_ =	shalt  }

// kernel: kernel.14.cloned.1.call-start
scs
__scs_entry_jumppad:
0x0: {  	(pc) =	sbr.rel $0x88, $3  }
0x1: {  	(tag) =	ssettag $0x0;
	lr =	simm.s32 $0x1  }
0x2: {  	[smem:$0x3F95] =	sst lr;
	_ =	strace $0xD0000000  }
0x3: {  	_ = 	snop  }
0x4: {  	_ = 	snop  }
0x5: {  	_ = 	snop  }
0x6: {  	_ = 	snop  }
0x7: {  	_ = 	snop  }
__scs_overlays_trampoline_lowered:
0x8: {  	[smem:$0x3FA4] =	sst s0  }
0x9: {  	[smem:$0x3FA5] =	sst s1  }
0xa: {  	[smem:$0x3FA6] =	sst s2  }
0xb: {  	[smem:$0x3FA7] =	sst s3  }
0xc: {  	[smem:$0x3FA8] =	sst s4  }
0xd: {  	[smem:$0x3FA9] =	sst s5  }
0xe: {  	[smem:$0x3FAA] =	sst s6  }
0xf: {  	[smem:$0x3FAB] =	sst s7  }
0x10: {  	[smem:$0x3FAC] =	sst s8  }
0x11: {  	[smem:$0x3FAD] =	sst s9;
	s0 =	simm.s32 @!p0 $0x0  }
0x12: {  	s1 =	sld [smem:$0x3F93];
	s0 =	simm.s32 @p0 $0x1  }
0x13: {  	[smem:$0x3FAE] =	sst s0;
	s0 =	simm.s32 @!p1 $0x0  }
0x14: {  	s2 =	sld [smem:$0x3F92];
	s0 =	simm.s32 @p1 $0x1  }
0x15: {  	[smem:$0x3FAF] =	sst s0;
	s0 =	simm.s32 @!p2 $0x0  }
0x16: {  	s3 =	sld [smem:$0x3FDB];
	s0 =	simm.s32 @p2 $0x1  }
0x17: {  	s4 =	simm.s32 $0x1BF5;
	[smem:$0x3FB1] =	sst s0  }
0x18: {  	s0 =	sld [smem:$0x3F94];
	_ =	swait.ge [sflag:s4], $0x0  }
0x19: {  	s7 =	sld [smem:$0x3F95]  }
0x1a: {  	s8 =	sadd.s32 $0xFFFFE003, lr  }
0x1b: {  	s9 =	sadd.s32 $0xFFFFFEF7, lr;
	s5 =	simm.s32 $0xFFFFFFFF;
	p2 =	slt.u32 s8, $0xFFFFF086  }
0x1c: {  	p1 =	slt.u32 s9, $0xF7A;
	s5 =	simm.s32 @!p2 $0x0  }
0x1d: {  	s5 =	simm.s32 @p1 $0x1;
	p0 =	seq.s32 s7, s2  }
0x1e: {  	s7 =	smul.u32 @!p0 $0xF7A, s2;
	p2 =	seq.s32 @!p0 s5, $0x0  }
0x1f: {  	s9 =	smul.u32 $0xF7A, s1;
	s8 =	simm.s32 @!p0 $0x1BF5;
	p2 =	por !p2, p0  }
0x20: {  	[sflag:s8] =	ssyncset.s32 @!p0 $0xFFFFF086;
	s6 =	sadd.s32 @!p0 s3, s7;
	s7 =	simm.s32 @!p0 $0x108  }
0x21: {  	s3 =	sadd.s32 s3, s9;
	s6 =	sadd.s32 @!p0 $0x88, s6;
	s7 =	simm.s32 @p2 $0x1082  }
0x22: {  	[simem:s7], [sflag:s8] =	dma.local @!p0 [hbm:s6], $0xF7A  }
0x23: {  	s9 =	sor.u32 $0xD0000000, s2;
	s6 =	simm.s32 $0x108;
	_ =	swait.ge @!p0 [sflag:s8], $0x0  }
0x24: {  	s3 =	sadd.s32 $0x88, s3;
	s6 =	simm.s32 @!p1 $0x1082;
	[sflag:s4] =	ssyncset.s32 $0xFFFFF086  }
0x25: {  	[simem:s6], [sflag:s4] =	dma.local [hbm:s3], $0xF7A  }
0x26: {  	[smem:$0x3F95] =	sst s1;
	(tag) =	ssettag s2;
	_ =	strace s9  }
0x27: {  	s1 =	sld [smem:$0x3FA5]  }
0x28: {  	s2 =	sld [smem:$0x3FA6]  }
0x29: {  	s4 =	sld [smem:$0x3FA8]  }
0x2a: {  	p0 =	seq.s32 s5, $0x0;
	s5 =	sld [smem:$0x3FA9]  }
0x2b: {  	s6 =	sld [smem:$0x3FAA]  }
0x2c: {  	s7 =	sld [smem:$0x3FAB]  }
0x2d: {  	s3 =	simm.s32 $0x108;
	s8 =	sld [smem:$0x3FAC]  }
0x2e: {  	s3 =	simm.s32 @!p0 $0x1082;
	s9 =	sld [smem:$0x3FAD]  }
0x2f: {  	lr =	sadd.s32 s0, s3;
	s0 =	sld [smem:$0x3FA4]  }
0x30: {  	s3 =	sld [smem:$0x3FA7]  }
0x31: {  	[smem:$0x3FB0] =	sst s10  }
0x32: {  	s10 =	sld [smem:$0x3FAE];
	_ =	sdelay $0x3  }
0x33: {  	p0 =	seq.s32 s10, $0x1;
	s10 =	sld [smem:$0x3FB0];
	_ =	sdelay $0x3  }
0x34: {  	[smem:$0x3FB0] =	sst s10  }
0x35: {  	s10 =	sld [smem:$0x3FAF];
	_ =	sdelay $0x3  }
0x36: {  	p1 =	seq.s32 s10, $0x1;
	s10 =	sld [smem:$0x3FB0];
	_ =	sdelay $0x3  }
0x37: {  	[smem:$0x3FB0] =	sst s10  }
0x38: {  	s10 =	sld [smem:$0x3FB1]  }
0x39: {  	_ = 	snop;
	(pc) =	sbr.ind lr, $3  }
0x3a: {  	_ = 	snop  }
0x3b: {  	_ = 	snop  }
0x3c: {  	p2 =	seq.s32 s10, $0x1;
	s10 =	sld [smem:$0x3FB0]  }
0x3d: {  	_ =	shalt  }
0x3e: {  	_ =	shalt  }
0x3f: {  	_ =	shalt  }
0x40: {  	_ =	shalt  }
0x41: {  	_ =	shalt  }
0x42: {  	_ =	shalt  }
0x43: {  	_ =	shalt  }
0x44: {  	_ =	shalt  }
0x45: {  	_ =	shalt  }
0x46: {  	_ =	shalt  }
0x47: {  	_ =	shalt  }
0x48: {  	_ =	shalt  }
0x49: {  	_ =	shalt  }
0x4a: {  	_ =	shalt  }
0x4b: {  	_ =	shalt  }
0x4c: {  	_ =	shalt  }
0x4d: {  	_ =	shalt  }
0x4e: {  	_ =	shalt  }
0x4f: {  	_ =	shalt  }
0x50: {  	_ =	shalt  }
0x51: {  	_ =	shalt  }
0x52: {  	_ =	shalt  }
0x53: {  	_ =	shalt  }
0x54: {  	_ =	shalt  }
0x55: {  	_ =	shalt  }
0x56: {  	_ =	shalt  }
0x57: {  	_ =	shalt  }
0x58: {  	_ =	shalt  }
0x59: {  	_ =	shalt  }
0x5a: {  	_ =	shalt  }
0x5b: {  	_ =	shalt  }
0x5c: {  	_ =	shalt  }
0x5d: {  	_ =	shalt  }
0x5e: {  	_ =	shalt  }
0x5f: {  	_ =	shalt  }
0x60: {  	_ =	shalt  }
0x61: {  	_ =	shalt  }
0x62: {  	_ =	shalt  }
0x63: {  	_ =	shalt  }
0x64: {  	_ =	shalt  }
0x65: {  	_ =	shalt  }
0x66: {  	_ =	shalt  }
0x67: {  	_ =	shalt  }
0x68: {  	_ =	shalt  }
0x69: {  	_ =	shalt  }
0x6a: {  	_ =	shalt  }
0x6b: {  	_ =	shalt  }
0x6c: {  	_ =	shalt  }
0x6d: {  	_ =	shalt  }
0x6e: {  	_ =	shalt  }
0x6f: {  	_ =	shalt  }
0x70: {  	_ =	shalt  }
0x71: {  	_ =	shalt  }
0x72: {  	_ =	shalt  }
0x73: {  	_ =	shalt  }
0x74: {  	_ =	shalt  }
0x75: {  	_ =	shalt  }
0x76: {  	_ =	shalt  }
0x77: {  	_ =	shalt  }
0x78: {  	_ =	shalt  }
0x79: {  	_ =	shalt  }
0x7a: {  	_ =	shalt  }
0x7b: {  	_ =	shalt  }
0x7c: {  	_ =	shalt  }
0x7d: {  	_ =	shalt  }
0x7e: {  	_ =	shalt  }
0x7f: {  	_ =	shalt  }
0x80: {  	_ =	shalt  }
0x81: {  	_ =	shalt  }
0x82: {  	_ =	shalt  }
0x83: {  	_ =	shalt  }
0x84: {  	_ =	shalt  }
0x85: {  	_ =	shalt  }
0x86: {  	_ =	shalt  }
0x87: {  	_ =	shalt  }
.Lfunc_end0:
.L_simem_size_0:
called_computation.1_lowered:
.L_overlay_start_0:
0x88: {  	s0 =	sld [smem:$0x3FD9]  }
0x89: {  	s1 =	sld [smem:$0x3FFE];
	_ =	sdelay $0x3  }
0x8a: {  	s0 =	sadd.s32 s1, s0  }
0x8b: {  	[smem:$0x3FBC] =	sst s0  }
0x8c: {  	_ = 	snop  }
0x8d: {  	(tm) =	ssettm $0x1  }
0x8e: {  	s15 =	sld [smem:$0x3FFB];
	_ =	sdelay $0x3  }
0x8f: {  	_ =	strace s15  }
0x90: {  	s0 =	sld [smem:$0x3FFC];
	_ =	sdelay $0x3  }
0x91: {  	_ =	strace s0  }
0x92: {  	s0 =	sld [smem:$0x3FFD];
	_ =	sdelay $0x3  }
0x93: {  	_ =	strace s0  }
0x94: {  	_ =	strace $0x8FFFFFFF  }
0x95: {  	s16 =	sld [smem:$0x3FDB];
	_ =	sdelay $0x1  }
0x96: {  	s17 =	simm.s32 $_scs_section_size  }
0x97: {  	s2 =	simm.s32 $_size__tile_overlayer_lowered;
	s3 =	simm.s32 $_tile_overlayer_lowered  }
0x98: {  	s20 =	simm.s32 $0x1BFF;
	s19 =	sshll.u32 s3, $0x1;
	s0 =	sadd.s32 s17, s16  }
0x99: {  	s4 =	simm.s32 $0x0;
	s18 =	sshll.u32 s2, $0x1;
	s2 =	sadd.s32 s19, s0  }
0x9a: {  	[timem:s4], [sflag:s20] =	dma.local [hbm:s2], s18  }
0x9b: {  	_ =	swait.ge [sflag:s20], s18  }
0x9c: {  	s1 =	ssub.s32 $0x0, s18;
	[sflag:s20] =	ssyncset.done $0x0  }
0x9d: {  	[sflag:s20] =	ssyncadd.s32 s1;
	_ =	sdelay $0x1  }
0x9e: {  	s21 =	simm.s32 $0x1B8B  }
0x9f: {  	_ =	swait.ge [sflag:s21], $0x1  }
0xa0: {  	[sflag:s21] =	ssyncset.done $0x0  }
0xa1: {  	s23 =	simm.s32 $0x1B8E;
	s22 =	sld [smem:$0x3FFE];
	[sflag:s21] =	ssyncadd.s32 $0xFFFFFFFF  }
0xa2: {  	s24 =	simm.s32 $execute0_lowered;
	[smem:$0x3FD2] =	sst s23  }
0xa3: {  	s2 =	sshll.u32 s24, $0x1;
	_ =	strace $0x80000049;
	[dreg:$0x1] =	wrdreg $0xFFFFFFFF  }
0xa4: {  	s25 =	simm.s32 $_size_execute0_lowered;
	s0 =	sadd.s32 s0, s2;
	[dreg:$0x0] =	wrdreg $0x0  }
0xa5: {  	s2 =	sshll.u32 s25, $0x1;
	[dreg:$0x2] =	wrdreg s0  }
0xa6: {  	[dreg:$0x3] =	wrdreg s2  }
0xa7: {  	[dreg:$0x4] =	wrdreg $0xC0  }
0xa8: {  	_ =	task [dreg:s4], $0x5FFFF  }
0xa9: {  	[dreg:$0x1] =	wrdreg $0xFFFFFFFF  }
0xaa: {  	[dreg:$0x0] =	wrdreg $0x60  }
0xab: {  	[dreg:$0x2] =	wrdreg s22  }
0xac: {  	[dreg:$0x3] =	wrdreg $0x14C600  }
0xad: {  	[dreg:$0x4] =	wrdreg $0xEA600  }
0xae: {  	[dreg:$0x5] =	wrdreg $0x9  }
0xaf: {  	_ =	task.clear_ibuf [dreg:s4], $0x6FFFF;
	_ =	strace $0x90000049  }
0xb0: {  	s26 =	simm.s32 $0x9;
	_ =	strace $0x8000004B  }
0xb1: {  	_ =	swait.ge [sflag:s26], $0x1  }
0xb2: {  	[sflag:s26] =	ssyncadd.s32 $0xFFFFFFFF  }
0xb3: {  	_ =	strace $0x9000004B  }
0xb4: {  	_ =	sfence  }
0xb5: {  	s28 =	sld [smem:$0x0];
	_ =	sdelay $0x1  }
0xb6: {  	s29 =	srdreg.scid  }
0xb7: {  	s30 =	sshll.u32 s29, $0xD;
	s31 =	sshrl.u32 s29, $0x2  }
0xb8: {  	s1 =	sand.u32 $0x1, s29;
	s2 =	sand.u32 $0x4000, s30;
	s0 =	sadd.s32 s31, s28  }
0xb9: {  	s1 =	sor.u32 s2, s1;
	s0 =	sshll.u32 s0, $0x11  }
0xba: {  	s0 =	sor.u32 s0, s1  }
0xbb: {  	s0 =	sadd.s32 $0x8F2B, s0  }
0xbc: {  	[sflag:s0] =	ssyncadd.remote.s32 $0x1  }
0xbd: {  	_ =	sfence.sel $0xFFFF  }
0xbe: {  	[dreg:$0x0] =	wrdreg $0xFFFFFFFF;
	(pc) =	sbr.abs _section_cstart, $3  }
0xbf: {  	[dreg:$0x1] =	wrdreg $0xFFFFFFFF  }
0xc0: {  	_ =	task.clear_ibuf [dreg:s4], $0x2FFFF;
	_ =	strace $0x9FFFFFFF  }
0xc1: {  	(tm) =	ssettm $0x7FFFFFFF  }
tec
execute0_lowered:
.L_overlay_start_1:
0x0: {  	(tag) =	ssettag $0x1  }
0x1: {  	s14 =	rddreg [dreg:$0x0]  }
0x2: {  	s2 =	rddreg [dreg:$0x1];
	s1 =	stileid.u32  }
0x3: {  	s6 =	rddreg [dreg:$0x2];
	s9 =	smul.u32 $0x6200, s1  }
0x4: {  	s0 =	rddreg [dreg:$0x3];
	s7 =	simm.s32 $0x0  }
0x5: {  	[smem:$0x7FF] =	sst s7;
	s4 =	sshll.u32 s1, $0x6;
	s3 =	sshrl.u32 s9, $0x3  }
0x6: {  	_ =	strace $0x8000004A;
	s5 =	sadd.s32 s9, s2;
	s10 =	sadd.s32 s3, s14  }
0x7: {  	s4 =	sor.u32 $0x1C05, s4;
	s5 =	sshrl.u32 s5, $0x3;
	s8 =	sadd.s32 $0x10600, s10  }
0x8: {  	[spmem:s5], [sflag:s4] =	dma.local [hbm:s8], $0xC40  }
0x9: {  	s8 =	simm.s32 $0x5  }
0xa: {  	_ =	swait.ge [sflag:s8], $0xC40  }
0xb: {  	s9 =	sadd.s32 s9, s6;
	[sflag:s8] =	ssyncset.done $0x0  }
0xc: {  	s9 =	sshrl.u32 s9, $0x3;
	s10 =	sadd.s32 $0x4200, s10;
	[sflag:s8] =	ssyncadd.s32 $0xFFFFF3C0  }
0xd: {  	[spmem:s9], [sflag:s4] =	dma.local [hbm:s10], $0xC40  }
0xe: {  	s28 =	smul.u32 $0xC3500, s1;
	_ =	swait.ge [sflag:s8], $0xC40  }
0xf: {  	[sflag:s8] =	ssyncset.done $0x0  }
0x10: {  	s19 =	sadd.s32 $0x3328800, s14;
	s18 =	sshrl.u32 s28, $0x3;
	[sflag:s8] =	ssyncadd.s32 $0xFFFFF3C0  }
0x11: {  	s20 =	sadd.s32 $0x31A1E00, s14;
	s9 =	sadd.s32 s19, s18;
	[bflag:$0x0] =	sbarrier.arrive $0xFFFF  }
0x12: {  	[tilespmem:s7], [sflag:$0x1] =	stream.linear.gather [hbm4b:s9+s7], $0x2710, $0x38;
	[tilespmem:$0x1AE60] =	vst v63  }
0x13: {  	s29 =	sadd.s32 s20, s18;
	s10 =	simm.s32 $0x1;
	s9 =	simm.s32 $0x2710  }
0x14: {  	[tilespmem:s9], [sflag:$0x1] =	stream.linear.gather [hbm4b:s29+s7], $0x2710, $0x38;
	[tilespmem:$0x1AE60] =	vst v63  }
0x15: {  	_ =	swait.ge [sflag:s10], $0x2710  }
0x16: {  	[sflag:s10] =	ssyncset.done $0x0  }
0x17: {  	[sflag:s10] =	ssyncadd.s32 $0xFFFFD8F0  }
0x18: {  	_ =	swait.ge [sflag:s10], $0x2710  }
0x19: {  	[sflag:s10] =	ssyncset.done $0x0  }
0x1a: {  	s11 =	simm.s32 $0x9C40;
	s13 =	sadd.s32 $0x4E2, s18;
	[sflag:s10] =	ssyncadd.s32 $0xFFFFD8F0  }
0x1b: {  	[tilespmem:s11], [sflag:$0x3] =	stream.indirect.gather [spmem:s6], $0x1, s7, s9, $0xb8;
	[tilespmem:$0x1AE60] =	vst v63  }
0x1c: {  	s12 =	simm.s32 $0x4E20;
	s15 =	sadd.s32 s19, s13  }
0x1d: {  	[tilespmem:s12], [sflag:$0x2] =	stream.linear.gather [hbm4b:s15+s7], $0x2710, $0x38;
	[tilespmem:$0x1AE60] =	vst v63  }
0x1e: {  	s30 =	sadd.s32 s20, s13;
	s13 =	simm.s32 $0x7530;
	s15 =	simm.s32 $0x2  }
0x1f: {  	[tilespmem:s13], [sflag:$0x2] =	stream.linear.gather [hbm4b:s30+s7], $0x2710, $0x38;
	[tilespmem:$0x1AE60] =	vst v63  }
0x20: {  	_ =	swait.ge [sflag:s15], $0x2710  }
0x21: {  	[sflag:s15] =	ssyncset.done $0x0  }
0x22: {  	[sflag:s15] =	ssyncadd.s32 $0xFFFFD8F0  }
0x23: {  	_ =	swait.ge [sflag:s15], $0x2710  }
0x24: {  	[sflag:s15] =	ssyncset.done $0x0  }
0x25: {  	s16 =	simm.s32 $0xC350;
	s17 =	simm.s32 $0x3;
	[sflag:s15] =	ssyncadd.s32 $0xFFFFD8F0  }
0x26: {  	[tilespmem:s16], [sflag:$0x4] =	stream.indirect.gather [spmem:s6], $0x1, s12, s9, $0xb8;
	[tilespmem:$0x1AE60] =	vst v63  }
0x27: {  	_ =	swait.ge [sflag:s17], $0x2710  }
0x28: {  	[sflag:s17] =	ssyncset.done $0x0  }
0x29: {  	[sflag:s17] =	ssyncadd.s32 $0xFFFFD8F0  }
0x2a: {  	[spmem:s2] =	stream.indirect.scatter.add.f32 [tilespmem:s11], [sflag:$0x5], $0x1, s9, s9, $0xb8;
	[tilespmem:$0x1AE60] =	vst v63  }
0x2b: {  	_ =	swait.ge [sflag:s8], $0x2710  }
0x2c: {  	s18 =	sadd.s32 $0x9C4, s18;
	[sflag:s8] =	ssyncset.done $0x0  }
0x2d: {  	s31 =	smul.u32 $0x186A0, s1;
	s21 =	sadd.s32 s19, s18;
	[sflag:s8] =	ssyncadd.s32 $0xFFFFD8F0  }
0x2e: {  	[tilespmem:s7], [sflag:$0x1] =	stream.linear.gather [hbm4b:s21+s7], $0x2710, $0x38;
	[tilespmem:$0x1AE60] =	vst v63  }
0x2f: {  	s14 =	sadd.s32 $0x1CA00, s14;
	s18 =	sadd.s32 s20, s18;
	s19 =	sadd.s32 s31, s19  }
0x30: {  	[tilespmem:s9], [sflag:$0x1] =	stream.linear.gather [hbm4b:s18+s7], $0x2710, $0x38;
	[tilespmem:$0x1AE60] =	vst v63  }
0x31: {  	s21 =	simm.s32 $0x0;
	s18 =	sadd.s32 s31, s20;
	s20 =	simm.s32 $0x4  }
.LBB2_1:
0x32: {  	_ =	swait.ge [sflag:s10], $0x2710  }
0x33: {  	[sflag:s10] =	ssyncset.done $0x0  }
0x34: {  	[sflag:s10] =	ssyncadd.s32 $0xFFFFD8F0  }
0x35: {  	_ =	swait.ge [sflag:s10], $0x2710  }
0x36: {  	[sflag:s10] =	ssyncset.done $0x0  }
0x37: {  	[sflag:s10] =	ssyncadd.s32 $0xFFFFD8F0  }
0x38: {  	[tilespmem:s11], [sflag:$0x3] =	stream.indirect.gather [spmem:s6], $0x1, s7, s9, $0xb8;
	[tilespmem:$0x1AE60] =	vst v63  }
0x39: {  	_ =	swait.ge [sflag:s20], $0x2710  }
0x3a: {  	[sflag:s20] =	ssyncset.done $0x0  }
0x3b: {  	[sflag:s20] =	ssyncadd.s32 $0xFFFFD8F0  }
0x3c: {  	[spmem:s2] =	stream.indirect.scatter.add.f32 [tilespmem:s16], [sflag:$0x5], $0x1, s13, s9, $0xb8;
	[tilespmem:$0x1AE60] =	vst v63  }
0x3d: {  	_ =	swait.ge [sflag:s8], $0x2710  }
0x3e: {  	s22 =	sadd.s32 s21, s19;
	[sflag:s8] =	ssyncset.done $0x0  }
0x3f: {  	s31 =	sadd.s32 s21, s18;
	s22 =	sadd.s32 $0xEA6, s22;
	[sflag:s8] =	ssyncadd.s32 $0xFFFFD8F0  }
0x40: {  	[tilespmem:s12], [sflag:$0x2] =	stream.linear.gather [hbm4b:s22+s7], $0x2710, $0x38;
	[tilespmem:$0x1AE60] =	vst v63  }
0x41: {  	s22 =	sadd.s32 $0xEA6, s31  }
0x42: {  	[tilespmem:s13], [sflag:$0x2] =	stream.linear.gather [hbm4b:s22+s7], $0x2710, $0x38;
	[tilespmem:$0x1AE60] =	vst v63  }
0x43: {  	_ =	swait.ge [sflag:s15], $0x2710  }
0x44: {  	[sflag:s15] =	ssyncset.done $0x0  }
0x45: {  	[sflag:s15] =	ssyncadd.s32 $0xFFFFD8F0  }
0x46: {  	_ =	swait.ge [sflag:s15], $0x2710  }
0x47: {  	[sflag:s15] =	ssyncset.done $0x0  }
0x48: {  	[sflag:s15] =	ssyncadd.s32 $0xFFFFD8F0  }
0x49: {  	[tilespmem:s16], [sflag:$0x4] =	stream.indirect.gather [spmem:s6], $0x1, s12, s9, $0xb8;
	[tilespmem:$0x1AE60] =	vst v63  }
0x4a: {  	_ =	swait.ge [sflag:s17], $0x2710  }
0x4b: {  	[sflag:s17] =	ssyncset.done $0x0  }
0x4c: {  	[sflag:s17] =	ssyncadd.s32 $0xFFFFD8F0  }
0x4d: {  	[spmem:s2] =	stream.indirect.scatter.add.f32 [tilespmem:s11], [sflag:$0x5], $0x1, s9, s9, $0xb8;
	[tilespmem:$0x1AE60] =	vst v63  }
0x4e: {  	p0 =	seq.s32 s21, $0x17318;
	_ =	swait.ge [sflag:s8], $0x2710  }
0x4f: {  	s22 =	sadd.s32 @!p0 s21, s19;
	[sflag:s8] =	ssyncset.done $0x0  }
0x50: {  	s23 =	simm.s32 @!p0 $0x0;
	s22 =	sadd.s32 @!p0 $0x1388, s22;
	[sflag:s8] =	ssyncadd.s32 $0xFFFFD8F0  }
0x51: {  	[tilespmem:s23], [sflag:$0x1] =	stream.linear.gather @!p0 [hbm4b:s22+s23], $0x2710, $0x38;
	[tilespmem:$0x1AE60] =	vst v63  }
0x52: {  	s22 =	sadd.s32 @!p0 s21, s18;
	s21 =	sadd.s32 @!p0 $0x9C4, s21  }
0x53: {  	s24 =	simm.s32 @!p0 $0x2710;
	s22 =	sadd.s32 @!p0 $0x1388, s22;
	p1 =	sne.s32 @!p0 s21, $0x17CDC  }
0x54: {  	[tilespmem:s24], [sflag:$0x1] =	stream.linear.gather @!p0 [hbm4b:s22+s23], $0x2710, $0x38;
	[tilespmem:$0x1AE60] =	vst v63  }
0x55: {  	p0 =	por p0, !p1  }
.Ltmp0:
0x56: {  	_ = 	snop;
	(pc) =	sbr.rel @!p0 .LBB2_1-.Ltmp0, $1  }
0x57: {  	_ =	sdelay $0x3  }
0x58: {  	s6 =	simm.s32 $0x4  }
0x59: {  	_ =	swait.ge [sflag:s6], $0x2710  }
0x5a: {  	s30 =	simm.s32 $0x2710;
	s7 =	simm.s32 $0x7530;
	[sflag:s6] =	ssyncset.done $0x0  }
0x5b: {  	s8 =	simm.s32 $0xC350;
	s31 =	simm.s32 $0x5;
	[sflag:s6] =	ssyncadd.s32 $0xFFFFD8F0  }
0x5c: {  	[spmem:s2] =	stream.indirect.scatter.add.f32 [tilespmem:s8], [sflag:$0x5], $0x1, s7, s30, $0xb8;
	[tilespmem:$0x1AE60] =	vst v63  }
0x5d: {  	_ =	swait.ge [sflag:s31], $0x2710  }
0x5e: {  	[sflag:s31] =	ssyncset.done $0x0  }
0x5f: {  	[sflag:s31] =	ssyncadd.s32 $0xFFFFD8F0  }
0x60: {  	s3 =	sadd.s32 s14, s3;
	[bflag:$0x0] =	sbarrier.arrive $0xFFFF  }
0x61: {  	[hbm:s3], [sflag:s4] =	dma.local [spmem:s5], $0xC40  }
0x62: {  	_ =	swait.ge [sflag:s31], $0xC40  }
0x63: {  	[sflag:s31] =	ssyncset.done $0x0  }
0x64: {  	[sflag:s31] =	ssyncadd.s32 $0xFFFFF3C0  }
0x65: {  	_ =	sfence.sel $0x180000  }
0x66: {  	[bflag:$0x0] =	sbarrier.arrive $0xFFFF  }
0x67: {  	p0 =	sne.s32 s1, $0x0;
	_ =	strace $0x9000004A  }
0x68: {  	s0 =	sadd.s32 @!p0 $0x100000, s0;
	[bflag:$0x2] =	sbarrier.arrive $0xFFFF  }
0x69: {  	[sflag:s0] =	ssyncadd.tile.s32 @!p0 $0x1;
	_ =	shalt  }
.Lfunc_end2:
_tile_overlayer_lowered:
.L_overlay_start_2:
0x6a: {  	(tag) =	ssettag $0x2  }
0x6b: {  	s0 =	rddreg [dreg:$0x0];
	s2 =	stileid.u32  }
0x6c: {  	s1 =	rddreg [dreg:$0x1];
	p0 =	sne.s32 s2, $0x0  }
0x6d: {  	s3 =	rddreg [dreg:$0x2];
	[bflag:$0x3] =	sbarrier.arrive $0xFFFF;
	s2 =	simm.s32 @!p0 $0x1C05  }
0x6e: {  	[timem:s3], [sflag:s2] =	dma.local @!p0 [hbm:s0], s1  }
0x6f: {  	s0 =	simm.s32 @!p0 $0x5  }
0x70: {  	_ =	swait.ge @!p0 [sflag:s0], s1  }
0x71: {  	s1 =	ssub.s32 @!p0 $0x0, s1;
	[sflag:s0] =	ssyncset.done @!p0 $0x0  }
0x72: {  	[sflag:s0] =	ssyncadd.s32 @!p0 s1  }
0x73: {  	[bflag:$0x3] =	sbarrier.arrive $0xFFFF  }
0x74: {  	_ =	shalt  }

// kernel: kernel.17.cloned.1.call-start
scs
__scs_entry_jumppad:
0x0: {  	(pc) =	sbr.rel $0x88, $3  }
0x1: {  	(tag) =	ssettag $0x0;
	lr =	simm.s32 $0x1  }
0x2: {  	[smem:$0x3F95] =	sst lr;
	_ =	strace $0xD0000000  }
0x3: {  	_ = 	snop  }
0x4: {  	_ = 	snop  }
0x5: {  	_ = 	snop  }
0x6: {  	_ = 	snop  }
0x7: {  	_ = 	snop  }
__scs_overlays_trampoline_lowered:
0x8: {  	[smem:$0x3FA4] =	sst s0  }
0x9: {  	[smem:$0x3FA5] =	sst s1  }
0xa: {  	[smem:$0x3FA6] =	sst s2  }
0xb: {  	[smem:$0x3FA7] =	sst s3  }
0xc: {  	[smem:$0x3FA8] =	sst s4  }
0xd: {  	[smem:$0x3FA9] =	sst s5  }
0xe: {  	[smem:$0x3FAA] =	sst s6  }
0xf: {  	[smem:$0x3FAB] =	sst s7  }
0x10: {  	[smem:$0x3FAC] =	sst s8  }
0x11: {  	[smem:$0x3FAD] =	sst s9;
	s0 =	simm.s32 @!p0 $0x0  }
0x12: {  	s1 =	sld [smem:$0x3F93];
	s0 =	simm.s32 @p0 $0x1  }
0x13: {  	[smem:$0x3FAE] =	sst s0;
	s0 =	simm.s32 @!p1 $0x0  }
0x14: {  	s2 =	sld [smem:$0x3F92];
	s0 =	simm.s32 @p1 $0x1  }
0x15: {  	[smem:$0x3FAF] =	sst s0;
	s0 =	simm.s32 @!p2 $0x0  }
0x16: {  	s3 =	sld [smem:$0x3FDB];
	s0 =	simm.s32 @p2 $0x1  }
0x17: {  	s4 =	simm.s32 $0x1BF5;
	[smem:$0x3FB1] =	sst s0  }
0x18: {  	s0 =	sld [smem:$0x3F94];
	_ =	swait.ge [sflag:s4], $0x0  }
0x19: {  	s7 =	sld [smem:$0x3F95]  }
0x1a: {  	s8 =	sadd.s32 $0xFFFFE003, lr  }
0x1b: {  	s9 =	sadd.s32 $0xFFFFFEF7, lr;
	s5 =	simm.s32 $0xFFFFFFFF;
	p2 =	slt.u32 s8, $0xFFFFF086  }
0x1c: {  	p1 =	slt.u32 s9, $0xF7A;
	s5 =	simm.s32 @!p2 $0x0  }
0x1d: {  	s5 =	simm.s32 @p1 $0x1;
	p0 =	seq.s32 s7, s2  }
0x1e: {  	s7 =	smul.u32 @!p0 $0xF7A, s2;
	p2 =	seq.s32 @!p0 s5, $0x0  }
0x1f: {  	s9 =	smul.u32 $0xF7A, s1;
	s8 =	simm.s32 @!p0 $0x1BF5;
	p2 =	por !p2, p0  }
0x20: {  	[sflag:s8] =	ssyncset.s32 @!p0 $0xFFFFF086;
	s6 =	sadd.s32 @!p0 s3, s7;
	s7 =	simm.s32 @!p0 $0x108  }
0x21: {  	s3 =	sadd.s32 s3, s9;
	s6 =	sadd.s32 @!p0 $0x88, s6;
	s7 =	simm.s32 @p2 $0x1082  }
0x22: {  	[simem:s7], [sflag:s8] =	dma.local @!p0 [hbm:s6], $0xF7A  }
0x23: {  	s9 =	sor.u32 $0xD0000000, s2;
	s6 =	simm.s32 $0x108;
	_ =	swait.ge @!p0 [sflag:s8], $0x0  }
0x24: {  	s3 =	sadd.s32 $0x88, s3;
	s6 =	simm.s32 @!p1 $0x1082;
	[sflag:s4] =	ssyncset.s32 $0xFFFFF086  }
0x25: {  	[simem:s6], [sflag:s4] =	dma.local [hbm:s3], $0xF7A  }
0x26: {  	[smem:$0x3F95] =	sst s1;
	(tag) =	ssettag s2;
	_ =	strace s9  }
0x27: {  	s1 =	sld [smem:$0x3FA5]  }
0x28: {  	s2 =	sld [smem:$0x3FA6]  }
0x29: {  	s4 =	sld [smem:$0x3FA8]  }
0x2a: {  	p0 =	seq.s32 s5, $0x0;
	s5 =	sld [smem:$0x3FA9]  }
0x2b: {  	s6 =	sld [smem:$0x3FAA]  }
0x2c: {  	s7 =	sld [smem:$0x3FAB]  }
0x2d: {  	s3 =	simm.s32 $0x108;
	s8 =	sld [smem:$0x3FAC]  }
0x2e: {  	s3 =	simm.s32 @!p0 $0x1082;
	s9 =	sld [smem:$0x3FAD]  }
0x2f: {  	lr =	sadd.s32 s0, s3;
	s0 =	sld [smem:$0x3FA4]  }
0x30: {  	s3 =	sld [smem:$0x3FA7]  }
0x31: {  	[smem:$0x3FB0] =	sst s10  }
0x32: {  	s10 =	sld [smem:$0x3FAE];
	_ =	sdelay $0x3  }
0x33: {  	p0 =	seq.s32 s10, $0x1;
	s10 =	sld [smem:$0x3FB0];
	_ =	sdelay $0x3  }
0x34: {  	[smem:$0x3FB0] =	sst s10  }
0x35: {  	s10 =	sld [smem:$0x3FAF];
	_ =	sdelay $0x3  }
0x36: {  	p1 =	seq.s32 s10, $0x1;
	s10 =	sld [smem:$0x3FB0];
	_ =	sdelay $0x3  }
0x37: {  	[smem:$0x3FB0] =	sst s10  }
0x38: {  	s10 =	sld [smem:$0x3FB1]  }
0x39: {  	_ = 	snop;
	(pc) =	sbr.ind lr, $3  }
0x3a: {  	_ = 	snop  }
0x3b: {  	_ = 	snop  }
0x3c: {  	p2 =	seq.s32 s10, $0x1;
	s10 =	sld [smem:$0x3FB0]  }
0x3d: {  	_ =	shalt  }
0x3e: {  	_ =	shalt  }
0x3f: {  	_ =	shalt  }
0x40: {  	_ =	shalt  }
0x41: {  	_ =	shalt  }
0x42: {  	_ =	shalt  }
0x43: {  	_ =	shalt  }
0x44: {  	_ =	shalt  }
0x45: {  	_ =	shalt  }
0x46: {  	_ =	shalt  }
0x47: {  	_ =	shalt  }
0x48: {  	_ =	shalt  }
0x49: {  	_ =	shalt  }
0x4a: {  	_ =	shalt  }
0x4b: {  	_ =	shalt  }
0x4c: {  	_ =	shalt  }
0x4d: {  	_ =	shalt  }
0x4e: {  	_ =	shalt  }
0x4f: {  	_ =	shalt  }
0x50: {  	_ =	shalt  }
0x51: {  	_ =	shalt  }
0x52: {  	_ =	shalt  }
0x53: {  	_ =	shalt  }
0x54: {  	_ =	shalt  }
0x55: {  	_ =	shalt  }
0x56: {  	_ =	shalt  }
0x57: {  	_ =	shalt  }
0x58: {  	_ =	shalt  }
0x59: {  	_ =	shalt  }
0x5a: {  	_ =	shalt  }
0x5b: {  	_ =	shalt  }
0x5c: {  	_ =	shalt  }
0x5d: {  	_ =	shalt  }
0x5e: {  	_ =	shalt  }
0x5f: {  	_ =	shalt  }
0x60: {  	_ =	shalt  }
0x61: {  	_ =	shalt  }
0x62: {  	_ =	shalt  }
0x63: {  	_ =	shalt  }
0x64: {  	_ =	shalt  }
0x65: {  	_ =	shalt  }
0x66: {  	_ =	shalt  }
0x67: {  	_ =	shalt  }
0x68: {  	_ =	shalt  }
0x69: {  	_ =	shalt  }
0x6a: {  	_ =	shalt  }
0x6b: {  	_ =	shalt  }
0x6c: {  	_ =	shalt  }
0x6d: {  	_ =	shalt  }
0x6e: {  	_ =	shalt  }
0x6f: {  	_ =	shalt  }
0x70: {  	_ =	shalt  }
0x71: {  	_ =	shalt  }
0x72: {  	_ =	shalt  }
0x73: {  	_ =	shalt  }
0x74: {  	_ =	shalt  }
0x75: {  	_ =	shalt  }
0x76: {  	_ =	shalt  }
0x77: {  	_ =	shalt  }
0x78: {  	_ =	shalt  }
0x79: {  	_ =	shalt  }
0x7a: {  	_ =	shalt  }
0x7b: {  	_ =	shalt  }
0x7c: {  	_ =	shalt  }
0x7d: {  	_ =	shalt  }
0x7e: {  	_ =	shalt  }
0x7f: {  	_ =	shalt  }
0x80: {  	_ =	shalt  }
0x81: {  	_ =	shalt  }
0x82: {  	_ =	shalt  }
0x83: {  	_ =	shalt  }
0x84: {  	_ =	shalt  }
0x85: {  	_ =	shalt  }
0x86: {  	_ =	shalt  }
0x87: {  	_ =	shalt  }
.Lfunc_end0:
.L_simem_size_0:
called_computation.2_lowered:
.L_overlay_start_0:
0x88: {  	s0 =	sld [smem:$0x3FD9]  }
0x89: {  	s1 =	sld [smem:$0x3FFE];
	_ =	sdelay $0x3  }
0x8a: {  	s0 =	sadd.s32 s1, s0  }
0x8b: {  	[smem:$0x3FBC] =	sst s0  }
0x8c: {  	_ = 	snop  }
0x8d: {  	(tm) =	ssettm $0x1  }
0x8e: {  	s15 =	sld [smem:$0x3FFB];
	_ =	sdelay $0x3  }
0x8f: {  	_ =	strace s15  }
0x90: {  	s0 =	sld [smem:$0x3FFC];
	_ =	sdelay $0x3  }
0x91: {  	_ =	strace s0  }
0x92: {  	s0 =	sld [smem:$0x3FFD];
	_ =	sdelay $0x3  }
0x93: {  	_ =	strace s0  }
0x94: {  	_ =	strace $0x8FFFFFFF  }
0x95: {  	s16 =	sld [smem:$0x3FDB];
	_ =	sdelay $0x1  }
0x96: {  	s17 =	simm.s32 $_scs_section_size  }
0x97: {  	s2 =	simm.s32 $_size__tile_overlayer_lowered;
	s3 =	simm.s32 $_tile_overlayer_lowered  }
0x98: {  	s20 =	simm.s32 $0x1BFF;
	s19 =	sshll.u32 s3, $0x1;
	s0 =	sadd.s32 s17, s16  }
0x99: {  	s4 =	simm.s32 $0x0;
	s18 =	sshll.u32 s2, $0x1;
	s2 =	sadd.s32 s19, s0  }
0x9a: {  	[timem:s4], [sflag:s20] =	dma.local [hbm:s2], s18  }
0x9b: {  	_ =	swait.ge [sflag:s20], s18  }
0x9c: {  	s1 =	ssub.s32 $0x0, s18;
	[sflag:s20] =	ssyncset.done $0x0  }
0x9d: {  	[sflag:s20] =	ssyncadd.s32 s1;
	_ =	sdelay $0x1  }
0x9e: {  	s21 =	simm.s32 $0x1B8B  }
0x9f: {  	_ =	swait.ge [sflag:s21], $0x1  }
0xa0: {  	[sflag:s21] =	ssyncset.done $0x0  }
0xa1: {  	s23 =	simm.s32 $0x1B8E;
	s22 =	sld [smem:$0x3FFE];
	[sflag:s21] =	ssyncadd.s32 $0xFFFFFFFF  }
0xa2: {  	s24 =	simm.s32 $execute0_lowered;
	[smem:$0x3FD2] =	sst s23  }
0xa3: {  	s2 =	sshll.u32 s24, $0x1;
	_ =	strace $0x8000004F;
	[dreg:$0x1] =	wrdreg $0xFFFFFFFF  }
0xa4: {  	s25 =	simm.s32 $_size_execute0_lowered;
	s0 =	sadd.s32 s0, s2;
	[dreg:$0x0] =	wrdreg $0x0  }
0xa5: {  	s2 =	sshll.u32 s25, $0x1;
	[dreg:$0x2] =	wrdreg s0  }
0xa6: {  	[dreg:$0x3] =	wrdreg s2  }
0xa7: {  	[dreg:$0x4] =	wrdreg $0xC0  }
0xa8: {  	_ =	task [dreg:s4], $0x5FFFF  }
0xa9: {  	[dreg:$0x1] =	wrdreg $0xFFFFFFFF  }
0xaa: {  	[dreg:$0x0] =	wrdreg $0x60  }
0xab: {  	[dreg:$0x2] =	wrdreg s22  }
0xac: {  	[dreg:$0x3] =	wrdreg $0x14C600  }
0xad: {  	[dreg:$0x4] =	wrdreg $0xEA600  }
0xae: {  	[dreg:$0x5] =	wrdreg $0x9  }
0xaf: {  	_ =	task.clear_ibuf [dreg:s4], $0x6FFFF;
	_ =	strace $0x9000004F  }
0xb0: {  	s26 =	simm.s32 $0x9;
	_ =	strace $0x80000051  }
0xb1: {  	_ =	swait.ge [sflag:s26], $0x1  }
0xb2: {  	[sflag:s26] =	ssyncadd.s32 $0xFFFFFFFF  }
0xb3: {  	_ =	strace $0x90000051  }
0xb4: {  	_ =	sfence  }
0xb5: {  	s28 =	sld [smem:$0x0];
	_ =	sdelay $0x1  }
0xb6: {  	s29 =	srdreg.scid  }
0xb7: {  	s30 =	sshll.u32 s29, $0xD;
	s31 =	sshrl.u32 s29, $0x2  }
0xb8: {  	s1 =	sand.u32 $0x1, s29;
	s2 =	sand.u32 $0x4000, s30;
	s0 =	sadd.s32 s31, s28  }
0xb9: {  	s1 =	sor.u32 s2, s1;
	s0 =	sshll.u32 s0, $0x11  }
0xba: {  	s0 =	sor.u32 s0, s1  }
0xbb: {  	s0 =	sadd.s32 $0x8F2B, s0  }
0xbc: {  	[sflag:s0] =	ssyncadd.remote.s32 $0x1  }
0xbd: {  	_ =	sfence.sel $0xFFFF  }
0xbe: {  	[dreg:$0x0] =	wrdreg $0xFFFFFFFF;
	(pc) =	sbr.abs _section_cstart, $3  }
0xbf: {  	[dreg:$0x1] =	wrdreg $0xFFFFFFFF  }
0xc0: {  	_ =	task.clear_ibuf [dreg:s4], $0x2FFFF;
	_ =	strace $0x9FFFFFFF  }
0xc1: {  	(tm) =	ssettm $0x7FFFFFFF  }
tec
execute0_lowered:
.L_overlay_start_1:
0x0: {  	(tag) =	ssettag $0x1  }
0x1: {  	s14 =	rddreg [dreg:$0x0]  }
0x2: {  	s2 =	rddreg [dreg:$0x1];
	s1 =	stileid.u32  }
0x3: {  	s6 =	rddreg [dreg:$0x2];
	s9 =	smul.u32 $0x6200, s1  }
0x4: {  	s0 =	rddreg [dreg:$0x3];
	s7 =	simm.s32 $0x0  }
0x5: {  	[smem:$0x7FF] =	sst s7;
	s4 =	sshll.u32 s1, $0x6;
	s3 =	sshrl.u32 s9, $0x3  }
0x6: {  	_ =	strace $0x80000050;
	s5 =	sadd.s32 s9, s2;
	s10 =	sadd.s32 s3, s14  }
0x7: {  	s4 =	sor.u32 $0x1C05, s4;
	s5 =	sshrl.u32 s5, $0x3;
	s8 =	sadd.s32 $0x10600, s10  }
0x8: {  	[spmem:s5], [sflag:s4] =	dma.local [hbm:s8], $0xC40  }
0x9: {  	s8 =	simm.s32 $0x5  }
0xa: {  	_ =	swait.ge [sflag:s8], $0xC40  }
0xb: {  	s9 =	sadd.s32 s9, s6;
	[sflag:s8] =	ssyncset.done $0x0  }
0xc: {  	s9 =	sshrl.u32 s9, $0x3;
	s10 =	sadd.s32 $0x28E00, s10;
	[sflag:s8] =	ssyncadd.s32 $0xFFFFF3C0  }
0xd: {  	[spmem:s9], [sflag:s4] =	dma.local [hbm:s10], $0xC40  }
0xe: {  	s28 =	smul.u32 $0xC3500, s1;
	_ =	swait.ge [sflag:s8], $0xC40  }
0xf: {  	[sflag:s8] =	ssyncset.done $0x0  }
0x10: {  	s19 =	sadd.s32 $0x3328800, s14;
	s18 =	sshrl.u32 s28, $0x3;
	[sflag:s8] =	ssyncadd.s32 $0xFFFFF3C0  }
0x11: {  	s20 =	sadd.s32 $0x31A1E00, s14;
	s9 =	sadd.s32 s19, s18;
	[bflag:$0x0] =	sbarrier.arrive $0xFFFF  }
0x12: {  	[tilespmem:s7], [sflag:$0x1] =	stream.linear.gather [hbm4b:s9+s7], $0x2710, $0x38;
	[tilespmem:$0x1AE60] =	vst v63  }
0x13: {  	s29 =	sadd.s32 s20, s18;
	s10 =	simm.s32 $0x1;
	s9 =	simm.s32 $0x2710  }
0x14: {  	[tilespmem:s9], [sflag:$0x1] =	stream.linear.gather [hbm4b:s29+s7], $0x2710, $0x38;
	[tilespmem:$0x1AE60] =	vst v63  }
0x15: {  	_ =	swait.ge [sflag:s10], $0x2710  }
0x16: {  	[sflag:s10] =	ssyncset.done $0x0  }
0x17: {  	[sflag:s10] =	ssyncadd.s32 $0xFFFFD8F0  }
0x18: {  	_ =	swait.ge [sflag:s10], $0x2710  }
0x19: {  	[sflag:s10] =	ssyncset.done $0x0  }
0x1a: {  	s11 =	simm.s32 $0x9C40;
	s13 =	sadd.s32 $0x4E2, s18;
	[sflag:s10] =	ssyncadd.s32 $0xFFFFD8F0  }
0x1b: {  	[tilespmem:s11], [sflag:$0x3] =	stream.indirect.gather [spmem:s6], $0x1, s7, s9, $0xb8;
	[tilespmem:$0x1AE60] =	vst v63  }
0x1c: {  	s12 =	simm.s32 $0x4E20;
	s15 =	sadd.s32 s19, s13  }
0x1d: {  	[tilespmem:s12], [sflag:$0x2] =	stream.linear.gather [hbm4b:s15+s7], $0x2710, $0x38;
	[tilespmem:$0x1AE60] =	vst v63  }
0x1e: {  	s30 =	sadd.s32 s20, s13;
	s13 =	simm.s32 $0x7530;
	s15 =	simm.s32 $0x2  }
0x1f: {  	[tilespmem:s13], [sflag:$0x2] =	stream.linear.gather [hbm4b:s30+s7], $0x2710, $0x38;
	[tilespmem:$0x1AE60] =	vst v63  }
0x20: {  	_ =	swait.ge [sflag:s15], $0x2710  }
0x21: {  	[sflag:s15] =	ssyncset.done $0x0  }
0x22: {  	[sflag:s15] =	ssyncadd.s32 $0xFFFFD8F0  }
0x23: {  	_ =	swait.ge [sflag:s15], $0x2710  }
0x24: {  	[sflag:s15] =	ssyncset.done $0x0  }
0x25: {  	s16 =	simm.s32 $0xC350;
	s17 =	simm.s32 $0x3;
	[sflag:s15] =	ssyncadd.s32 $0xFFFFD8F0  }
0x26: {  	[tilespmem:s16], [sflag:$0x4] =	stream.indirect.gather [spmem:s6], $0x1, s12, s9, $0xb8;
	[tilespmem:$0x1AE60] =	vst v63  }
0x27: {  	_ =	swait.ge [sflag:s17], $0x2710  }
0x28: {  	[sflag:s17] =	ssyncset.done $0x0  }
0x29: {  	[sflag:s17] =	ssyncadd.s32 $0xFFFFD8F0  }
0x2a: {  	[spmem:s2] =	stream.indirect.scatter.add.f32 [tilespmem:s11], [sflag:$0x5], $0x1, s9, s9, $0xb8;
	[tilespmem:$0x1AE60] =	vst v63  }
0x2b: {  	_ =	swait.ge [sflag:s8], $0x2710  }
0x2c: {  	s18 =	sadd.s32 $0x9C4, s18;
	[sflag:s8] =	ssyncset.done $0x0  }
0x2d: {  	s31 =	smul.u32 $0x186A0, s1;
	s21 =	sadd.s32 s19, s18;
	[sflag:s8] =	ssyncadd.s32 $0xFFFFD8F0  }
0x2e: {  	[tilespmem:s7], [sflag:$0x1] =	stream.linear.gather [hbm4b:s21+s7], $0x2710, $0x38;
	[tilespmem:$0x1AE60] =	vst v63  }
0x2f: {  	s14 =	sadd.s32 $0x35200, s14;
	s18 =	sadd.s32 s20, s18;
	s19 =	sadd.s32 s31, s19  }
0x30: {  	[tilespmem:s9], [sflag:$0x1] =	stream.linear.gather [hbm4b:s18+s7], $0x2710, $0x38;
	[tilespmem:$0x1AE60] =	vst v63  }
0x31: {  	s21 =	simm.s32 $0x0;
	s18 =	sadd.s32 s31, s20;
	s20 =	simm.s32 $0x4  }
.LBB2_1:
0x32: {  	_ =	swait.ge [sflag:s10], $0x2710  }
0x33: {  	[sflag:s10] =	ssyncset.done $0x0  }
0x34: {  	[sflag:s10] =	ssyncadd.s32 $0xFFFFD8F0  }
0x35: {  	_ =	swait.ge [sflag:s10], $0x2710  }
0x36: {  	[sflag:s10] =	ssyncset.done $0x0  }
0x37: {  	[sflag:s10] =	ssyncadd.s32 $0xFFFFD8F0  }
0x38: {  	[tilespmem:s11], [sflag:$0x3] =	stream.indirect.gather [spmem:s6], $0x1, s7, s9, $0xb8;
	[tilespmem:$0x1AE60] =	vst v63  }
0x39: {  	_ =	swait.ge [sflag:s20], $0x2710  }
0x3a: {  	[sflag:s20] =	ssyncset.done $0x0  }
0x3b: {  	[sflag:s20] =	ssyncadd.s32 $0xFFFFD8F0  }
0x3c: {  	[spmem:s2] =	stream.indirect.scatter.add.f32 [tilespmem:s16], [sflag:$0x5], $0x1, s13, s9, $0xb8;
	[tilespmem:$0x1AE60] =	vst v63  }
0x3d: {  	_ =	swait.ge [sflag:s8], $0x2710  }
0x3e: {  	s22 =	sadd.s32 s21, s19;
	[sflag:s8] =	ssyncset.done $0x0  }
0x3f: {  	s31 =	sadd.s32 s21, s18;
	s22 =	sadd.s32 $0xEA6, s22;
	[sflag:s8] =	ssyncadd.s32 $0xFFFFD8F0  }
0x40: {  	[tilespmem:s12], [sflag:$0x2] =	stream.linear.gather [hbm4b:s22+s7], $0x2710, $0x38;
	[tilespmem:$0x1AE60] =	vst v63  }
0x41: {  	s22 =	sadd.s32 $0xEA6, s31  }
0x42: {  	[tilespmem:s13], [sflag:$0x2] =	stream.linear.gather [hbm4b:s22+s7], $0x2710, $0x38;
	[tilespmem:$0x1AE60] =	vst v63  }
0x43: {  	_ =	swait.ge [sflag:s15], $0x2710  }
0x44: {  	[sflag:s15] =	ssyncset.done $0x0  }
0x45: {  	[sflag:s15] =	ssyncadd.s32 $0xFFFFD8F0  }
0x46: {  	_ =	swait.ge [sflag:s15], $0x2710  }
0x47: {  	[sflag:s15] =	ssyncset.done $0x0  }
0x48: {  	[sflag:s15] =	ssyncadd.s32 $0xFFFFD8F0  }
0x49: {  	[tilespmem:s16], [sflag:$0x4] =	stream.indirect.gather [spmem:s6], $0x1, s12, s9, $0xb8;
	[tilespmem:$0x1AE60] =	vst v63  }
0x4a: {  	_ =	swait.ge [sflag:s17], $0x2710  }
0x4b: {  	[sflag:s17] =	ssyncset.done $0x0  }
0x4c: {  	[sflag:s17] =	ssyncadd.s32 $0xFFFFD8F0  }
0x4d: {  	[spmem:s2] =	stream.indirect.scatter.add.f32 [tilespmem:s11], [sflag:$0x5], $0x1, s9, s9, $0xb8;
	[tilespmem:$0x1AE60] =	vst v63  }
0x4e: {  	p0 =	seq.s32 s21, $0x17318;
	_ =	swait.ge [sflag:s8], $0x2710  }
0x4f: {  	s22 =	sadd.s32 @!p0 s21, s19;
	[sflag:s8] =	ssyncset.done $0x0  }
0x50: {  	s23 =	simm.s32 @!p0 $0x0;
	s22 =	sadd.s32 @!p0 $0x1388, s22;
	[sflag:s8] =	ssyncadd.s32 $0xFFFFD8F0  }
0x51: {  	[tilespmem:s23], [sflag:$0x1] =	stream.linear.gather @!p0 [hbm4b:s22+s23], $0x2710, $0x38;
	[tilespmem:$0x1AE60] =	vst v63  }
0x52: {  	s22 =	sadd.s32 @!p0 s21, s18;
	s21 =	sadd.s32 @!p0 $0x9C4, s21  }
0x53: {  	s24 =	simm.s32 @!p0 $0x2710;
	s22 =	sadd.s32 @!p0 $0x1388, s22;
	p1 =	sne.s32 @!p0 s21, $0x17CDC  }
0x54: {  	[tilespmem:s24], [sflag:$0x1] =	stream.linear.gather @!p0 [hbm4b:s22+s23], $0x2710, $0x38;
	[tilespmem:$0x1AE60] =	vst v63  }
0x55: {  	p0 =	por p0, !p1  }
.Ltmp0:
0x56: {  	_ = 	snop;
	(pc) =	sbr.rel @!p0 .LBB2_1-.Ltmp0, $1  }
0x57: {  	_ =	sdelay $0x3  }
0x58: {  	s6 =	simm.s32 $0x4  }
0x59: {  	_ =	swait.ge [sflag:s6], $0x2710  }
0x5a: {  	s30 =	simm.s32 $0x2710;
	s7 =	simm.s32 $0x7530;
	[sflag:s6] =	ssyncset.done $0x0  }
0x5b: {  	s8 =	simm.s32 $0xC350;
	s31 =	simm.s32 $0x5;
	[sflag:s6] =	ssyncadd.s32 $0xFFFFD8F0  }
0x5c: {  	[spmem:s2] =	stream.indirect.scatter.add.f32 [tilespmem:s8], [sflag:$0x5], $0x1, s7, s30, $0xb8;
	[tilespmem:$0x1AE60] =	vst v63  }
0x5d: {  	_ =	swait.ge [sflag:s31], $0x2710  }
0x5e: {  	[sflag:s31] =	ssyncset.done $0x0  }
0x5f: {  	[sflag:s31] =	ssyncadd.s32 $0xFFFFD8F0  }
0x60: {  	s3 =	sadd.s32 s14, s3;
	[bflag:$0x0] =	sbarrier.arrive $0xFFFF  }
0x61: {  	[hbm:s3], [sflag:s4] =	dma.local [spmem:s5], $0xC40  }
0x62: {  	_ =	swait.ge [sflag:s31], $0xC40  }
0x63: {  	[sflag:s31] =	ssyncset.done $0x0  }
0x64: {  	[sflag:s31] =	ssyncadd.s32 $0xFFFFF3C0  }
0x65: {  	_ =	sfence.sel $0x180000  }
0x66: {  	[bflag:$0x0] =	sbarrier.arrive $0xFFFF  }
0x67: {  	p0 =	sne.s32 s1, $0x0;
	_ =	strace $0x90000050  }
0x68: {  	s0 =	sadd.s32 @!p0 $0x100000, s0;
	[bflag:$0x2] =	sbarrier.arrive $0xFFFF  }
0x69: {  	[sflag:s0] =	ssyncadd.tile.s32 @!p0 $0x1;
	_ =	shalt  }
.Lfunc_end2:
_tile_overlayer_lowered:
.L_overlay_start_2:
0x6a: {  	(tag) =	ssettag $0x2  }
0x6b: {  	s0 =	rddreg [dreg:$0x0];
	s2 =	stileid.u32  }
0x6c: {  	s1 =	rddreg [dreg:$0x1];
	p0 =	sne.s32 s2, $0x0  }
0x6d: {  	s3 =	rddreg [dreg:$0x2];
	[bflag:$0x3] =	sbarrier.arrive $0xFFFF;
	s2 =	simm.s32 @!p0 $0x1C05  }
0x6e: {  	[timem:s3], [sflag:s2] =	dma.local @!p0 [hbm:s0], s1  }
0x6f: {  	s0 =	simm.s32 @!p0 $0x5  }
0x70: {  	_ =	swait.ge @!p0 [sflag:s0], s1  }
0x71: {  	s1 =	ssub.s32 @!p0 $0x0, s1;
	[sflag:s0] =	ssyncset.done @!p0 $0x0  }
0x72: {  	[sflag:s0] =	ssyncadd.s32 @!p0 s1  }
0x73: {  	[bflag:$0x3] =	sbarrier.arrive $0xFFFF  }
0x74: {  	_ =	shalt  }

// kernel: kernel.20.cloned.1.call-start
scs
__scs_entry_jumppad:
0x0: {  	(pc) =	sbr.rel $0x88, $3  }
0x1: {  	(tag) =	ssettag $0x0;
	lr =	simm.s32 $0x1  }
0x2: {  	[smem:$0x3F95] =	sst lr;
	_ =	strace $0xD0000000  }
0x3: {  	_ = 	snop  }
0x4: {  	_ = 	snop  }
0x5: {  	_ = 	snop  }
0x6: {  	_ = 	snop  }
0x7: {  	_ = 	snop  }
__scs_overlays_trampoline_lowered:
0x8: {  	[smem:$0x3FA4] =	sst s0  }
0x9: {  	[smem:$0x3FA5] =	sst s1  }
0xa: {  	[smem:$0x3FA6] =	sst s2  }
0xb: {  	[smem:$0x3FA7] =	sst s3  }
0xc: {  	[smem:$0x3FA8] =	sst s4  }
0xd: {  	[smem:$0x3FA9] =	sst s5  }
0xe: {  	[smem:$0x3FAA] =	sst s6  }
0xf: {  	[smem:$0x3FAB] =	sst s7  }
0x10: {  	[smem:$0x3FAC] =	sst s8  }
0x11: {  	[smem:$0x3FAD] =	sst s9;
	s0 =	simm.s32 @!p0 $0x0  }
0x12: {  	s1 =	sld [smem:$0x3F93];
	s0 =	simm.s32 @p0 $0x1  }
0x13: {  	[smem:$0x3FAE] =	sst s0;
	s0 =	simm.s32 @!p1 $0x0  }
0x14: {  	s2 =	sld [smem:$0x3F92];
	s0 =	simm.s32 @p1 $0x1  }
0x15: {  	[smem:$0x3FAF] =	sst s0;
	s0 =	simm.s32 @!p2 $0x0  }
0x16: {  	s3 =	sld [smem:$0x3FDB];
	s0 =	simm.s32 @p2 $0x1  }
0x17: {  	s4 =	simm.s32 $0x1BF5;
	[smem:$0x3FB1] =	sst s0  }
0x18: {  	s0 =	sld [smem:$0x3F94];
	_ =	swait.ge [sflag:s4], $0x0  }
0x19: {  	s7 =	sld [smem:$0x3F95]  }
0x1a: {  	s8 =	sadd.s32 $0xFFFFE003, lr  }
0x1b: {  	s9 =	sadd.s32 $0xFFFFFEF7, lr;
	s5 =	simm.s32 $0xFFFFFFFF;
	p2 =	slt.u32 s8, $0xFFFFF086  }
0x1c: {  	p1 =	slt.u32 s9, $0xF7A;
	s5 =	simm.s32 @!p2 $0x0  }
0x1d: {  	s5 =	simm.s32 @p1 $0x1;
	p0 =	seq.s32 s7, s2  }
0x1e: {  	s7 =	smul.u32 @!p0 $0xF7A, s2;
	p2 =	seq.s32 @!p0 s5, $0x0  }
0x1f: {  	s9 =	smul.u32 $0xF7A, s1;
	s8 =	simm.s32 @!p0 $0x1BF5;
	p2 =	por !p2, p0  }
0x20: {  	[sflag:s8] =	ssyncset.s32 @!p0 $0xFFFFF086;
	s6 =	sadd.s32 @!p0 s3, s7;
	s7 =	simm.s32 @!p0 $0x108  }
0x21: {  	s3 =	sadd.s32 s3, s9;
	s6 =	sadd.s32 @!p0 $0x88, s6;
	s7 =	simm.s32 @p2 $0x1082  }
0x22: {  	[simem:s7], [sflag:s8] =	dma.local @!p0 [hbm:s6], $0xF7A  }
0x23: {  	s9 =	sor.u32 $0xD0000000, s2;
	s6 =	simm.s32 $0x108;
	_ =	swait.ge @!p0 [sflag:s8], $0x0  }
0x24: {  	s3 =	sadd.s32 $0x88, s3;
	s6 =	simm.s32 @!p1 $0x1082;
	[sflag:s4] =	ssyncset.s32 $0xFFFFF086  }
0x25: {  	[simem:s6], [sflag:s4] =	dma.local [hbm:s3], $0xF7A  }
0x26: {  	[smem:$0x3F95] =	sst s1;
	(tag) =	ssettag s2;
	_ =	strace s9  }
0x27: {  	s1 =	sld [smem:$0x3FA5]  }
0x28: {  	s2 =	sld [smem:$0x3FA6]  }
0x29: {  	s4 =	sld [smem:$0x3FA8]  }
0x2a: {  	p0 =	seq.s32 s5, $0x0;
	s5 =	sld [smem:$0x3FA9]  }
0x2b: {  	s6 =	sld [smem:$0x3FAA]  }
0x2c: {  	s7 =	sld [smem:$0x3FAB]  }
0x2d: {  	s3 =	simm.s32 $0x108;
	s8 =	sld [smem:$0x3FAC]  }
0x2e: {  	s3 =	simm.s32 @!p0 $0x1082;
	s9 =	sld [smem:$0x3FAD]  }
0x2f: {  	lr =	sadd.s32 s0, s3;
	s0 =	sld [smem:$0x3FA4]  }
0x30: {  	s3 =	sld [smem:$0x3FA7]  }
0x31: {  	[smem:$0x3FB0] =	sst s10  }
0x32: {  	s10 =	sld [smem:$0x3FAE];
	_ =	sdelay $0x3  }
0x33: {  	p0 =	seq.s32 s10, $0x1;
	s10 =	sld [smem:$0x3FB0];
	_ =	sdelay $0x3  }
0x34: {  	[smem:$0x3FB0] =	sst s10  }
0x35: {  	s10 =	sld [smem:$0x3FAF];
	_ =	sdelay $0x3  }
0x36: {  	p1 =	seq.s32 s10, $0x1;
	s10 =	sld [smem:$0x3FB0];
	_ =	sdelay $0x3  }
0x37: {  	[smem:$0x3FB0] =	sst s10  }
0x38: {  	s10 =	sld [smem:$0x3FB1]  }
0x39: {  	_ = 	snop;
	(pc) =	sbr.ind lr, $3  }
0x3a: {  	_ = 	snop  }
0x3b: {  	_ = 	snop  }
0x3c: {  	p2 =	seq.s32 s10, $0x1;
	s10 =	sld [smem:$0x3FB0]  }
0x3d: {  	_ =	shalt  }
0x3e: {  	_ =	shalt  }
0x3f: {  	_ =	shalt  }
0x40: {  	_ =	shalt  }
0x41: {  	_ =	shalt  }
0x42: {  	_ =	shalt  }
0x43: {  	_ =	shalt  }
0x44: {  	_ =	shalt  }
0x45: {  	_ =	shalt  }
0x46: {  	_ =	shalt  }
0x47: {  	_ =	shalt  }
0x48: {  	_ =	shalt  }
0x49: {  	_ =	shalt  }
0x4a: {  	_ =	shalt  }
0x4b: {  	_ =	shalt  }
0x4c: {  	_ =	shalt  }
0x4d: {  	_ =	shalt  }
0x4e: {  	_ =	shalt  }
0x4f: {  	_ =	shalt  }
0x50: {  	_ =	shalt  }
0x51: {  	_ =	shalt  }
0x52: {  	_ =	shalt  }
0x53: {  	_ =	shalt  }
0x54: {  	_ =	shalt  }
0x55: {  	_ =	shalt  }
0x56: {  	_ =	shalt  }
0x57: {  	_ =	shalt  }
0x58: {  	_ =	shalt  }
0x59: {  	_ =	shalt  }
0x5a: {  	_ =	shalt  }
0x5b: {  	_ =	shalt  }
0x5c: {  	_ =	shalt  }
0x5d: {  	_ =	shalt  }
0x5e: {  	_ =	shalt  }
0x5f: {  	_ =	shalt  }
0x60: {  	_ =	shalt  }
0x61: {  	_ =	shalt  }
0x62: {  	_ =	shalt  }
0x63: {  	_ =	shalt  }
0x64: {  	_ =	shalt  }
0x65: {  	_ =	shalt  }
0x66: {  	_ =	shalt  }
0x67: {  	_ =	shalt  }
0x68: {  	_ =	shalt  }
0x69: {  	_ =	shalt  }
0x6a: {  	_ =	shalt  }
0x6b: {  	_ =	shalt  }
0x6c: {  	_ =	shalt  }
0x6d: {  	_ =	shalt  }
0x6e: {  	_ =	shalt  }
0x6f: {  	_ =	shalt  }
0x70: {  	_ =	shalt  }
0x71: {  	_ =	shalt  }
0x72: {  	_ =	shalt  }
0x73: {  	_ =	shalt  }
0x74: {  	_ =	shalt  }
0x75: {  	_ =	shalt  }
0x76: {  	_ =	shalt  }
0x77: {  	_ =	shalt  }
0x78: {  	_ =	shalt  }
0x79: {  	_ =	shalt  }
0x7a: {  	_ =	shalt  }
0x7b: {  	_ =	shalt  }
0x7c: {  	_ =	shalt  }
0x7d: {  	_ =	shalt  }
0x7e: {  	_ =	shalt  }
0x7f: {  	_ =	shalt  }
0x80: {  	_ =	shalt  }
0x81: {  	_ =	shalt  }
0x82: {  	_ =	shalt  }
0x83: {  	_ =	shalt  }
0x84: {  	_ =	shalt  }
0x85: {  	_ =	shalt  }
0x86: {  	_ =	shalt  }
0x87: {  	_ =	shalt  }
.Lfunc_end0:
.L_simem_size_0:
called_computation.3_lowered:
.L_overlay_start_0:
0x88: {  	s0 =	sld [smem:$0x3FD9]  }
0x89: {  	s1 =	sld [smem:$0x3FFE];
	_ =	sdelay $0x3  }
0x8a: {  	s0 =	sadd.s32 s1, s0  }
0x8b: {  	[smem:$0x3FBC] =	sst s0  }
0x8c: {  	_ = 	snop  }
0x8d: {  	(tm) =	ssettm $0x1  }
0x8e: {  	s15 =	sld [smem:$0x3FFB];
	_ =	sdelay $0x3  }
0x8f: {  	_ =	strace s15  }
0x90: {  	s0 =	sld [smem:$0x3FFC];
	_ =	sdelay $0x3  }
0x91: {  	_ =	strace s0  }
0x92: {  	s0 =	sld [smem:$0x3FFD];
	_ =	sdelay $0x3  }
0x93: {  	_ =	strace s0  }
0x94: {  	_ =	strace $0x8FFFFFFF  }
0x95: {  	s16 =	sld [smem:$0x3FDB];
	_ =	sdelay $0x1  }
0x96: {  	s17 =	simm.s32 $_scs_section_size  }
0x97: {  	s2 =	simm.s32 $_size__tile_overlayer_lowered;
	s3 =	simm.s32 $_tile_overlayer_lowered  }
0x98: {  	s20 =	simm.s32 $0x1BFF;
	s19 =	sshll.u32 s3, $0x1;
	s0 =	sadd.s32 s17, s16  }
0x99: {  	s4 =	simm.s32 $0x0;
	s18 =	sshll.u32 s2, $0x1;
	s2 =	sadd.s32 s19, s0  }
0x9a: {  	[timem:s4], [sflag:s20] =	dma.local [hbm:s2], s18  }
0x9b: {  	_ =	swait.ge [sflag:s20], s18  }
0x9c: {  	s1 =	ssub.s32 $0x0, s18;
	[sflag:s20] =	ssyncset.done $0x0  }
0x9d: {  	[sflag:s20] =	ssyncadd.s32 s1;
	_ =	sdelay $0x1  }
0x9e: {  	s21 =	simm.s32 $0x1B8B  }
0x9f: {  	_ =	swait.ge [sflag:s21], $0x1  }
0xa0: {  	[sflag:s21] =	ssyncset.done $0x0  }
0xa1: {  	s23 =	simm.s32 $0x1B8E;
	s22 =	sld [smem:$0x3FFE];
	[sflag:s21] =	ssyncadd.s32 $0xFFFFFFFF  }
0xa2: {  	s24 =	simm.s32 $execute0_lowered;
	[smem:$0x3FD2] =	sst s23  }
0xa3: {  	s2 =	sshll.u32 s24, $0x1;
	_ =	strace $0x8000004C;
	[dreg:$0x1] =	wrdreg $0xFFFFFFFF  }
0xa4: {  	s25 =	simm.s32 $_size_execute0_lowered;
	s0 =	sadd.s32 s0, s2;
	[dreg:$0x0] =	wrdreg $0x0  }
0xa5: {  	s2 =	sshll.u32 s25, $0x1;
	[dreg:$0x2] =	wrdreg s0  }
0xa6: {  	[dreg:$0x3] =	wrdreg s2  }
0xa7: {  	[dreg:$0x4] =	wrdreg $0xC0  }
0xa8: {  	_ =	task [dreg:s4], $0x5FFFF  }
0xa9: {  	[dreg:$0x1] =	wrdreg $0xFFFFFFFF  }
0xaa: {  	[dreg:$0x0] =	wrdreg $0x60  }
0xab: {  	[dreg:$0x2] =	wrdreg s22  }
0xac: {  	[dreg:$0x3] =	wrdreg $0x14C600  }
0xad: {  	[dreg:$0x4] =	wrdreg $0xEA600  }
0xae: {  	[dreg:$0x5] =	wrdreg $0xA  }
0xaf: {  	_ =	task.clear_ibuf [dreg:s4], $0x6FFFF;
	_ =	strace $0x9000004C  }
0xb0: {  	s26 =	simm.s32 $0xA;
	_ =	strace $0x8000004E  }
0xb1: {  	_ =	swait.ge [sflag:s26], $0x1  }
0xb2: {  	[sflag:s26] =	ssyncadd.s32 $0xFFFFFFFF  }
0xb3: {  	_ =	strace $0x9000004E  }
0xb4: {  	_ =	sfence  }
0xb5: {  	s28 =	sld [smem:$0x0];
	_ =	sdelay $0x1  }
0xb6: {  	s29 =	srdreg.scid  }
0xb7: {  	s30 =	sshll.u32 s29, $0xD;
	s31 =	sshrl.u32 s29, $0x2  }
0xb8: {  	s1 =	sand.u32 $0x1, s29;
	s2 =	sand.u32 $0x4000, s30;
	s0 =	sadd.s32 s31, s28  }
0xb9: {  	s1 =	sor.u32 s2, s1;
	s0 =	sshll.u32 s0, $0x11  }
0xba: {  	s0 =	sor.u32 s0, s1  }
0xbb: {  	s0 =	sadd.s32 $0x8F2B, s0  }
0xbc: {  	[sflag:s0] =	ssyncadd.remote.s32 $0x1  }
0xbd: {  	_ =	sfence.sel $0xFFFF  }
0xbe: {  	[dreg:$0x0] =	wrdreg $0xFFFFFFFF;
	(pc) =	sbr.abs _section_cstart, $3  }
0xbf: {  	[dreg:$0x1] =	wrdreg $0xFFFFFFFF  }
0xc0: {  	_ =	task.clear_ibuf [dreg:s4], $0x2FFFF;
	_ =	strace $0x9FFFFFFF  }
0xc1: {  	(tm) =	ssettm $0x7FFFFFFF  }
tec
execute0_lowered:
.L_overlay_start_1:
0x0: {  	(tag) =	ssettag $0x1  }
0x1: {  	s14 =	rddreg [dreg:$0x0]  }
0x2: {  	s2 =	rddreg [dreg:$0x1];
	s1 =	stileid.u32  }
0x3: {  	s6 =	rddreg [dreg:$0x2];
	s9 =	smul.u32 $0x6200, s1  }
0x4: {  	s0 =	rddreg [dreg:$0x3];
	s7 =	simm.s32 $0x0  }
0x5: {  	[smem:$0x7FF] =	sst s7;
	s4 =	sshll.u32 s1, $0x6;
	s3 =	sshrl.u32 s9, $0x3  }
0x6: {  	_ =	strace $0x8000004D;
	s5 =	sadd.s32 s9, s2;
	s10 =	sadd.s32 s3, s14  }
0x7: {  	s4 =	sor.u32 $0x1C05, s4;
	s5 =	sshrl.u32 s5, $0x3;
	s8 =	sadd.s32 $0x10600, s10  }
0x8: {  	[spmem:s5], [sflag:s4] =	dma.local [hbm:s8], $0xC40  }
0x9: {  	s8 =	simm.s32 $0x5  }
0xa: {  	_ =	swait.ge [sflag:s8], $0xC40  }
0xb: {  	s9 =	sadd.s32 s9, s6;
	[sflag:s8] =	ssyncset.done $0x0  }
0xc: {  	s9 =	sshrl.u32 s9, $0x3;
	s10 =	sadd.s32 $0x4200, s10;
	[sflag:s8] =	ssyncadd.s32 $0xFFFFF3C0  }
0xd: {  	[spmem:s9], [sflag:s4] =	dma.local [hbm:s10], $0xC40  }
0xe: {  	s28 =	smul.u32 $0xC3500, s1;
	_ =	swait.ge [sflag:s8], $0xC40  }
0xf: {  	[sflag:s8] =	ssyncset.done $0x0  }
0x10: {  	s19 =	sadd.s32 $0x3328800, s14;
	s18 =	sshrl.u32 s28, $0x3;
	[sflag:s8] =	ssyncadd.s32 $0xFFFFF3C0  }
0x11: {  	s20 =	sadd.s32 $0x31A1E00, s14;
	s9 =	sadd.s32 s19, s18;
	[bflag:$0x0] =	sbarrier.arrive $0xFFFF  }
0x12: {  	[tilespmem:s7], [sflag:$0x1] =	stream.linear.gather [hbm4b:s9+s7], $0x2710, $0x38;
	[tilespmem:$0x1AE60] =	vst v63  }
0x13: {  	s29 =	sadd.s32 s20, s18;
	s10 =	simm.s32 $0x1;
	s9 =	simm.s32 $0x2710  }
0x14: {  	[tilespmem:s9], [sflag:$0x1] =	stream.linear.gather [hbm4b:s29+s7], $0x2710, $0x38;
	[tilespmem:$0x1AE60] =	vst v63  }
0x15: {  	_ =	swait.ge [sflag:s10], $0x2710  }
0x16: {  	[sflag:s10] =	ssyncset.done $0x0  }
0x17: {  	[sflag:s10] =	ssyncadd.s32 $0xFFFFD8F0  }
0x18: {  	_ =	swait.ge [sflag:s10], $0x2710  }
0x19: {  	[sflag:s10] =	ssyncset.done $0x0  }
0x1a: {  	s11 =	simm.s32 $0x9C40;
	s13 =	sadd.s32 $0x4E2, s18;
	[sflag:s10] =	ssyncadd.s32 $0xFFFFD8F0  }
0x1b: {  	[tilespmem:s11], [sflag:$0x3] =	stream.indirect.gather [spmem:s6], $0x1, s7, s9, $0xb8;
	[tilespmem:$0x1AE60] =	vst v63  }
0x1c: {  	s12 =	simm.s32 $0x4E20;
	s15 =	sadd.s32 s19, s13  }
0x1d: {  	[tilespmem:s12], [sflag:$0x2] =	stream.linear.gather [hbm4b:s15+s7], $0x2710, $0x38;
	[tilespmem:$0x1AE60] =	vst v63  }
0x1e: {  	s30 =	sadd.s32 s20, s13;
	s13 =	simm.s32 $0x7530;
	s15 =	simm.s32 $0x2  }
0x1f: {  	[tilespmem:s13], [sflag:$0x2] =	stream.linear.gather [hbm4b:s30+s7], $0x2710, $0x38;
	[tilespmem:$0x1AE60] =	vst v63  }
0x20: {  	_ =	swait.ge [sflag:s15], $0x2710  }
0x21: {  	[sflag:s15] =	ssyncset.done $0x0  }
0x22: {  	[sflag:s15] =	ssyncadd.s32 $0xFFFFD8F0  }
0x23: {  	_ =	swait.ge [sflag:s15], $0x2710  }
0x24: {  	[sflag:s15] =	ssyncset.done $0x0  }
0x25: {  	s16 =	simm.s32 $0xC350;
	s17 =	simm.s32 $0x3;
	[sflag:s15] =	ssyncadd.s32 $0xFFFFD8F0  }
0x26: {  	[tilespmem:s16], [sflag:$0x4] =	stream.indirect.gather [spmem:s6], $0x1, s12, s9, $0xb8;
	[tilespmem:$0x1AE60] =	vst v63  }
0x27: {  	_ =	swait.ge [sflag:s17], $0x2710  }
0x28: {  	[sflag:s17] =	ssyncset.done $0x0  }
0x29: {  	[sflag:s17] =	ssyncadd.s32 $0xFFFFD8F0  }
0x2a: {  	[spmem:s2] =	stream.indirect.scatter.add.f32 [tilespmem:s11], [sflag:$0x5], $0x1, s9, s9, $0xb8;
	[tilespmem:$0x1AE60] =	vst v63  }
0x2b: {  	_ =	swait.ge [sflag:s8], $0x2710  }
0x2c: {  	s18 =	sadd.s32 $0x9C4, s18;
	[sflag:s8] =	ssyncset.done $0x0  }
0x2d: {  	s31 =	smul.u32 $0x186A0, s1;
	s21 =	sadd.s32 s19, s18;
	[sflag:s8] =	ssyncadd.s32 $0xFFFFD8F0  }
0x2e: {  	[tilespmem:s7], [sflag:$0x1] =	stream.linear.gather [hbm4b:s21+s7], $0x2710, $0x38;
	[tilespmem:$0x1AE60] =	vst v63  }
0x2f: {  	s14 =	sadd.s32 $0x1CA00, s14;
	s18 =	sadd.s32 s20, s18;
	s19 =	sadd.s32 s31, s19  }
0x30: {  	[tilespmem:s9], [sflag:$0x1] =	stream.linear.gather [hbm4b:s18+s7], $0x2710, $0x38;
	[tilespmem:$0x1AE60] =	vst v63  }
0x31: {  	s21 =	simm.s32 $0x0;
	s18 =	sadd.s32 s31, s20;
	s20 =	simm.s32 $0x4  }
.LBB2_1:
0x32: {  	_ =	swait.ge [sflag:s10], $0x2710  }
0x33: {  	[sflag:s10] =	ssyncset.done $0x0  }
0x34: {  	[sflag:s10] =	ssyncadd.s32 $0xFFFFD8F0  }
0x35: {  	_ =	swait.ge [sflag:s10], $0x2710  }
0x36: {  	[sflag:s10] =	ssyncset.done $0x0  }
0x37: {  	[sflag:s10] =	ssyncadd.s32 $0xFFFFD8F0  }
0x38: {  	[tilespmem:s11], [sflag:$0x3] =	stream.indirect.gather [spmem:s6], $0x1, s7, s9, $0xb8;
	[tilespmem:$0x1AE60] =	vst v63  }
0x39: {  	_ =	swait.ge [sflag:s20], $0x2710  }
0x3a: {  	[sflag:s20] =	ssyncset.done $0x0  }
0x3b: {  	[sflag:s20] =	ssyncadd.s32 $0xFFFFD8F0  }
0x3c: {  	[spmem:s2] =	stream.indirect.scatter.add.f32 [tilespmem:s16], [sflag:$0x5], $0x1, s13, s9, $0xb8;
	[tilespmem:$0x1AE60] =	vst v63  }
0x3d: {  	_ =	swait.ge [sflag:s8], $0x2710  }
0x3e: {  	s22 =	sadd.s32 s21, s19;
	[sflag:s8] =	ssyncset.done $0x0  }
0x3f: {  	s31 =	sadd.s32 s21, s18;
	s22 =	sadd.s32 $0xEA6, s22;
	[sflag:s8] =	ssyncadd.s32 $0xFFFFD8F0  }
0x40: {  	[tilespmem:s12], [sflag:$0x2] =	stream.linear.gather [hbm4b:s22+s7], $0x2710, $0x38;
	[tilespmem:$0x1AE60] =	vst v63  }
0x41: {  	s22 =	sadd.s32 $0xEA6, s31  }
0x42: {  	[tilespmem:s13], [sflag:$0x2] =	stream.linear.gather [hbm4b:s22+s7], $0x2710, $0x38;
	[tilespmem:$0x1AE60] =	vst v63  }
0x43: {  	_ =	swait.ge [sflag:s15], $0x2710  }
0x44: {  	[sflag:s15] =	ssyncset.done $0x0  }
0x45: {  	[sflag:s15] =	ssyncadd.s32 $0xFFFFD8F0  }
0x46: {  	_ =	swait.ge [sflag:s15], $0x2710  }
0x47: {  	[sflag:s15] =	ssyncset.done $0x0  }
0x48: {  	[sflag:s15] =	ssyncadd.s32 $0xFFFFD8F0  }
0x49: {  	[tilespmem:s16], [sflag:$0x4] =	stream.indirect.gather [spmem:s6], $0x1, s12, s9, $0xb8;
	[tilespmem:$0x1AE60] =	vst v63  }
0x4a: {  	_ =	swait.ge [sflag:s17], $0x2710  }
0x4b: {  	[sflag:s17] =	ssyncset.done $0x0  }
0x4c: {  	[sflag:s17] =	ssyncadd.s32 $0xFFFFD8F0  }
0x4d: {  	[spmem:s2] =	stream.indirect.scatter.add.f32 [tilespmem:s11], [sflag:$0x5], $0x1, s9, s9, $0xb8;
	[tilespmem:$0x1AE60] =	vst v63  }
0x4e: {  	p0 =	seq.s32 s21, $0x17318;
	_ =	swait.ge [sflag:s8], $0x2710  }
0x4f: {  	s22 =	sadd.s32 @!p0 s21, s19;
	[sflag:s8] =	ssyncset.done $0x0  }
0x50: {  	s23 =	simm.s32 @!p0 $0x0;
	s22 =	sadd.s32 @!p0 $0x1388, s22;
	[sflag:s8] =	ssyncadd.s32 $0xFFFFD8F0  }
0x51: {  	[tilespmem:s23], [sflag:$0x1] =	stream.linear.gather @!p0 [hbm4b:s22+s23], $0x2710, $0x38;
	[tilespmem:$0x1AE60] =	vst v63  }
0x52: {  	s22 =	sadd.s32 @!p0 s21, s18;
	s21 =	sadd.s32 @!p0 $0x9C4, s21  }
0x53: {  	s24 =	simm.s32 @!p0 $0x2710;
	s22 =	sadd.s32 @!p0 $0x1388, s22;
	p1 =	sne.s32 @!p0 s21, $0x17CDC  }
0x54: {  	[tilespmem:s24], [sflag:$0x1] =	stream.linear.gather @!p0 [hbm4b:s22+s23], $0x2710, $0x38;
	[tilespmem:$0x1AE60] =	vst v63  }
0x55: {  	p0 =	por p0, !p1  }
.Ltmp0:
0x56: {  	_ = 	snop;
	(pc) =	sbr.rel @!p0 .LBB2_1-.Ltmp0, $1  }
0x57: {  	_ =	sdelay $0x3  }
0x58: {  	s6 =	simm.s32 $0x4  }
0x59: {  	_ =	swait.ge [sflag:s6], $0x2710  }
0x5a: {  	s30 =	simm.s32 $0x2710;
	s7 =	simm.s32 $0x7530;
	[sflag:s6] =	ssyncset.done $0x0  }
0x5b: {  	s8 =	simm.s32 $0xC350;
	s31 =	simm.s32 $0x5;
	[sflag:s6] =	ssyncadd.s32 $0xFFFFD8F0  }
0x5c: {  	[spmem:s2] =	stream.indirect.scatter.add.f32 [tilespmem:s8], [sflag:$0x5], $0x1, s7, s30, $0xb8;
	[tilespmem:$0x1AE60] =	vst v63  }
0x5d: {  	_ =	swait.ge [sflag:s31], $0x2710  }
0x5e: {  	[sflag:s31] =	ssyncset.done $0x0  }
0x5f: {  	[sflag:s31] =	ssyncadd.s32 $0xFFFFD8F0  }
0x60: {  	s3 =	sadd.s32 s14, s3;
	[bflag:$0x0] =	sbarrier.arrive $0xFFFF  }
0x61: {  	[hbm:s3], [sflag:s4] =	dma.local [spmem:s5], $0xC40  }
0x62: {  	_ =	swait.ge [sflag:s31], $0xC40  }
0x63: {  	[sflag:s31] =	ssyncset.done $0x0  }
0x64: {  	[sflag:s31] =	ssyncadd.s32 $0xFFFFF3C0  }
0x65: {  	_ =	sfence.sel $0x180000  }
0x66: {  	[bflag:$0x0] =	sbarrier.arrive $0xFFFF  }
0x67: {  	p0 =	sne.s32 s1, $0x0;
	_ =	strace $0x9000004D  }
0x68: {  	s0 =	sadd.s32 @!p0 $0x100000, s0;
	[bflag:$0x2] =	sbarrier.arrive $0xFFFF  }
0x69: {  	[sflag:s0] =	ssyncadd.tile.s32 @!p0 $0x1;
	_ =	shalt  }
.Lfunc_end2:
_tile_overlayer_lowered:
.L_overlay_start_2:
0x6a: {  	(tag) =	ssettag $0x2  }
0x6b: {  	s0 =	rddreg [dreg:$0x0];
	s2 =	stileid.u32  }
0x6c: {  	s1 =	rddreg [dreg:$0x1];
	p0 =	sne.s32 s2, $0x0  }
0x6d: {  	s3 =	rddreg [dreg:$0x2];
	[bflag:$0x3] =	sbarrier.arrive $0xFFFF;
	s2 =	simm.s32 @!p0 $0x1C05  }
0x6e: {  	[timem:s3], [sflag:s2] =	dma.local @!p0 [hbm:s0], s1  }
0x6f: {  	s0 =	simm.s32 @!p0 $0x5  }
0x70: {  	_ =	swait.ge @!p0 [sflag:s0], s1  }
0x71: {  	s1 =	ssub.s32 @!p0 $0x0, s1;
	[sflag:s0] =	ssyncset.done @!p0 $0x0  }
0x72: {  	[sflag:s0] =	ssyncadd.s32 @!p0 s1  }
0x73: {  	[bflag:$0x3] =	sbarrier.arrive $0xFFFF  }
0x74: {  	_ =	shalt  }

// kernel: kernel.23.cloned.1.call-start
scs
__scs_entry_jumppad:
0x0: {  	(pc) =	sbr.rel $0x88, $3  }
0x1: {  	(tag) =	ssettag $0x0;
	lr =	simm.s32 $0x1  }
0x2: {  	[smem:$0x3F95] =	sst lr;
	_ =	strace $0xD0000000  }
0x3: {  	_ = 	snop  }
0x4: {  	_ = 	snop  }
0x5: {  	_ = 	snop  }
0x6: {  	_ = 	snop  }
0x7: {  	_ = 	snop  }
__scs_overlays_trampoline_lowered:
0x8: {  	[smem:$0x3FA4] =	sst s0  }
0x9: {  	[smem:$0x3FA5] =	sst s1  }
0xa: {  	[smem:$0x3FA6] =	sst s2  }
0xb: {  	[smem:$0x3FA7] =	sst s3  }
0xc: {  	[smem:$0x3FA8] =	sst s4  }
0xd: {  	[smem:$0x3FA9] =	sst s5  }
0xe: {  	[smem:$0x3FAA] =	sst s6  }
0xf: {  	[smem:$0x3FAB] =	sst s7  }
0x10: {  	[smem:$0x3FAC] =	sst s8  }
0x11: {  	[smem:$0x3FAD] =	sst s9;
	s0 =	simm.s32 @!p0 $0x0  }
0x12: {  	s1 =	sld [smem:$0x3F93];
	s0 =	simm.s32 @p0 $0x1  }
0x13: {  	[smem:$0x3FAE] =	sst s0;
	s0 =	simm.s32 @!p1 $0x0  }
0x14: {  	s2 =	sld [smem:$0x3F92];
	s0 =	simm.s32 @p1 $0x1  }
0x15: {  	[smem:$0x3FAF] =	sst s0;
	s0 =	simm.s32 @!p2 $0x0  }
0x16: {  	s3 =	sld [smem:$0x3FDB];
	s0 =	simm.s32 @p2 $0x1  }
0x17: {  	s4 =	simm.s32 $0x1BF5;
	[smem:$0x3FB1] =	sst s0  }
0x18: {  	s0 =	sld [smem:$0x3F94];
	_ =	swait.ge [sflag:s4], $0x0  }
0x19: {  	s7 =	sld [smem:$0x3F95]  }
0x1a: {  	s8 =	sadd.s32 $0xFFFFE003, lr  }
0x1b: {  	s9 =	sadd.s32 $0xFFFFFEF7, lr;
	s5 =	simm.s32 $0xFFFFFFFF;
	p2 =	slt.u32 s8, $0xFFFFF086  }
0x1c: {  	p1 =	slt.u32 s9, $0xF7A;
	s5 =	simm.s32 @!p2 $0x0  }
0x1d: {  	s5 =	simm.s32 @p1 $0x1;
	p0 =	seq.s32 s7, s2  }
0x1e: {  	s7 =	smul.u32 @!p0 $0xF7A, s2;
	p2 =	seq.s32 @!p0 s5, $0x0  }
0x1f: {  	s9 =	smul.u32 $0xF7A, s1;
	s8 =	simm.s32 @!p0 $0x1BF5;
	p2 =	por !p2, p0  }
0x20: {  	[sflag:s8] =	ssyncset.s32 @!p0 $0xFFFFF086;
	s6 =	sadd.s32 @!p0 s3, s7;
	s7 =	simm.s32 @!p0 $0x108  }
0x21: {  	s3 =	sadd.s32 s3, s9;
	s6 =	sadd.s32 @!p0 $0x88, s6;
	s7 =	simm.s32 @p2 $0x1082  }
0x22: {  	[simem:s7], [sflag:s8] =	dma.local @!p0 [hbm:s6], $0xF7A  }
0x23: {  	s9 =	sor.u32 $0xD0000000, s2;
	s6 =	simm.s32 $0x108;
	_ =	swait.ge @!p0 [sflag:s8], $0x0  }
0x24: {  	s3 =	sadd.s32 $0x88, s3;
	s6 =	simm.s32 @!p1 $0x1082;
	[sflag:s4] =	ssyncset.s32 $0xFFFFF086  }
0x25: {  	[simem:s6], [sflag:s4] =	dma.local [hbm:s3], $0xF7A  }
0x26: {  	[smem:$0x3F95] =	sst s1;
	(tag) =	ssettag s2;
	_ =	strace s9  }
0x27: {  	s1 =	sld [smem:$0x3FA5]  }
0x28: {  	s2 =	sld [smem:$0x3FA6]  }
0x29: {  	s4 =	sld [smem:$0x3FA8]  }
0x2a: {  	p0 =	seq.s32 s5, $0x0;
	s5 =	sld [smem:$0x3FA9]  }
0x2b: {  	s6 =	sld [smem:$0x3FAA]  }
0x2c: {  	s7 =	sld [smem:$0x3FAB]  }
0x2d: {  	s3 =	simm.s32 $0x108;
	s8 =	sld [smem:$0x3FAC]  }
0x2e: {  	s3 =	simm.s32 @!p0 $0x1082;
	s9 =	sld [smem:$0x3FAD]  }
0x2f: {  	lr =	sadd.s32 s0, s3;
	s0 =	sld [smem:$0x3FA4]  }
0x30: {  	s3 =	sld [smem:$0x3FA7]  }
0x31: {  	[smem:$0x3FB0] =	sst s10  }
0x32: {  	s10 =	sld [smem:$0x3FAE];
	_ =	sdelay $0x3  }
0x33: {  	p0 =	seq.s32 s10, $0x1;
	s10 =	sld [smem:$0x3FB0];
	_ =	sdelay $0x3  }
0x34: {  	[smem:$0x3FB0] =	sst s10  }
0x35: {  	s10 =	sld [smem:$0x3FAF];
	_ =	sdelay $0x3  }
0x36: {  	p1 =	seq.s32 s10, $0x1;
	s10 =	sld [smem:$0x3FB0];
	_ =	sdelay $0x3  }
0x37: {  	[smem:$0x3FB0] =	sst s10  }
0x38: {  	s10 =	sld [smem:$0x3FB1]  }
0x39: {  	_ = 	snop;
	(pc) =	sbr.ind lr, $3  }
0x3a: {  	_ = 	snop  }
0x3b: {  	_ = 	snop  }
0x3c: {  	p2 =	seq.s32 s10, $0x1;
	s10 =	sld [smem:$0x3FB0]  }
0x3d: {  	_ =	shalt  }
0x3e: {  	_ =	shalt  }
0x3f: {  	_ =	shalt  }
0x40: {  	_ =	shalt  }
0x41: {  	_ =	shalt  }
0x42: {  	_ =	shalt  }
0x43: {  	_ =	shalt  }
0x44: {  	_ =	shalt  }
0x45: {  	_ =	shalt  }
0x46: {  	_ =	shalt  }
0x47: {  	_ =	shalt  }
0x48: {  	_ =	shalt  }
0x49: {  	_ =	shalt  }
0x4a: {  	_ =	shalt  }
0x4b: {  	_ =	shalt  }
0x4c: {  	_ =	shalt  }
0x4d: {  	_ =	shalt  }
0x4e: {  	_ =	shalt  }
0x4f: {  	_ =	shalt  }
0x50: {  	_ =	shalt  }
0x51: {  	_ =	shalt  }
0x52: {  	_ =	shalt  }
0x53: {  	_ =	shalt  }
0x54: {  	_ =	shalt  }
0x55: {  	_ =	shalt  }
0x56: {  	_ =	shalt  }
0x57: {  	_ =	shalt  }
0x58: {  	_ =	shalt  }
0x59: {  	_ =	shalt  }
0x5a: {  	_ =	shalt  }
0x5b: {  	_ =	shalt  }
0x5c: {  	_ =	shalt  }
0x5d: {  	_ =	shalt  }
0x5e: {  	_ =	shalt  }
0x5f: {  	_ =	shalt  }
0x60: {  	_ =	shalt  }
0x61: {  	_ =	shalt  }
0x62: {  	_ =	shalt  }
0x63: {  	_ =	shalt  }
0x64: {  	_ =	shalt  }
0x65: {  	_ =	shalt  }
0x66: {  	_ =	shalt  }
0x67: {  	_ =	shalt  }
0x68: {  	_ =	shalt  }
0x69: {  	_ =	shalt  }
0x6a: {  	_ =	shalt  }
0x6b: {  	_ =	shalt  }
0x6c: {  	_ =	shalt  }
0x6d: {  	_ =	shalt  }
0x6e: {  	_ =	shalt  }
0x6f: {  	_ =	shalt  }
0x70: {  	_ =	shalt  }
0x71: {  	_ =	shalt  }
0x72: {  	_ =	shalt  }
0x73: {  	_ =	shalt  }
0x74: {  	_ =	shalt  }
0x75: {  	_ =	shalt  }
0x76: {  	_ =	shalt  }
0x77: {  	_ =	shalt  }
0x78: {  	_ =	shalt  }
0x79: {  	_ =	shalt  }
0x7a: {  	_ =	shalt  }
0x7b: {  	_ =	shalt  }
0x7c: {  	_ =	shalt  }
0x7d: {  	_ =	shalt  }
0x7e: {  	_ =	shalt  }
0x7f: {  	_ =	shalt  }
0x80: {  	_ =	shalt  }
0x81: {  	_ =	shalt  }
0x82: {  	_ =	shalt  }
0x83: {  	_ =	shalt  }
0x84: {  	_ =	shalt  }
0x85: {  	_ =	shalt  }
0x86: {  	_ =	shalt  }
0x87: {  	_ =	shalt  }
.Lfunc_end0:
.L_simem_size_0:
called_computation.4_lowered:
.L_overlay_start_0:
0x88: {  	s0 =	sld [smem:$0x3FD9]  }
0x89: {  	s1 =	sld [smem:$0x3FFE];
	_ =	sdelay $0x3  }
0x8a: {  	s0 =	sadd.s32 s1, s0  }
0x8b: {  	[smem:$0x3FBC] =	sst s0  }
0x8c: {  	_ = 	snop  }
0x8d: {  	(tm) =	ssettm $0x1  }
0x8e: {  	s15 =	sld [smem:$0x3FFB];
	_ =	sdelay $0x3  }
0x8f: {  	_ =	strace s15  }
0x90: {  	s0 =	sld [smem:$0x3FFC];
	_ =	sdelay $0x3  }
0x91: {  	_ =	strace s0  }
0x92: {  	s0 =	sld [smem:$0x3FFD];
	_ =	sdelay $0x3  }
0x93: {  	_ =	strace s0  }
0x94: {  	_ =	strace $0x8FFFFFFF  }
0x95: {  	s16 =	sld [smem:$0x3FDB];
	_ =	sdelay $0x1  }
0x96: {  	s17 =	simm.s32 $_scs_section_size  }
0x97: {  	s2 =	simm.s32 $_size__tile_overlayer_lowered;
	s3 =	simm.s32 $_tile_overlayer_lowered  }
0x98: {  	s20 =	simm.s32 $0x1BFF;
	s19 =	sshll.u32 s3, $0x1;
	s0 =	sadd.s32 s17, s16  }
0x99: {  	s4 =	simm.s32 $0x0;
	s18 =	sshll.u32 s2, $0x1;
	s2 =	sadd.s32 s19, s0  }
0x9a: {  	[timem:s4], [sflag:s20] =	dma.local [hbm:s2], s18  }
0x9b: {  	_ =	swait.ge [sflag:s20], s18  }
0x9c: {  	s1 =	ssub.s32 $0x0, s18;
	[sflag:s20] =	ssyncset.done $0x0  }
0x9d: {  	[sflag:s20] =	ssyncadd.s32 s1;
	_ =	sdelay $0x1  }
0x9e: {  	s21 =	simm.s32 $0x1B8B  }
0x9f: {  	_ =	swait.ge [sflag:s21], $0x1  }
0xa0: {  	[sflag:s21] =	ssyncset.done $0x0  }
0xa1: {  	s23 =	simm.s32 $0x1B8E;
	s22 =	sld [smem:$0x3FFE];
	[sflag:s21] =	ssyncadd.s32 $0xFFFFFFFF  }
0xa2: {  	s24 =	simm.s32 $execute0_lowered;
	[smem:$0x3FD2] =	sst s23  }
0xa3: {  	s2 =	sshll.u32 s24, $0x1;
	_ =	strace $0x80000052;
	[dreg:$0x1] =	wrdreg $0xFFFFFFFF  }
0xa4: {  	s25 =	simm.s32 $_size_execute0_lowered;
	s0 =	sadd.s32 s0, s2;
	[dreg:$0x0] =	wrdreg $0x0  }
0xa5: {  	s2 =	sshll.u32 s25, $0x1;
	[dreg:$0x2] =	wrdreg s0  }
0xa6: {  	[dreg:$0x3] =	wrdreg s2  }
0xa7: {  	[dreg:$0x4] =	wrdreg $0xC0  }
0xa8: {  	_ =	task [dreg:s4], $0x5FFFF  }
0xa9: {  	[dreg:$0x1] =	wrdreg $0xFFFFFFFF  }
0xaa: {  	[dreg:$0x0] =	wrdreg $0x60  }
0xab: {  	[dreg:$0x2] =	wrdreg s22  }
0xac: {  	[dreg:$0x3] =	wrdreg $0x14C600  }
0xad: {  	[dreg:$0x4] =	wrdreg $0xEA600  }
0xae: {  	[dreg:$0x5] =	wrdreg $0x9  }
0xaf: {  	_ =	task.clear_ibuf [dreg:s4], $0x6FFFF;
	_ =	strace $0x90000052  }
0xb0: {  	s26 =	simm.s32 $0x9;
	_ =	strace $0x80000054  }
0xb1: {  	_ =	swait.ge [sflag:s26], $0x1  }
0xb2: {  	[sflag:s26] =	ssyncadd.s32 $0xFFFFFFFF  }
0xb3: {  	_ =	strace $0x90000054  }
0xb4: {  	_ =	sfence  }
0xb5: {  	s28 =	sld [smem:$0x0];
	_ =	sdelay $0x1  }
0xb6: {  	s29 =	srdreg.scid  }
0xb7: {  	s30 =	sshll.u32 s29, $0xD;
	s31 =	sshrl.u32 s29, $0x2  }
0xb8: {  	s1 =	sand.u32 $0x1, s29;
	s2 =	sand.u32 $0x4000, s30;
	s0 =	sadd.s32 s31, s28  }
0xb9: {  	s1 =	sor.u32 s2, s1;
	s0 =	sshll.u32 s0, $0x11  }
0xba: {  	s0 =	sor.u32 s0, s1  }
0xbb: {  	s0 =	sadd.s32 $0x8F2B, s0  }
0xbc: {  	[sflag:s0] =	ssyncadd.remote.s32 $0x1  }
0xbd: {  	_ =	sfence.sel $0xFFFF  }
0xbe: {  	[dreg:$0x0] =	wrdreg $0xFFFFFFFF;
	(pc) =	sbr.abs _section_cstart, $3  }
0xbf: {  	[dreg:$0x1] =	wrdreg $0xFFFFFFFF  }
0xc0: {  	_ =	task.clear_ibuf [dreg:s4], $0x2FFFF;
	_ =	strace $0x9FFFFFFF  }
0xc1: {  	(tm) =	ssettm $0x7FFFFFFF  }
tec
execute0_lowered:
.L_overlay_start_1:
0x0: {  	(tag) =	ssettag $0x1  }
0x1: {  	s14 =	rddreg [dreg:$0x0]  }
0x2: {  	s2 =	rddreg [dreg:$0x1];
	s1 =	stileid.u32  }
0x3: {  	s6 =	rddreg [dreg:$0x2];
	s9 =	smul.u32 $0x6200, s1  }
0x4: {  	s0 =	rddreg [dreg:$0x3];
	s7 =	simm.s32 $0x0  }
0x5: {  	[smem:$0x7FF] =	sst s7;
	s4 =	sshll.u32 s1, $0x6;
	s3 =	sshrl.u32 s9, $0x3  }
0x6: {  	_ =	strace $0x80000053;
	s5 =	sadd.s32 s9, s2;
	s10 =	sadd.s32 s3, s14  }
0x7: {  	s4 =	sor.u32 $0x1C05, s4;
	s5 =	sshrl.u32 s5, $0x3;
	s8 =	sadd.s32 $0x10600, s10  }
0x8: {  	[spmem:s5], [sflag:s4] =	dma.local [hbm:s8], $0xC40  }
0x9: {  	s8 =	simm.s32 $0x5  }
0xa: {  	_ =	swait.ge [sflag:s8], $0xC40  }
0xb: {  	s9 =	sadd.s32 s9, s6;
	[sflag:s8] =	ssyncset.done $0x0  }
0xc: {  	s9 =	sshrl.u32 s9, $0x3;
	s10 =	sadd.s32 $0x4200, s10;
	[sflag:s8] =	ssyncadd.s32 $0xFFFFF3C0  }
0xd: {  	[spmem:s9], [sflag:s4] =	dma.local [hbm:s10], $0xC40  }
0xe: {  	s28 =	smul.u32 $0xC3500, s1;
	_ =	swait.ge [sflag:s8], $0xC40  }
0xf: {  	[sflag:s8] =	ssyncset.done $0x0  }
0x10: {  	s19 =	sadd.s32 $0x3328800, s14;
	s18 =	sshrl.u32 s28, $0x3;
	[sflag:s8] =	ssyncadd.s32 $0xFFFFF3C0  }
0x11: {  	s20 =	sadd.s32 $0x31A1E00, s14;
	s9 =	sadd.s32 s19, s18;
	[bflag:$0x0] =	sbarrier.arrive $0xFFFF  }
0x12: {  	[tilespmem:s7], [sflag:$0x1] =	stream.linear.gather [hbm4b:s9+s7], $0x2710, $0x38;
	[tilespmem:$0x1AE60] =	vst v63  }
0x13: {  	s29 =	sadd.s32 s20, s18;
	s10 =	simm.s32 $0x1;
	s9 =	simm.s32 $0x2710  }
0x14: {  	[tilespmem:s9], [sflag:$0x1] =	stream.linear.gather [hbm4b:s29+s7], $0x2710, $0x38;
	[tilespmem:$0x1AE60] =	vst v63  }
0x15: {  	_ =	swait.ge [sflag:s10], $0x2710  }
0x16: {  	[sflag:s10] =	ssyncset.done $0x0  }
0x17: {  	[sflag:s10] =	ssyncadd.s32 $0xFFFFD8F0  }
0x18: {  	_ =	swait.ge [sflag:s10], $0x2710  }
0x19: {  	[sflag:s10] =	ssyncset.done $0x0  }
0x1a: {  	s11 =	simm.s32 $0x9C40;
	s13 =	sadd.s32 $0x4E2, s18;
	[sflag:s10] =	ssyncadd.s32 $0xFFFFD8F0  }
0x1b: {  	[tilespmem:s11], [sflag:$0x3] =	stream.indirect.gather [spmem:s6], $0x1, s7, s9, $0xb8;
	[tilespmem:$0x1AE60] =	vst v63  }
0x1c: {  	s12 =	simm.s32 $0x4E20;
	s15 =	sadd.s32 s19, s13  }
0x1d: {  	[tilespmem:s12], [sflag:$0x2] =	stream.linear.gather [hbm4b:s15+s7], $0x2710, $0x38;
	[tilespmem:$0x1AE60] =	vst v63  }
0x1e: {  	s30 =	sadd.s32 s20, s13;
	s13 =	simm.s32 $0x7530;
	s15 =	simm.s32 $0x2  }
0x1f: {  	[tilespmem:s13], [sflag:$0x2] =	stream.linear.gather [hbm4b:s30+s7], $0x2710, $0x38;
	[tilespmem:$0x1AE60] =	vst v63  }
0x20: {  	_ =	swait.ge [sflag:s15], $0x2710  }
0x21: {  	[sflag:s15] =	ssyncset.done $0x0  }
0x22: {  	[sflag:s15] =	ssyncadd.s32 $0xFFFFD8F0  }
0x23: {  	_ =	swait.ge [sflag:s15], $0x2710  }
0x24: {  	[sflag:s15] =	ssyncset.done $0x0  }
0x25: {  	s16 =	simm.s32 $0xC350;
	s17 =	simm.s32 $0x3;
	[sflag:s15] =	ssyncadd.s32 $0xFFFFD8F0  }
0x26: {  	[tilespmem:s16], [sflag:$0x4] =	stream.indirect.gather [spmem:s6], $0x1, s12, s9, $0xb8;
	[tilespmem:$0x1AE60] =	vst v63  }
0x27: {  	_ =	swait.ge [sflag:s17], $0x2710  }
0x28: {  	[sflag:s17] =	ssyncset.done $0x0  }
0x29: {  	[sflag:s17] =	ssyncadd.s32 $0xFFFFD8F0  }
0x2a: {  	[spmem:s2] =	stream.indirect.scatter.add.f32 [tilespmem:s11], [sflag:$0x5], $0x1, s9, s9, $0xb8;
	[tilespmem:$0x1AE60] =	vst v63  }
0x2b: {  	_ =	swait.ge [sflag:s8], $0x2710  }
0x2c: {  	s18 =	sadd.s32 $0x9C4, s18;
	[sflag:s8] =	ssyncset.done $0x0  }
0x2d: {  	s31 =	smul.u32 $0x186A0, s1;
	s21 =	sadd.s32 s19, s18;
	[sflag:s8] =	ssyncadd.s32 $0xFFFFD8F0  }
0x2e: {  	[tilespmem:s7], [sflag:$0x1] =	stream.linear.gather [hbm4b:s21+s7], $0x2710, $0x38;
	[tilespmem:$0x1AE60] =	vst v63  }
0x2f: {  	s14 =	sadd.s32 $0x1A4A00, s14;
	s18 =	sadd.s32 s20, s18;
	s19 =	sadd.s32 s31, s19  }
0x30: {  	[tilespmem:s9], [sflag:$0x1] =	stream.linear.gather [hbm4b:s18+s7], $0x2710, $0x38;
	[tilespmem:$0x1AE60] =	vst v63  }
0x31: {  	s21 =	simm.s32 $0x0;
	s18 =	sadd.s32 s31, s20;
	s20 =	simm.s32 $0x4  }
.LBB2_1:
0x32: {  	_ =	swait.ge [sflag:s10], $0x2710  }
0x33: {  	[sflag:s10] =	ssyncset.done $0x0  }
0x34: {  	[sflag:s10] =	ssyncadd.s32 $0xFFFFD8F0  }
0x35: {  	_ =	swait.ge [sflag:s10], $0x2710  }
0x36: {  	[sflag:s10] =	ssyncset.done $0x0  }
0x37: {  	[sflag:s10] =	ssyncadd.s32 $0xFFFFD8F0  }
0x38: {  	[tilespmem:s11], [sflag:$0x3] =	stream.indirect.gather [spmem:s6], $0x1, s7, s9, $0xb8;
	[tilespmem:$0x1AE60] =	vst v63  }
0x39: {  	_ =	swait.ge [sflag:s20], $0x2710  }
0x3a: {  	[sflag:s20] =	ssyncset.done $0x0  }
0x3b: {  	[sflag:s20] =	ssyncadd.s32 $0xFFFFD8F0  }
0x3c: {  	[spmem:s2] =	stream.indirect.scatter.add.f32 [tilespmem:s16], [sflag:$0x5], $0x1, s13, s9, $0xb8;
	[tilespmem:$0x1AE60] =	vst v63  }
0x3d: {  	_ =	swait.ge [sflag:s8], $0x2710  }
0x3e: {  	s22 =	sadd.s32 s21, s19;
	[sflag:s8] =	ssyncset.done $0x0  }
0x3f: {  	s31 =	sadd.s32 s21, s18;
	s22 =	sadd.s32 $0xEA6, s22;
	[sflag:s8] =	ssyncadd.s32 $0xFFFFD8F0  }
0x40: {  	[tilespmem:s12], [sflag:$0x2] =	stream.linear.gather [hbm4b:s22+s7], $0x2710, $0x38;
	[tilespmem:$0x1AE60] =	vst v63  }
0x41: {  	s22 =	sadd.s32 $0xEA6, s31  }
0x42: {  	[tilespmem:s13], [sflag:$0x2] =	stream.linear.gather [hbm4b:s22+s7], $0x2710, $0x38;
	[tilespmem:$0x1AE60] =	vst v63  }
0x43: {  	_ =	swait.ge [sflag:s15], $0x2710  }
0x44: {  	[sflag:s15] =	ssyncset.done $0x0  }
0x45: {  	[sflag:s15] =	ssyncadd.s32 $0xFFFFD8F0  }
0x46: {  	_ =	swait.ge [sflag:s15], $0x2710  }
0x47: {  	[sflag:s15] =	ssyncset.done $0x0  }
0x48: {  	[sflag:s15] =	ssyncadd.s32 $0xFFFFD8F0  }
0x49: {  	[tilespmem:s16], [sflag:$0x4] =	stream.indirect.gather [spmem:s6], $0x1, s12, s9, $0xb8;
	[tilespmem:$0x1AE60] =	vst v63  }
0x4a: {  	_ =	swait.ge [sflag:s17], $0x2710  }
0x4b: {  	[sflag:s17] =	ssyncset.done $0x0  }
0x4c: {  	[sflag:s17] =	ssyncadd.s32 $0xFFFFD8F0  }
0x4d: {  	[spmem:s2] =	stream.indirect.scatter.add.f32 [tilespmem:s11], [sflag:$0x5], $0x1, s9, s9, $0xb8;
	[tilespmem:$0x1AE60] =	vst v63  }
0x4e: {  	p0 =	seq.s32 s21, $0x17318;
	_ =	swait.ge [sflag:s8], $0x2710  }
0x4f: {  	s22 =	sadd.s32 @!p0 s21, s19;
	[sflag:s8] =	ssyncset.done $0x0  }
0x50: {  	s23 =	simm.s32 @!p0 $0x0;
	s22 =	sadd.s32 @!p0 $0x1388, s22;
	[sflag:s8] =	ssyncadd.s32 $0xFFFFD8F0  }
0x51: {  	[tilespmem:s23], [sflag:$0x1] =	stream.linear.gather @!p0 [hbm4b:s22+s23], $0x2710, $0x38;
	[tilespmem:$0x1AE60] =	vst v63  }
0x52: {  	s22 =	sadd.s32 @!p0 s21, s18;
	s21 =	sadd.s32 @!p0 $0x9C4, s21  }
0x53: {  	s24 =	simm.s32 @!p0 $0x2710;
	s22 =	sadd.s32 @!p0 $0x1388, s22;
	p1 =	sne.s32 @!p0 s21, $0x17CDC  }
0x54: {  	[tilespmem:s24], [sflag:$0x1] =	stream.linear.gather @!p0 [hbm4b:s22+s23], $0x2710, $0x38;
	[tilespmem:$0x1AE60] =	vst v63  }
0x55: {  	p0 =	por p0, !p1  }
.Ltmp0:
0x56: {  	_ = 	snop;
	(pc) =	sbr.rel @!p0 .LBB2_1-.Ltmp0, $1  }
0x57: {  	_ =	sdelay $0x3  }
0x58: {  	s6 =	simm.s32 $0x4  }
0x59: {  	_ =	swait.ge [sflag:s6], $0x2710  }
0x5a: {  	s30 =	simm.s32 $0x2710;
	s7 =	simm.s32 $0x7530;
	[sflag:s6] =	ssyncset.done $0x0  }
0x5b: {  	s8 =	simm.s32 $0xC350;
	s31 =	simm.s32 $0x5;
	[sflag:s6] =	ssyncadd.s32 $0xFFFFD8F0  }
0x5c: {  	[spmem:s2] =	stream.indirect.scatter.add.f32 [tilespmem:s8], [sflag:$0x5], $0x1, s7, s30, $0xb8;
	[tilespmem:$0x1AE60] =	vst v63  }
0x5d: {  	_ =	swait.ge [sflag:s31], $0x2710  }
0x5e: {  	[sflag:s31] =	ssyncset.done $0x0  }
0x5f: {  	[sflag:s31] =	ssyncadd.s32 $0xFFFFD8F0  }
0x60: {  	s3 =	sadd.s32 s14, s3;
	[bflag:$0x0] =	sbarrier.arrive $0xFFFF  }
0x61: {  	[hbm:s3], [sflag:s4] =	dma.local [spmem:s5], $0xC40  }
0x62: {  	_ =	swait.ge [sflag:s31], $0xC40  }
0x63: {  	[sflag:s31] =	ssyncset.done $0x0  }
0x64: {  	[sflag:s31] =	ssyncadd.s32 $0xFFFFF3C0  }
0x65: {  	_ =	sfence.sel $0x180000  }
0x66: {  	[bflag:$0x0] =	sbarrier.arrive $0xFFFF  }
0x67: {  	p0 =	sne.s32 s1, $0x0;
	_ =	strace $0x90000053  }
0x68: {  	s0 =	sadd.s32 @!p0 $0x100000, s0;
	[bflag:$0x2] =	sbarrier.arrive $0xFFFF  }
0x69: {  	[sflag:s0] =	ssyncadd.tile.s32 @!p0 $0x1;
	_ =	shalt  }
.Lfunc_end2:
_tile_overlayer_lowered:
.L_overlay_start_2:
0x6a: {  	(tag) =	ssettag $0x2  }
0x6b: {  	s0 =	rddreg [dreg:$0x0];
	s2 =	stileid.u32  }
0x6c: {  	s1 =	rddreg [dreg:$0x1];
	p0 =	sne.s32 s2, $0x0  }
0x6d: {  	s3 =	rddreg [dreg:$0x2];
	[bflag:$0x3] =	sbarrier.arrive $0xFFFF;
	s2 =	simm.s32 @!p0 $0x1C05  }
0x6e: {  	[timem:s3], [sflag:s2] =	dma.local @!p0 [hbm:s0], s1  }
0x6f: {  	s0 =	simm.s32 @!p0 $0x5  }
0x70: {  	_ =	swait.ge @!p0 [sflag:s0], s1  }
0x71: {  	s1 =	ssub.s32 @!p0 $0x0, s1;
	[sflag:s0] =	ssyncset.done @!p0 $0x0  }
0x72: {  	[sflag:s0] =	ssyncadd.s32 @!p0 s1  }
0x73: {  	[bflag:$0x3] =	sbarrier.arrive $0xFFFF  }
0x74: {  	_ =	shalt  }

</sc_bundles>
